<compile_context>
chip_gen: v7x
topology: tpu7x:2x2x1
jax: 0.10.2.dev20260603
libtpu: 0.0.44.dev20260713+nightly
codegen_flags: <defaults>
</compile_context>

<pallas_src>
import functools

import jax
import jax.numpy as jnp
from jax import lax
from jax.experimental import pallas as pl
from jax.experimental.pallas import tpu as pltpu
from jax.experimental.pallas import tpu_sc as plsc

N = 10000
E = 320000
D = 128

NC = 2
NS = 16
NW = NC * NS
EB = 125
NBLK = E // EB
BPT = NBLK // NW
CHUNK = 40
NRING = 2
ROWS_PER_TILE = 624
REM_ROWS = N - NS * ROWS_PER_TILE
ZC = 120

_sc_mesh = plsc.VectorSubcoreMesh(
    core_axis_name="c", subcore_axis_name="s", num_cores=NC, num_subcores=NS)


@functools.partial(
    pl.kernel,
    out_type=jax.ShapeDtypeStruct((2 * N, D), jnp.float32),
    mesh=_sc_mesh,
    scratch_types=[
        pltpu.VMEM_SHARED((N, D), jnp.float32),
        pltpu.VMEM((CHUNK, EB), jnp.int32),
        pltpu.VMEM((CHUNK, EB), jnp.int32),
        pltpu.VMEM((NRING, EB, D), jnp.float32),
        pltpu.SemaphoreType.DMA,
        pltpu.SemaphoreType.DMA,
    ],
)
def _segsum_sc(x_hbm, ei_hbm, out_hbm, acc, sidx, didx, rows, g0, g1):
    cid = lax.axis_index("c")
    sid = lax.axis_index("s")
    wid = sid * NC + cid
    gsems = (g0, g1)
    blk0 = wid * BPT
    r0 = sid * ROWS_PER_TILE

    @pl.when(cid == 0)
    def _init_x():
        pltpu.sync_copy(x_hbm.at[pl.ds(r0, ROWS_PER_TILE)],
                        acc.at[pl.ds(r0, ROWS_PER_TILE)])

        @pl.when(sid == NS - 1)
        def _init_rem():
            pltpu.sync_copy(x_hbm.at[pl.ds(NS * ROWS_PER_TILE, REM_ROWS)],
                            acc.at[pl.ds(NS * ROWS_PER_TILE, REM_ROWS)])

    @pl.when(cid == 1)
    def _init_zero():
        def _zrow(k, carry):
            i = k // (D // 16)
            j = k - i * (D // 16)
            rows[0, i, pl.ds(j * 16, 16)] = jnp.zeros((16,), jnp.float32)
            return carry
        lax.fori_loop(0, ZC * (D // 16), _zrow, 0)
        z0 = rows.at[0]
        for k in range(ROWS_PER_TILE // ZC):
            pltpu.sync_copy(z0.at[pl.ds(0, ZC)],
                            acc.at[pl.ds(r0 + k * ZC, ZC)])
        pltpu.sync_copy(z0.at[pl.ds(0, ROWS_PER_TILE - 5 * ZC)],
                        acc.at[pl.ds(r0 + 5 * ZC, ROWS_PER_TILE - 5 * ZC)])

        @pl.when(sid == NS - 1)
        def _zero_rem():
            pltpu.sync_copy(z0.at[pl.ds(0, REM_ROWS)],
                            acc.at[pl.ds(NS * ROWS_PER_TILE, REM_ROWS)])

    plsc.subcore_barrier()

    for half in range(BPT // CHUNK):
        base = blk0 + half * CHUNK
        pltpu.sync_copy(ei_hbm.at[0, pl.ds(base, CHUNK)], sidx)
        pltpu.sync_copy(ei_hbm.at[1, pl.ds(base, CHUNK)], didx)
        for b in range(NRING):
            pltpu.async_copy(x_hbm.at[sidx.at[b]], rows.at[b], gsems[b])

        def _pair(p, carry):
            for b in range(NRING):
                j = p * NRING + b
                pltpu.make_async_copy(x_hbm.at[sidx.at[j]], rows.at[b],
                                      gsems[b]).wait()
                pltpu.sync_copy(rows.at[b], acc.at[didx.at[j]], add=True)
                pltpu.async_copy(x_hbm.at[sidx.at[j + NRING]], rows.at[b],
                                 gsems[b])
            return carry
        lax.fori_loop(0, CHUNK // NRING - 1, _pair, 0)
        for b in range(NRING):
            j = CHUNK - NRING + b
            pltpu.make_async_copy(x_hbm.at[sidx.at[j]], rows.at[b],
                                  gsems[b]).wait()
            pltpu.sync_copy(rows.at[b], acc.at[didx.at[j]], add=True)

    plsc.subcore_barrier()

    pltpu.sync_copy(acc.at[pl.ds(r0, ROWS_PER_TILE)],
                    out_hbm.at[pl.ds(cid * N + r0, ROWS_PER_TILE)])

    @pl.when(sid == NS - 1)
    def _pub_rem():
        pltpu.sync_copy(acc.at[pl.ds(NS * ROWS_PER_TILE, REM_ROWS)],
                        out_hbm.at[pl.ds(cid * N + NS * ROWS_PER_TILE,
                                         REM_ROWS)])


def _mlp_body(with_post_bn, p_ref, w1_ref, b1_ref, g1_ref, be1_ref,
              w2_ref, b2_ref, g3_ref, be3_ref, o_ref):
    u = p_ref[0:N, :] + p_ref[N:2 * N, :]
    t = jnp.dot(u, w1_ref[...], preferred_element_type=jnp.float32)
    t = t + b1_ref[...]
    mean = jnp.mean(t, axis=0, keepdims=True)
    var = jnp.mean((t - mean) ** 2, axis=0, keepdims=True)
    t = (t - mean) / jnp.sqrt(var + 1e-5) * g1_ref[...] + be1_ref[...]
    t = jnp.maximum(t, 0.0)
    t = jnp.dot(t, w2_ref[...], preferred_element_type=jnp.float32)
    t = t + b2_ref[...]
    if with_post_bn:
        mean = jnp.mean(t, axis=0, keepdims=True)
        var = jnp.mean((t - mean) ** 2, axis=0, keepdims=True)
        t = (t - mean) / jnp.sqrt(var + 1e-5) * g3_ref[...] + be3_ref[...]
        t = jnp.maximum(t, 0.0)
    o_ref[...] = t


def _mlp_tc(parts, w1, b1, g1, be1, w2, b2, g3, be3, with_post_bn):
    r2 = lambda v: v.reshape(1, D)
    return pl.pallas_call(
        functools.partial(_mlp_body, with_post_bn),
        out_shape=jax.ShapeDtypeStruct((N, D), jnp.float32),
    )(parts, w1, r2(b1), r2(g1), r2(be1), w2, r2(b2), r2(g3), r2(be3))


def kernel(x, edge_index, w0_1, b0_1, g0_1, be0_1, w0_2, b0_2, g0_3, be0_3,
           w1_1, b1_1, g1_1, be1_1, w1_2, b1_2):
    ei = edge_index.reshape(2, NBLK, EB)
    parts0 = _segsum_sc(x, ei)
    h = _mlp_tc(parts0, w0_1, b0_1, g0_1, be0_1, w0_2, b0_2, g0_3, be0_3,
                with_post_bn=True)
    parts1 = _segsum_sc(h, ei)
    out = _mlp_tc(parts1, w1_1, b1_1, g1_1, be1_1, w1_2, b1_2, g1_1, be1_1,
                  with_post_bn=False)
    return out

# --- scband reference (transcript-rebuilt; emitter-appended) ---
"""Pipeline reference for scband-gin-30520037605492 (READ-ONLY COPY).

The authoritative reference and input builder live on the scoring server;
editing this copy changes nothing except your own understanding.
"""

import jax, jax.numpy as jnp
import numpy as np

N = 10000
E = 320000
D = 128


def _bn(h, g, b):
    mean = jnp.mean(h, axis=0)
    var = jnp.var(h, axis=0)
    return (h - mean) / jnp.sqrt(var + 1e-5) * g + b


def setup_inputs(seed: int = 0) -> dict:
    key = jax.random.key(seed)
    ks = jax.random.split(key, 20)
    s = 1.0 / np.sqrt(D)
    inp = {}
    inp['x'] = jax.random.normal(ks[0], (N, D), dtype=jnp.float32)
    inp['edge_index'] = jax.random.randint(ks[1], (2, E), 0, N, dtype=jnp.int32)
    # layer 0: GINConv -> MLP(2): lin, bn, relu, lin ; then ApplyNodeFunc: bn, relu
    inp['w0_1'] = jax.random.uniform(ks[2], (D, D), jnp.float32, -s, s)
    inp['b0_1'] = jax.random.uniform(ks[3], (D,), jnp.float32, -s, s)
    inp['g0_1'] = jnp.ones((D,), jnp.float32)
    inp['be0_1'] = jnp.zeros((D,), jnp.float32)
    inp['w0_2'] = jax.random.uniform(ks[4], (D, D), jnp.float32, -s, s)
    inp['b0_2'] = jax.random.uniform(ks[5], (D,), jnp.float32, -s, s)
    inp['g0_3'] = jnp.ones((D,), jnp.float32)
    inp['be0_3'] = jnp.zeros((D,), jnp.float32)
    # layer 1 (last, encoding=False): GINConv -> plain MLP(2): lin, bn, relu, lin
    inp['w1_1'] = jax.random.uniform(ks[6], (D, D), jnp.float32, -s, s)
    inp['b1_1'] = jax.random.uniform(ks[7], (D,), jnp.float32, -s, s)
    inp['g1_1'] = jnp.ones((D,), jnp.float32)
    inp['be1_1'] = jnp.zeros((D,), jnp.float32)
    inp['w1_2'] = jax.random.uniform(ks[8], (D, D), jnp.float32, -s, s)
    inp['b1_2'] = jax.random.uniform(ks[9], (D,), jnp.float32, -s, s)
    return inp


def reference(x, edge_index, w0_1, b0_1, g0_1, be0_1, w0_2, b0_2, g0_3, be0_3,
              w1_1, b1_1, g1_1, be1_1, w1_2, b1_2):
    src = edge_index[0]
    dst = edge_index[1]
    eps = 0.0
    # dropout p=0.0 -> identity
    # ---- conv 0 ----
    neigh = jax.ops.segment_sum(x[src], dst, num_segments=N)
    out = (1.0 + eps) * x + neigh
    t = out @ w0_1 + b0_1
    t = _bn(t, g0_1, be0_1)
    t = jax.nn.relu(t)
    t = t @ w0_2 + b0_2
    # ApplyNodeFunc: norm + act
    t = _bn(t, g0_3, be0_3)
    h = jax.nn.relu(t)
    # ---- conv 1 (last) ----
    neigh = jax.ops.segment_sum(h[src], dst, num_segments=N)
    out = (1.0 + eps) * h + neigh
    t = out @ w1_1 + b1_1
    t = _bn(t, g1_1, be1_1)
    t = jax.nn.relu(t)
    t = t @ w1_2 + b1_2
    return t

if __name__ == "__main__":
    import jax
    _d = setup_inputs()
    print(jax.jit(kernel)(*tuple(_d.values())))

</pallas_src>

<mosaic_0001>
#map = affine_map<(d0, d1) -> (0, 0)>
#map1 = affine_map<(d0, d1) -> (0, 0, 0)>
module attributes {stable_mosaic.version = 14 : i64} {
  func.func @_segsum_sc(%arg0: i32, %arg1: i32, %arg2: memref<10000x128xf32, #tpu.memory_space<hbm>>, %arg3: memref<2x2560x125xi32, #tpu.memory_space<hbm>>, %arg4: memref<20000x128xf32, #tpu.memory_space<hbm>>, %arg5: memref<10000x128xf32, #tpu.memory_space<vmem_shared>>, %arg6: memref<40x125xi32, #tpu.memory_space<vmem>>, %arg7: memref<40x125xi32, #tpu.memory_space<vmem>>, %arg8: memref<2x125x128xf32, #tpu.memory_space<vmem>>, %arg9: memref<!tpu.dma_semaphore, #tpu.memory_space<semaphore_mem>>, %arg10: memref<!tpu.dma_semaphore, #tpu.memory_space<semaphore_mem>>) attributes {dimension_semantics = [#tpu.dimension_semantics<core_parallel>, #tpu.dimension_semantics<subcore_parallel>], iteration_bounds = array<i64: 2, 16>, scalar_prefetch = 0 : i64, scratch_operands = 6 : i64, tpu.core_type = #tpu.core_type<sc_vector_subcore>, window_params = [{transform_indices = #map}, {transform_indices = #map1}, {transform_indices = #map}]} {
    %mul3A = arith.constant 2 : i32
    %mul3A_0 = arith.muli %arg1, %mul3A : i32
    %add3A = arith.addi %mul3A_0, %arg0 : i32
    %mul3A_1 = arith.constant 80 : i32
    %mul3A_2 = arith.muli %add3A, %mul3A_1 : i32
    %mul3A_3 = arith.constant 624 : i32
    %mul3A_4 = arith.muli %arg1, %mul3A_3 : i32
    %eq3A = arith.constant 0 : i32
    %eq3A_5 = arith.cmpi eq, %arg0, %eq3A : i32
    %convert_element_type3A = arith.extui %eq3A_5 : i1 to i32
    %cond3A = arith.constant 0 : i32
    %cond3A_6 = arith.cmpi ne, %convert_element_type3A, %cond3A : i32
    scf.if %cond3A_6 {
      "tpu.region"() ({
        %run_scoped3A_146 = tpu.sem_alloc : memref<!tpu.dma_semaphore, #tpu.memory_space<semaphore_mem>>
        %dma_start3A_147 = arith.constant 0 : i32
        %dma_start3A_148 = tpu.memref_slice %arg5[%mul3A_4, %dma_start3A_147] : memref<10000x128xf32, #tpu.memory_space<vmem_shared>> -> memref<624x128xf32, #tpu.memory_space<vmem_shared>>
        %dma_start3A_149 = arith.constant 0 : i32
        %dma_start3A_150 = tpu.memref_slice %arg2[%mul3A_4, %dma_start3A_149] : memref<10000x128xf32, #tpu.memory_space<hbm>> -> memref<624x128xf32, #tpu.memory_space<hbm>>
        tpu.enqueue_dma source(%dma_start3A_150 : memref<624x128xf32, #tpu.memory_space<hbm>>) target(%dma_start3A_148 : memref<624x128xf32, #tpu.memory_space<vmem_shared>>) target_semaphore(%run_scoped3A_146 : memref<!tpu.dma_semaphore, #tpu.memory_space<semaphore_mem>>)
        %dma_wait3A_151 = arith.constant 0 : i32
        %dma_wait3A_152 = tpu.memref_slice %arg5[%mul3A_4, %dma_wait3A_151] : memref<10000x128xf32, #tpu.memory_space<vmem_shared>> -> memref<624x128xf32, #tpu.memory_space<vmem_shared>>
        %dma_wait3A_153 = arith.constant 0 : i32
        %dma_wait3A_154 = tpu.memref_slice %arg2[%mul3A_4, %dma_wait3A_153] : memref<10000x128xf32, #tpu.memory_space<hbm>> -> memref<624x128xf32, #tpu.memory_space<hbm>>
        tpu.wait_dma2 semaphore(%run_scoped3A_146 : memref<!tpu.dma_semaphore, #tpu.memory_space<semaphore_mem>>) src(%dma_wait3A_154 : memref<624x128xf32, #tpu.memory_space<hbm>>) dst(%dma_wait3A_152 : memref<624x128xf32, #tpu.memory_space<vmem_shared>>)
        tpu.yield
      }) : () -> ()
      %eq3A_141 = arith.constant 15 : i32
      %eq3A_142 = arith.cmpi eq, %arg1, %eq3A_141 : i32
      %convert_element_type3A_143 = arith.extui %eq3A_142 : i1 to i32
      %cond3A_144 = arith.constant 0 : i32
      %cond3A_145 = arith.cmpi ne, %convert_element_type3A_143, %cond3A_144 : i32
      scf.if %cond3A_145 {
        "tpu.region"() ({
          %run_scoped3A_146 = tpu.sem_alloc : memref<!tpu.dma_semaphore, #tpu.memory_space<semaphore_mem>>
          %dma_start3A_147 = arith.constant 9984 : i32
          %dma_start3A_148 = arith.constant 0 : i32
          %dma_start3A_149 = tpu.memref_slice %arg5[%dma_start3A_147, %dma_start3A_148] : memref<10000x128xf32, #tpu.memory_space<vmem_shared>> -> memref<16x128xf32, #tpu.memory_space<vmem_shared>>
          %dma_start3A_150 = arith.constant 9984 : i32
          %dma_start3A_151 = arith.constant 0 : i32
          %dma_start3A_152 = tpu.memref_slice %arg2[%dma_start3A_150, %dma_start3A_151] : memref<10000x128xf32, #tpu.memory_space<hbm>> -> memref<16x128xf32, #tpu.memory_space<hbm>>
          tpu.enqueue_dma source(%dma_start3A_152 : memref<16x128xf32, #tpu.memory_space<hbm>>) target(%dma_start3A_149 : memref<16x128xf32, #tpu.memory_space<vmem_shared>>) target_semaphore(%run_scoped3A_146 : memref<!tpu.dma_semaphore, #tpu.memory_space<semaphore_mem>>)
          %dma_wait3A_153 = arith.constant 9984 : i32
          %dma_wait3A_154 = arith.constant 0 : i32
          %dma_wait3A_155 = tpu.memref_slice %arg5[%dma_wait3A_153, %dma_wait3A_154] : memref<10000x128xf32, #tpu.memory_space<vmem_shared>> -> memref<16x128xf32, #tpu.memory_space<vmem_shared>>
          %dma_wait3A_156 = arith.constant 9984 : i32
          %dma_wait3A_157 = arith.constant 0 : i32
          %dma_wait3A_158 = tpu.memref_slice %arg2[%dma_wait3A_156, %dma_wait3A_157] : memref<10000x128xf32, #tpu.memory_space<hbm>> -> memref<16x128xf32, #tpu.memory_space<hbm>>
          tpu.wait_dma2 semaphore(%run_scoped3A_146 : memref<!tpu.dma_semaphore, #tpu.memory_space<semaphore_mem>>) src(%dma_wait3A_158 : memref<16x128xf32, #tpu.memory_space<hbm>>) dst(%dma_wait3A_155 : memref<16x128xf32, #tpu.memory_space<vmem_shared>>)
          tpu.yield
        }) : () -> ()
      } else {
      }
    } else {
    }
    %eq3A_7 = arith.constant 1 : i32
    %eq3A_8 = arith.cmpi eq, %arg0, %eq3A_7 : i32
    %convert_element_type3A_9 = arith.extui %eq3A_8 : i1 to i32
    %cond3A_10 = arith.constant 0 : i32
    %cond3A_11 = arith.cmpi ne, %convert_element_type3A_9, %cond3A_10 : i32
    scf.if %cond3A_11 {
      %scan3A_141 = arith.constant 0 : i32
      %scan3A_142 = arith.constant 0 : i32
      %scan3A_143 = arith.constant 960 : i32
      %scan3A_144 = arith.addi %scan3A_142, %scan3A_143 : i32
      %scan3A_145 = arith.constant 1 : i32
      scf.for %scan3A_171 = %scan3A_142 to %scan3A_144 step %scan3A_145  : i32 {
        %jit3A = arith.constant 8 : i32
        %div3A = arith.divsi %scan3A_171, %jit3A : i32
        %sign3A = arith.constant 0 : i32
        %sign3A_172 = arith.cmpi sgt, %scan3A_171, %sign3A : i32
        %sign3A_173 = arith.extui %sign3A_172 : i1 to i32
        %sign3A_174 = arith.constant 0 : i32
        %sign3A_175 = arith.cmpi slt, %scan3A_171, %sign3A_174 : i32
        %sign3A_176 = arith.extui %sign3A_175 : i1 to i32
        %sign3A_177 = arith.subi %sign3A_173, %sign3A_176 : i32
        %sign3A_178 = arith.constant 0 : i32
        %sign3A_179 = arith.cmpi sgt, %jit3A, %sign3A_178 : i32
        %sign3A_180 = arith.extui %sign3A_179 : i1 to i32
        %sign3A_181 = arith.constant 0 : i32
        %sign3A_182 = arith.cmpi slt, %jit3A, %sign3A_181 : i32
        %sign3A_183 = arith.extui %sign3A_182 : i1 to i32
        %sign3A_184 = arith.subi %sign3A_180, %sign3A_183 : i32
        %ne3A = arith.cmpi ne, %sign3A_177, %sign3A_184 : i32
        %rem3A = arith.remsi %scan3A_171, %jit3A : i32
        %ne3A_185 = arith.constant 0 : i32
        %ne3A_186 = arith.cmpi ne, %rem3A, %ne3A_185 : i32
        %and3A = arith.andi %ne3A, %ne3A_186 : i1
        %sub3A = arith.constant 1 : i32
        %sub3A_187 = arith.subi %div3A, %sub3A : i32
        %select_n3A = arith.select %and3A, %sub3A_187, %div3A : i32
        %mul3A_188 = arith.constant 8 : i32
        %mul3A_189 = arith.muli %select_n3A, %mul3A_188 : i32
        %sub3A_190 = arith.subi %scan3A_171, %mul3A_189 : i32
        %broadcast_in_dim3A = arith.constant 0.000000e+00 : f32
        %broadcast_in_dim3A_191 = vector.broadcast %broadcast_in_dim3A : f32 to vector<16xf32>
        %mul3A_192 = arith.constant 16 : i32
        %mul3A_193 = arith.muli %sub3A_190, %mul3A_192 : i32
        %swap3A = arith.constant 0 : i32
        %swap3A_194 = arith.index_cast %swap3A : i32 to index
        %swap3A_195 = arith.index_cast %select_n3A : i32 to index
        %swap3A_196 = arith.index_cast %mul3A_193 : i32 to index
        %swap3A_197 = tpu.vector_load %arg8[%swap3A_194, %swap3A_195, %swap3A_196] {strides = array<i32>} : memref<2x125x128xf32, #tpu.memory_space<vmem>>, vector<1x1x16xf32>,
        %swap3A_198 = vector.shape_cast %swap3A_197 : vector<1x1x16xf32> to vector<16xf32>
        %swap3A_199 = vector.shape_cast %broadcast_in_dim3A_191 : vector<16xf32> to vector<1x1x16xf32>
        tpu.vector_store %arg8[%swap3A_194, %swap3A_195, %swap3A_196], %swap3A_199 {strides = array<i32>} : memref<2x125x128xf32, #tpu.memory_space<vmem>>, vector<1x1x16xf32>,
      }
      %scan3A_146 = arith.constant 960 : i32
      %add3A_147 = arith.constant 0 : i32
      %add3A_148 = arith.addi %mul3A_4, %add3A_147 : i32
      %run_scoped3A_149 = arith.constant 0 : i32
      "tpu.region"() ({
        %run_scoped3A_171 = tpu.sem_alloc : memref<!tpu.dma_semaphore, #tpu.memory_space<semaphore_mem>>
        %dma_start3A_172 = arith.constant 0 : i32
        %dma_start3A_173 = arith.constant 0 : i32
        %dma_start3A_174 = tpu.memref_slice %arg8[%run_scoped3A_149, %dma_start3A_172, %dma_start3A_173] : memref<2x125x128xf32, #tpu.memory_space<vmem>> -> memref<1x125x128xf32, #tpu.memory_space<vmem>>
        %dma_start3A_175 = tpu.memref_squeeze %dma_start3A_174 : memref<1x125x128xf32, #tpu.memory_space<vmem>> -> memref<125x128xf32, #tpu.memory_space<vmem>>
        %dma_start3A_176 = arith.constant 0 : i32
        %dma_start3A_177 = arith.constant 0 : i32
        %dma_start3A_178 = tpu.memref_slice %dma_start3A_175[%dma_start3A_176, %dma_start3A_177] : memref<125x128xf32, #tpu.memory_space<vmem>> -> memref<120x128xf32, #tpu.memory_space<vmem>>
        %dma_start3A_179 = arith.constant 0 : i32
        %dma_start3A_180 = tpu.memref_slice %arg5[%add3A_148, %dma_start3A_179] : memref<10000x128xf32, #tpu.memory_space<vmem_shared>> -> memref<120x128xf32, #tpu.memory_space<vmem_shared>>
        %dma_start3A_181 = arith.constant 0 : i32
        %dma_start3A_182 = tpu.memref_slice %arg5[%add3A_148, %dma_start3A_181] : memref<10000x128xf32, #tpu.memory_space<vmem_shared>> -> memref<120x128xf32, #tpu.memory_space<vmem_shared>>
        %dma_start3A_183 = arith.constant 0 : i32
        %dma_start3A_184 = arith.constant 0 : i32
        %dma_start3A_185 = tpu.memref_slice %arg8[%run_scoped3A_149, %dma_start3A_183, %dma_start3A_184] : memref<2x125x128xf32, #tpu.memory_space<vmem>> -> memref<1x125x128xf32, #tpu.memory_space<vmem>>
        %dma_start3A_186 = tpu.memref_squeeze %dma_start3A_185 : memref<1x125x128xf32, #tpu.memory_space<vmem>> -> memref<125x128xf32, #tpu.memory_space<vmem>>
        %dma_start3A_187 = arith.constant 0 : i32
        %dma_start3A_188 = arith.constant 0 : i32
        %dma_start3A_189 = tpu.memref_slice %dma_start3A_186[%dma_start3A_187, %dma_start3A_188] : memref<125x128xf32, #tpu.memory_space<vmem>> -> memref<120x128xf32, #tpu.memory_space<vmem>>
        tpu.enqueue_dma source(%dma_start3A_189 : memref<120x128xf32, #tpu.memory_space<vmem>>) target(%dma_start3A_182 : memref<120x128xf32, #tpu.memory_space<vmem_shared>>) target_semaphore(%run_scoped3A_171 : memref<!tpu.dma_semaphore, #tpu.memory_space<semaphore_mem>>)
        %dma_wait3A_190 = arith.constant 0 : i32
        %dma_wait3A_191 = arith.constant 0 : i32
        %dma_wait3A_192 = tpu.memref_slice %arg8[%run_scoped3A_149, %dma_wait3A_190, %dma_wait3A_191] : memref<2x125x128xf32, #tpu.memory_space<vmem>> -> memref<1x125x128xf32, #tpu.memory_space<vmem>>
        %dma_wait3A_193 = tpu.memref_squeeze %dma_wait3A_192 : memref<1x125x128xf32, #tpu.memory_space<vmem>> -> memref<125x128xf32, #tpu.memory_space<vmem>>
        %dma_wait3A_194 = arith.constant 0 : i32
        %dma_wait3A_195 = arith.constant 0 : i32
        %dma_wait3A_196 = tpu.memref_slice %dma_wait3A_193[%dma_wait3A_194, %dma_wait3A_195] : memref<125x128xf32, #tpu.memory_space<vmem>> -> memref<120x128xf32, #tpu.memory_space<vmem>>
        %dma_wait3A_197 = arith.constant 0 : i32
        %dma_wait3A_198 = tpu.memref_slice %arg5[%add3A_148, %dma_wait3A_197] : memref<10000x128xf32, #tpu.memory_space<vmem_shared>> -> memref<120x128xf32, #tpu.memory_space<vmem_shared>>
        %dma_wait3A_199 = arith.constant 0 : i32
        %dma_wait3A_200 = tpu.memref_slice %arg5[%add3A_148, %dma_wait3A_199] : memref<10000x128xf32, #tpu.memory_space<vmem_shared>> -> memref<120x128xf32, #tpu.memory_space<vmem_shared>>
        %dma_wait3A_201 = arith.constant 0 : i32
        %dma_wait3A_202 = arith.constant 0 : i32
        %dma_wait3A_203 = tpu.memref_slice %arg8[%run_scoped3A_149, %dma_wait3A_201, %dma_wait3A_202] : memref<2x125x128xf32, #tpu.memory_space<vmem>> -> memref<1x125x128xf32, #tpu.memory_space<vmem>>
        %dma_wait3A_204 = tpu.memref_squeeze %dma_wait3A_203 : memref<1x125x128xf32, #tpu.memory_space<vmem>> -> memref<125x128xf32, #tpu.memory_space<vmem>>
        %dma_wait3A_205 = arith.constant 0 : i32
        %dma_wait3A_206 = arith.constant 0 : i32
        %dma_wait3A_207 = tpu.memref_slice %dma_wait3A_204[%dma_wait3A_205, %dma_wait3A_206] : memref<125x128xf32, #tpu.memory_space<vmem>> -> memref<120x128xf32, #tpu.memory_space<vmem>>
        tpu.wait_dma2 semaphore(%run_scoped3A_171 : memref<!tpu.dma_semaphore, #tpu.memory_space<semaphore_mem>>) src(%dma_wait3A_207 : memref<120x128xf32, #tpu.memory_space<vmem>>) dst(%dma_wait3A_200 : memref<120x128xf32, #tpu.memory_space<vmem_shared>>)
        tpu.yield
      }) : () -> ()
      %add3A_150 = arith.constant 120 : i32
      %add3A_151 = arith.addi %mul3A_4, %add3A_150 : i32
      %run_scoped3A_152 = arith.constant 0 : i32
      "tpu.region"() ({
        %run_scoped3A_171 = tpu.sem_alloc : memref<!tpu.dma_semaphore, #tpu.memory_space<semaphore_mem>>
        %dma_start3A_172 = arith.constant 0 : i32
        %dma_start3A_173 = arith.constant 0 : i32
        %dma_start3A_174 = tpu.memref_slice %arg8[%run_scoped3A_152, %dma_start3A_172, %dma_start3A_173] : memref<2x125x128xf32, #tpu.memory_space<vmem>> -> memref<1x125x128xf32, #tpu.memory_space<vmem>>
        %dma_start3A_175 = tpu.memref_squeeze %dma_start3A_174 : memref<1x125x128xf32, #tpu.memory_space<vmem>> -> memref<125x128xf32, #tpu.memory_space<vmem>>
        %dma_start3A_176 = arith.constant 0 : i32
        %dma_start3A_177 = arith.constant 0 : i32
        %dma_start3A_178 = tpu.memref_slice %dma_start3A_175[%dma_start3A_176, %dma_start3A_177] : memref<125x128xf32, #tpu.memory_space<vmem>> -> memref<120x128xf32, #tpu.memory_space<vmem>>
        %dma_start3A_179 = arith.constant 0 : i32
        %dma_start3A_180 = tpu.memref_slice %arg5[%add3A_151, %dma_start3A_179] : memref<10000x128xf32, #tpu.memory_space<vmem_shared>> -> memref<120x128xf32, #tpu.memory_space<vmem_shared>>
        %dma_start3A_181 = arith.constant 0 : i32
        %dma_start3A_182 = tpu.memref_slice %arg5[%add3A_151, %dma_start3A_181] : memref<10000x128xf32, #tpu.memory_space<vmem_shared>> -> memref<120x128xf32, #tpu.memory_space<vmem_shared>>
        %dma_start3A_183 = arith.constant 0 : i32
        %dma_start3A_184 = arith.constant 0 : i32
        %dma_start3A_185 = tpu.memref_slice %arg8[%run_scoped3A_152, %dma_start3A_183, %dma_start3A_184] : memref<2x125x128xf32, #tpu.memory_space<vmem>> -> memref<1x125x128xf32, #tpu.memory_space<vmem>>
        %dma_start3A_186 = tpu.memref_squeeze %dma_start3A_185 : memref<1x125x128xf32, #tpu.memory_space<vmem>> -> memref<125x128xf32, #tpu.memory_space<vmem>>
        %dma_start3A_187 = arith.constant 0 : i32
        %dma_start3A_188 = arith.constant 0 : i32
        %dma_start3A_189 = tpu.memref_slice %dma_start3A_186[%dma_start3A_187, %dma_start3A_188] : memref<125x128xf32, #tpu.memory_space<vmem>> -> memref<120x128xf32, #tpu.memory_space<vmem>>
        tpu.enqueue_dma source(%dma_start3A_189 : memref<120x128xf32, #tpu.memory_space<vmem>>) target(%dma_start3A_182 : memref<120x128xf32, #tpu.memory_space<vmem_shared>>) target_semaphore(%run_scoped3A_171 : memref<!tpu.dma_semaphore, #tpu.memory_space<semaphore_mem>>)
        %dma_wait3A_190 = arith.constant 0 : i32
        %dma_wait3A_191 = arith.constant 0 : i32
        %dma_wait3A_192 = tpu.memref_slice %arg8[%run_scoped3A_152, %dma_wait3A_190, %dma_wait3A_191] : memref<2x125x128xf32, #tpu.memory_space<vmem>> -> memref<1x125x128xf32, #tpu.memory_space<vmem>>
        %dma_wait3A_193 = tpu.memref_squeeze %dma_wait3A_192 : memref<1x125x128xf32, #tpu.memory_space<vmem>> -> memref<125x128xf32, #tpu.memory_space<vmem>>
        %dma_wait3A_194 = arith.constant 0 : i32
        %dma_wait3A_195 = arith.constant 0 : i32
        %dma_wait3A_196 = tpu.memref_slice %dma_wait3A_193[%dma_wait3A_194, %dma_wait3A_195] : memref<125x128xf32, #tpu.memory_space<vmem>> -> memref<120x128xf32, #tpu.memory_space<vmem>>
        %dma_wait3A_197 = arith.constant 0 : i32
        %dma_wait3A_198 = tpu.memref_slice %arg5[%add3A_151, %dma_wait3A_197] : memref<10000x128xf32, #tpu.memory_space<vmem_shared>> -> memref<120x128xf32, #tpu.memory_space<vmem_shared>>
        %dma_wait3A_199 = arith.constant 0 : i32
        %dma_wait3A_200 = tpu.memref_slice %arg5[%add3A_151, %dma_wait3A_199] : memref<10000x128xf32, #tpu.memory_space<vmem_shared>> -> memref<120x128xf32, #tpu.memory_space<vmem_shared>>
        %dma_wait3A_201 = arith.constant 0 : i32
        %dma_wait3A_202 = arith.constant 0 : i32
        %dma_wait3A_203 = tpu.memref_slice %arg8[%run_scoped3A_152, %dma_wait3A_201, %dma_wait3A_202] : memref<2x125x128xf32, #tpu.memory_space<vmem>> -> memref<1x125x128xf32, #tpu.memory_space<vmem>>
        %dma_wait3A_204 = tpu.memref_squeeze %dma_wait3A_203 : memref<1x125x128xf32, #tpu.memory_space<vmem>> -> memref<125x128xf32, #tpu.memory_space<vmem>>
        %dma_wait3A_205 = arith.constant 0 : i32
        %dma_wait3A_206 = arith.constant 0 : i32
        %dma_wait3A_207 = tpu.memref_slice %dma_wait3A_204[%dma_wait3A_205, %dma_wait3A_206] : memref<125x128xf32, #tpu.memory_space<vmem>> -> memref<120x128xf32, #tpu.memory_space<vmem>>
        tpu.wait_dma2 semaphore(%run_scoped3A_171 : memref<!tpu.dma_semaphore, #tpu.memory_space<semaphore_mem>>) src(%dma_wait3A_207 : memref<120x128xf32, #tpu.memory_space<vmem>>) dst(%dma_wait3A_200 : memref<120x128xf32, #tpu.memory_space<vmem_shared>>)
        tpu.yield
      }) : () -> ()
      %add3A_153 = arith.constant 240 : i32
      %add3A_154 = arith.addi %mul3A_4, %add3A_153 : i32
      %run_scoped3A_155 = arith.constant 0 : i32
      "tpu.region"() ({
        %run_scoped3A_171 = tpu.sem_alloc : memref<!tpu.dma_semaphore, #tpu.memory_space<semaphore_mem>>
        %dma_start3A_172 = arith.constant 0 : i32
        %dma_start3A_173 = arith.constant 0 : i32
        %dma_start3A_174 = tpu.memref_slice %arg8[%run_scoped3A_155, %dma_start3A_172, %dma_start3A_173] : memref<2x125x128xf32, #tpu.memory_space<vmem>> -> memref<1x125x128xf32, #tpu.memory_space<vmem>>
        %dma_start3A_175 = tpu.memref_squeeze %dma_start3A_174 : memref<1x125x128xf32, #tpu.memory_space<vmem>> -> memref<125x128xf32, #tpu.memory_space<vmem>>
        %dma_start3A_176 = arith.constant 0 : i32
        %dma_start3A_177 = arith.constant 0 : i32
        %dma_start3A_178 = tpu.memref_slice %dma_start3A_175[%dma_start3A_176, %dma_start3A_177] : memref<125x128xf32, #tpu.memory_space<vmem>> -> memref<120x128xf32, #tpu.memory_space<vmem>>
        %dma_start3A_179 = arith.constant 0 : i32
        %dma_start3A_180 = tpu.memref_slice %arg5[%add3A_154, %dma_start3A_179] : memref<10000x128xf32, #tpu.memory_space<vmem_shared>> -> memref<120x128xf32, #tpu.memory_space<vmem_shared>>
        %dma_start3A_181 = arith.constant 0 : i32
        %dma_start3A_182 = tpu.memref_slice %arg5[%add3A_154, %dma_start3A_181] : memref<10000x128xf32, #tpu.memory_space<vmem_shared>> -> memref<120x128xf32, #tpu.memory_space<vmem_shared>>
        %dma_start3A_183 = arith.constant 0 : i32
        %dma_start3A_184 = arith.constant 0 : i32
        %dma_start3A_185 = tpu.memref_slice %arg8[%run_scoped3A_155, %dma_start3A_183, %dma_start3A_184] : memref<2x125x128xf32, #tpu.memory_space<vmem>> -> memref<1x125x128xf32, #tpu.memory_space<vmem>>
        %dma_start3A_186 = tpu.memref_squeeze %dma_start3A_185 : memref<1x125x128xf32, #tpu.memory_space<vmem>> -> memref<125x128xf32, #tpu.memory_space<vmem>>
        %dma_start3A_187 = arith.constant 0 : i32
        %dma_start3A_188 = arith.constant 0 : i32
        %dma_start3A_189 = tpu.memref_slice %dma_start3A_186[%dma_start3A_187, %dma_start3A_188] : memref<125x128xf32, #tpu.memory_space<vmem>> -> memref<120x128xf32, #tpu.memory_space<vmem>>
        tpu.enqueue_dma source(%dma_start3A_189 : memref<120x128xf32, #tpu.memory_space<vmem>>) target(%dma_start3A_182 : memref<120x128xf32, #tpu.memory_space<vmem_shared>>) target_semaphore(%run_scoped3A_171 : memref<!tpu.dma_semaphore, #tpu.memory_space<semaphore_mem>>)
        %dma_wait3A_190 = arith.constant 0 : i32
        %dma_wait3A_191 = arith.constant 0 : i32
        %dma_wait3A_192 = tpu.memref_slice %arg8[%run_scoped3A_155, %dma_wait3A_190, %dma_wait3A_191] : memref<2x125x128xf32, #tpu.memory_space<vmem>> -> memref<1x125x128xf32, #tpu.memory_space<vmem>>
        %dma_wait3A_193 = tpu.memref_squeeze %dma_wait3A_192 : memref<1x125x128xf32, #tpu.memory_space<vmem>> -> memref<125x128xf32, #tpu.memory_space<vmem>>
        %dma_wait3A_194 = arith.constant 0 : i32
        %dma_wait3A_195 = arith.constant 0 : i32
        %dma_wait3A_196 = tpu.memref_slice %dma_wait3A_193[%dma_wait3A_194, %dma_wait3A_195] : memref<125x128xf32, #tpu.memory_space<vmem>> -> memref<120x128xf32, #tpu.memory_space<vmem>>
        %dma_wait3A_197 = arith.constant 0 : i32
        %dma_wait3A_198 = tpu.memref_slice %arg5[%add3A_154, %dma_wait3A_197] : memref<10000x128xf32, #tpu.memory_space<vmem_shared>> -> memref<120x128xf32, #tpu.memory_space<vmem_shared>>
        %dma_wait3A_199 = arith.constant 0 : i32
        %dma_wait3A_200 = tpu.memref_slice %arg5[%add3A_154, %dma_wait3A_199] : memref<10000x128xf32, #tpu.memory_space<vmem_shared>> -> memref<120x128xf32, #tpu.memory_space<vmem_shared>>
        %dma_wait3A_201 = arith.constant 0 : i32
        %dma_wait3A_202 = arith.constant 0 : i32
        %dma_wait3A_203 = tpu.memref_slice %arg8[%run_scoped3A_155, %dma_wait3A_201, %dma_wait3A_202] : memref<2x125x128xf32, #tpu.memory_space<vmem>> -> memref<1x125x128xf32, #tpu.memory_space<vmem>>
        %dma_wait3A_204 = tpu.memref_squeeze %dma_wait3A_203 : memref<1x125x128xf32, #tpu.memory_space<vmem>> -> memref<125x128xf32, #tpu.memory_space<vmem>>
        %dma_wait3A_205 = arith.constant 0 : i32
        %dma_wait3A_206 = arith.constant 0 : i32
        %dma_wait3A_207 = tpu.memref_slice %dma_wait3A_204[%dma_wait3A_205, %dma_wait3A_206] : memref<125x128xf32, #tpu.memory_space<vmem>> -> memref<120x128xf32, #tpu.memory_space<vmem>>
        tpu.wait_dma2 semaphore(%run_scoped3A_171 : memref<!tpu.dma_semaphore, #tpu.memory_space<semaphore_mem>>) src(%dma_wait3A_207 : memref<120x128xf32, #tpu.memory_space<vmem>>) dst(%dma_wait3A_200 : memref<120x128xf32, #tpu.memory_space<vmem_shared>>)
        tpu.yield
      }) : () -> ()
      %add3A_156 = arith.constant 360 : i32
      %add3A_157 = arith.addi %mul3A_4, %add3A_156 : i32
      %run_scoped3A_158 = arith.constant 0 : i32
      "tpu.region"() ({
        %run_scoped3A_171 = tpu.sem_alloc : memref<!tpu.dma_semaphore, #tpu.memory_space<semaphore_mem>>
        %dma_start3A_172 = arith.constant 0 : i32
        %dma_start3A_173 = arith.constant 0 : i32
        %dma_start3A_174 = tpu.memref_slice %arg8[%run_scoped3A_158, %dma_start3A_172, %dma_start3A_173] : memref<2x125x128xf32, #tpu.memory_space<vmem>> -> memref<1x125x128xf32, #tpu.memory_space<vmem>>
        %dma_start3A_175 = tpu.memref_squeeze %dma_start3A_174 : memref<1x125x128xf32, #tpu.memory_space<vmem>> -> memref<125x128xf32, #tpu.memory_space<vmem>>
        %dma_start3A_176 = arith.constant 0 : i32
        %dma_start3A_177 = arith.constant 0 : i32
        %dma_start3A_178 = tpu.memref_slice %dma_start3A_175[%dma_start3A_176, %dma_start3A_177] : memref<125x128xf32, #tpu.memory_space<vmem>> -> memref<120x128xf32, #tpu.memory_space<vmem>>
        %dma_start3A_179 = arith.constant 0 : i32
        %dma_start3A_180 = tpu.memref_slice %arg5[%add3A_157, %dma_start3A_179] : memref<10000x128xf32, #tpu.memory_space<vmem_shared>> -> memref<120x128xf32, #tpu.memory_space<vmem_shared>>
        %dma_start3A_181 = arith.constant 0 : i32
        %dma_start3A_182 = tpu.memref_slice %arg5[%add3A_157, %dma_start3A_181] : memref<10000x128xf32, #tpu.memory_space<vmem_shared>> -> memref<120x128xf32, #tpu.memory_space<vmem_shared>>
        %dma_start3A_183 = arith.constant 0 : i32
        %dma_start3A_184 = arith.constant 0 : i32
        %dma_start3A_185 = tpu.memref_slice %arg8[%run_scoped3A_158, %dma_start3A_183, %dma_start3A_184] : memref<2x125x128xf32, #tpu.memory_space<vmem>> -> memref<1x125x128xf32, #tpu.memory_space<vmem>>
        %dma_start3A_186 = tpu.memref_squeeze %dma_start3A_185 : memref<1x125x128xf32, #tpu.memory_space<vmem>> -> memref<125x128xf32, #tpu.memory_space<vmem>>
        %dma_start3A_187 = arith.constant 0 : i32
        %dma_start3A_188 = arith.constant 0 : i32
        %dma_start3A_189 = tpu.memref_slice %dma_start3A_186[%dma_start3A_187, %dma_start3A_188] : memref<125x128xf32, #tpu.memory_space<vmem>> -> memref<120x128xf32, #tpu.memory_space<vmem>>
        tpu.enqueue_dma source(%dma_start3A_189 : memref<120x128xf32, #tpu.memory_space<vmem>>) target(%dma_start3A_182 : memref<120x128xf32, #tpu.memory_space<vmem_shared>>) target_semaphore(%run_scoped3A_171 : memref<!tpu.dma_semaphore, #tpu.memory_space<semaphore_mem>>)
        %dma_wait3A_190 = arith.constant 0 : i32
        %dma_wait3A_191 = arith.constant 0 : i32
        %dma_wait3A_192 = tpu.memref_slice %arg8[%run_scoped3A_158, %dma_wait3A_190, %dma_wait3A_191] : memref<2x125x128xf32, #tpu.memory_space<vmem>> -> memref<1x125x128xf32, #tpu.memory_space<vmem>>
        %dma_wait3A_193 = tpu.memref_squeeze %dma_wait3A_192 : memref<1x125x128xf32, #tpu.memory_space<vmem>> -> memref<125x128xf32, #tpu.memory_space<vmem>>
        %dma_wait3A_194 = arith.constant 0 : i32
        %dma_wait3A_195 = arith.constant 0 : i32
        %dma_wait3A_196 = tpu.memref_slice %dma_wait3A_193[%dma_wait3A_194, %dma_wait3A_195] : memref<125x128xf32, #tpu.memory_space<vmem>> -> memref<120x128xf32, #tpu.memory_space<vmem>>
        %dma_wait3A_197 = arith.constant 0 : i32
        %dma_wait3A_198 = tpu.memref_slice %arg5[%add3A_157, %dma_wait3A_197] : memref<10000x128xf32, #tpu.memory_space<vmem_shared>> -> memref<120x128xf32, #tpu.memory_space<vmem_shared>>
        %dma_wait3A_199 = arith.constant 0 : i32
        %dma_wait3A_200 = tpu.memref_slice %arg5[%add3A_157, %dma_wait3A_199] : memref<10000x128xf32, #tpu.memory_space<vmem_shared>> -> memref<120x128xf32, #tpu.memory_space<vmem_shared>>
        %dma_wait3A_201 = arith.constant 0 : i32
        %dma_wait3A_202 = arith.constant 0 : i32
        %dma_wait3A_203 = tpu.memref_slice %arg8[%run_scoped3A_158, %dma_wait3A_201, %dma_wait3A_202] : memref<2x125x128xf32, #tpu.memory_space<vmem>> -> memref<1x125x128xf32, #tpu.memory_space<vmem>>
        %dma_wait3A_204 = tpu.memref_squeeze %dma_wait3A_203 : memref<1x125x128xf32, #tpu.memory_space<vmem>> -> memref<125x128xf32, #tpu.memory_space<vmem>>
        %dma_wait3A_205 = arith.constant 0 : i32
        %dma_wait3A_206 = arith.constant 0 : i32
        %dma_wait3A_207 = tpu.memref_slice %dma_wait3A_204[%dma_wait3A_205, %dma_wait3A_206] : memref<125x128xf32, #tpu.memory_space<vmem>> -> memref<120x128xf32, #tpu.memory_space<vmem>>
        tpu.wait_dma2 semaphore(%run_scoped3A_171 : memref<!tpu.dma_semaphore, #tpu.memory_space<semaphore_mem>>) src(%dma_wait3A_207 : memref<120x128xf32, #tpu.memory_space<vmem>>) dst(%dma_wait3A_200 : memref<120x128xf32, #tpu.memory_space<vmem_shared>>)
        tpu.yield
      }) : () -> ()
      %add3A_159 = arith.constant 480 : i32
      %add3A_160 = arith.addi %mul3A_4, %add3A_159 : i32
      %run_scoped3A_161 = arith.constant 0 : i32
      "tpu.region"() ({
        %run_scoped3A_171 = tpu.sem_alloc : memref<!tpu.dma_semaphore, #tpu.memory_space<semaphore_mem>>
        %dma_start3A_172 = arith.constant 0 : i32
        %dma_start3A_173 = arith.constant 0 : i32
        %dma_start3A_174 = tpu.memref_slice %arg8[%run_scoped3A_161, %dma_start3A_172, %dma_start3A_173] : memref<2x125x128xf32, #tpu.memory_space<vmem>> -> memref<1x125x128xf32, #tpu.memory_space<vmem>>
        %dma_start3A_175 = tpu.memref_squeeze %dma_start3A_174 : memref<1x125x128xf32, #tpu.memory_space<vmem>> -> memref<125x128xf32, #tpu.memory_space<vmem>>
        %dma_start3A_176 = arith.constant 0 : i32
        %dma_start3A_177 = arith.constant 0 : i32
        %dma_start3A_178 = tpu.memref_slice %dma_start3A_175[%dma_start3A_176, %dma_start3A_177] : memref<125x128xf32, #tpu.memory_space<vmem>> -> memref<120x128xf32, #tpu.memory_space<vmem>>
        %dma_start3A_179 = arith.constant 0 : i32
        %dma_start3A_180 = tpu.memref_slice %arg5[%add3A_160, %dma_start3A_179] : memref<10000x128xf32, #tpu.memory_space<vmem_shared>> -> memref<120x128xf32, #tpu.memory_space<vmem_shared>>
        %dma_start3A_181 = arith.constant 0 : i32
        %dma_start3A_182 = tpu.memref_slice %arg5[%add3A_160, %dma_start3A_181] : memref<10000x128xf32, #tpu.memory_space<vmem_shared>> -> memref<120x128xf32, #tpu.memory_space<vmem_shared>>
        %dma_start3A_183 = arith.constant 0 : i32
        %dma_start3A_184 = arith.constant 0 : i32
        %dma_start3A_185 = tpu.memref_slice %arg8[%run_scoped3A_161, %dma_start3A_183, %dma_start3A_184] : memref<2x125x128xf32, #tpu.memory_space<vmem>> -> memref<1x125x128xf32, #tpu.memory_space<vmem>>
        %dma_start3A_186 = tpu.memref_squeeze %dma_start3A_185 : memref<1x125x128xf32, #tpu.memory_space<vmem>> -> memref<125x128xf32, #tpu.memory_space<vmem>>
        %dma_start3A_187 = arith.constant 0 : i32
        %dma_start3A_188 = arith.constant 0 : i32
        %dma_start3A_189 = tpu.memref_slice %dma_start3A_186[%dma_start3A_187, %dma_start3A_188] : memref<125x128xf32, #tpu.memory_space<vmem>> -> memref<120x128xf32, #tpu.memory_space<vmem>>
        tpu.enqueue_dma source(%dma_start3A_189 : memref<120x128xf32, #tpu.memory_space<vmem>>) target(%dma_start3A_182 : memref<120x128xf32, #tpu.memory_space<vmem_shared>>) target_semaphore(%run_scoped3A_171 : memref<!tpu.dma_semaphore, #tpu.memory_space<semaphore_mem>>)
        %dma_wait3A_190 = arith.constant 0 : i32
        %dma_wait3A_191 = arith.constant 0 : i32
        %dma_wait3A_192 = tpu.memref_slice %arg8[%run_scoped3A_161, %dma_wait3A_190, %dma_wait3A_191] : memref<2x125x128xf32, #tpu.memory_space<vmem>> -> memref<1x125x128xf32, #tpu.memory_space<vmem>>
        %dma_wait3A_193 = tpu.memref_squeeze %dma_wait3A_192 : memref<1x125x128xf32, #tpu.memory_space<vmem>> -> memref<125x128xf32, #tpu.memory_space<vmem>>
        %dma_wait3A_194 = arith.constant 0 : i32
        %dma_wait3A_195 = arith.constant 0 : i32
        %dma_wait3A_196 = tpu.memref_slice %dma_wait3A_193[%dma_wait3A_194, %dma_wait3A_195] : memref<125x128xf32, #tpu.memory_space<vmem>> -> memref<120x128xf32, #tpu.memory_space<vmem>>
        %dma_wait3A_197 = arith.constant 0 : i32
        %dma_wait3A_198 = tpu.memref_slice %arg5[%add3A_160, %dma_wait3A_197] : memref<10000x128xf32, #tpu.memory_space<vmem_shared>> -> memref<120x128xf32, #tpu.memory_space<vmem_shared>>
        %dma_wait3A_199 = arith.constant 0 : i32
        %dma_wait3A_200 = tpu.memref_slice %arg5[%add3A_160, %dma_wait3A_199] : memref<10000x128xf32, #tpu.memory_space<vmem_shared>> -> memref<120x128xf32, #tpu.memory_space<vmem_shared>>
        %dma_wait3A_201 = arith.constant 0 : i32
        %dma_wait3A_202 = arith.constant 0 : i32
        %dma_wait3A_203 = tpu.memref_slice %arg8[%run_scoped3A_161, %dma_wait3A_201, %dma_wait3A_202] : memref<2x125x128xf32, #tpu.memory_space<vmem>> -> memref<1x125x128xf32, #tpu.memory_space<vmem>>
        %dma_wait3A_204 = tpu.memref_squeeze %dma_wait3A_203 : memref<1x125x128xf32, #tpu.memory_space<vmem>> -> memref<125x128xf32, #tpu.memory_space<vmem>>
        %dma_wait3A_205 = arith.constant 0 : i32
        %dma_wait3A_206 = arith.constant 0 : i32
        %dma_wait3A_207 = tpu.memref_slice %dma_wait3A_204[%dma_wait3A_205, %dma_wait3A_206] : memref<125x128xf32, #tpu.memory_space<vmem>> -> memref<120x128xf32, #tpu.memory_space<vmem>>
        tpu.wait_dma2 semaphore(%run_scoped3A_171 : memref<!tpu.dma_semaphore, #tpu.memory_space<semaphore_mem>>) src(%dma_wait3A_207 : memref<120x128xf32, #tpu.memory_space<vmem>>) dst(%dma_wait3A_200 : memref<120x128xf32, #tpu.memory_space<vmem_shared>>)
        tpu.yield
      }) : () -> ()
      %add3A_162 = arith.constant 600 : i32
      %add3A_163 = arith.addi %mul3A_4, %add3A_162 : i32
      %run_scoped3A_164 = arith.constant 0 : i32
      "tpu.region"() ({
        %run_scoped3A_171 = tpu.sem_alloc : memref<!tpu.dma_semaphore, #tpu.memory_space<semaphore_mem>>
        %dma_start3A_172 = arith.constant 0 : i32
        %dma_start3A_173 = arith.constant 0 : i32
        %dma_start3A_174 = tpu.memref_slice %arg8[%run_scoped3A_164, %dma_start3A_172, %dma_start3A_173] : memref<2x125x128xf32, #tpu.memory_space<vmem>> -> memref<1x125x128xf32, #tpu.memory_space<vmem>>
        %dma_start3A_175 = tpu.memref_squeeze %dma_start3A_174 : memref<1x125x128xf32, #tpu.memory_space<vmem>> -> memref<125x128xf32, #tpu.memory_space<vmem>>
        %dma_start3A_176 = arith.constant 0 : i32
        %dma_start3A_177 = arith.constant 0 : i32
        %dma_start3A_178 = tpu.memref_slice %dma_start3A_175[%dma_start3A_176, %dma_start3A_177] : memref<125x128xf32, #tpu.memory_space<vmem>> -> memref<24x128xf32, #tpu.memory_space<vmem>>
        %dma_start3A_179 = arith.constant 0 : i32
        %dma_start3A_180 = tpu.memref_slice %arg5[%add3A_163, %dma_start3A_179] : memref<10000x128xf32, #tpu.memory_space<vmem_shared>> -> memref<24x128xf32, #tpu.memory_space<vmem_shared>>
        %dma_start3A_181 = arith.constant 0 : i32
        %dma_start3A_182 = tpu.memref_slice %arg5[%add3A_163, %dma_start3A_181] : memref<10000x128xf32, #tpu.memory_space<vmem_shared>> -> memref<24x128xf32, #tpu.memory_space<vmem_shared>>
        %dma_start3A_183 = arith.constant 0 : i32
        %dma_start3A_184 = arith.constant 0 : i32
        %dma_start3A_185 = tpu.memref_slice %arg8[%run_scoped3A_164, %dma_start3A_183, %dma_start3A_184] : memref<2x125x128xf32, #tpu.memory_space<vmem>> -> memref<1x125x128xf32, #tpu.memory_space<vmem>>
        %dma_start3A_186 = tpu.memref_squeeze %dma_start3A_185 : memref<1x125x128xf32, #tpu.memory_space<vmem>> -> memref<125x128xf32, #tpu.memory_space<vmem>>
        %dma_start3A_187 = arith.constant 0 : i32
        %dma_start3A_188 = arith.constant 0 : i32
        %dma_start3A_189 = tpu.memref_slice %dma_start3A_186[%dma_start3A_187, %dma_start3A_188] : memref<125x128xf32, #tpu.memory_space<vmem>> -> memref<24x128xf32, #tpu.memory_space<vmem>>
        tpu.enqueue_dma source(%dma_start3A_189 : memref<24x128xf32, #tpu.memory_space<vmem>>) target(%dma_start3A_182 : memref<24x128xf32, #tpu.memory_space<vmem_shared>>) target_semaphore(%run_scoped3A_171 : memref<!tpu.dma_semaphore, #tpu.memory_space<semaphore_mem>>)
        %dma_wait3A_190 = arith.constant 0 : i32
        %dma_wait3A_191 = arith.constant 0 : i32
        %dma_wait3A_192 = tpu.memref_slice %arg8[%run_scoped3A_164, %dma_wait3A_190, %dma_wait3A_191] : memref<2x125x128xf32, #tpu.memory_space<vmem>> -> memref<1x125x128xf32, #tpu.memory_space<vmem>>
        %dma_wait3A_193 = tpu.memref_squeeze %dma_wait3A_192 : memref<1x125x128xf32, #tpu.memory_space<vmem>> -> memref<125x128xf32, #tpu.memory_space<vmem>>
        %dma_wait3A_194 = arith.constant 0 : i32
        %dma_wait3A_195 = arith.constant 0 : i32
        %dma_wait3A_196 = tpu.memref_slice %dma_wait3A_193[%dma_wait3A_194, %dma_wait3A_195] : memref<125x128xf32, #tpu.memory_space<vmem>> -> memref<24x128xf32, #tpu.memory_space<vmem>>
        %dma_wait3A_197 = arith.constant 0 : i32
        %dma_wait3A_198 = tpu.memref_slice %arg5[%add3A_163, %dma_wait3A_197] : memref<10000x128xf32, #tpu.memory_space<vmem_shared>> -> memref<24x128xf32, #tpu.memory_space<vmem_shared>>
        %dma_wait3A_199 = arith.constant 0 : i32
        %dma_wait3A_200 = tpu.memref_slice %arg5[%add3A_163, %dma_wait3A_199] : memref<10000x128xf32, #tpu.memory_space<vmem_shared>> -> memref<24x128xf32, #tpu.memory_space<vmem_shared>>
        %dma_wait3A_201 = arith.constant 0 : i32
        %dma_wait3A_202 = arith.constant 0 : i32
        %dma_wait3A_203 = tpu.memref_slice %arg8[%run_scoped3A_164, %dma_wait3A_201, %dma_wait3A_202] : memref<2x125x128xf32, #tpu.memory_space<vmem>> -> memref<1x125x128xf32, #tpu.memory_space<vmem>>
        %dma_wait3A_204 = tpu.memref_squeeze %dma_wait3A_203 : memref<1x125x128xf32, #tpu.memory_space<vmem>> -> memref<125x128xf32, #tpu.memory_space<vmem>>
        %dma_wait3A_205 = arith.constant 0 : i32
        %dma_wait3A_206 = arith.constant 0 : i32
        %dma_wait3A_207 = tpu.memref_slice %dma_wait3A_204[%dma_wait3A_205, %dma_wait3A_206] : memref<125x128xf32, #tpu.memory_space<vmem>> -> memref<24x128xf32, #tpu.memory_space<vmem>>
        tpu.wait_dma2 semaphore(%run_scoped3A_171 : memref<!tpu.dma_semaphore, #tpu.memory_space<semaphore_mem>>) src(%dma_wait3A_207 : memref<24x128xf32, #tpu.memory_space<vmem>>) dst(%dma_wait3A_200 : memref<24x128xf32, #tpu.memory_space<vmem_shared>>)
        tpu.yield
      }) : () -> ()
      %eq3A_165 = arith.constant 15 : i32
      %eq3A_166 = arith.cmpi eq, %arg1, %eq3A_165 : i32
      %convert_element_type3A_167 = arith.extui %eq3A_166 : i1 to i32
      %cond3A_168 = arith.constant 0 : i32
      %cond3A_169 = arith.constant 0 : i32
      %cond3A_170 = arith.cmpi ne, %convert_element_type3A_167, %cond3A_169 : i32
      scf.if %cond3A_170 {
        "tpu.region"() ({
          %run_scoped3A_171 = tpu.sem_alloc : memref<!tpu.dma_semaphore, #tpu.memory_space<semaphore_mem>>
          %dma_start3A_172 = arith.constant 0 : i32
          %dma_start3A_173 = arith.constant 0 : i32
          %dma_start3A_174 = tpu.memref_slice %arg8[%cond3A_168, %dma_start3A_172, %dma_start3A_173] : memref<2x125x128xf32, #tpu.memory_space<vmem>> -> memref<1x125x128xf32, #tpu.memory_space<vmem>>
          %dma_start3A_175 = tpu.memref_squeeze %dma_start3A_174 : memref<1x125x128xf32, #tpu.memory_space<vmem>> -> memref<125x128xf32, #tpu.memory_space<vmem>>
          %dma_start3A_176 = arith.constant 0 : i32
          %dma_start3A_177 = arith.constant 0 : i32
          %dma_start3A_178 = tpu.memref_slice %dma_start3A_175[%dma_start3A_176, %dma_start3A_177] : memref<125x128xf32, #tpu.memory_space<vmem>> -> memref<16x128xf32, #tpu.memory_space<vmem>>
          %dma_start3A_179 = arith.constant 9984 : i32
          %dma_start3A_180 = arith.constant 0 : i32
          %dma_start3A_181 = tpu.memref_slice %arg5[%dma_start3A_179, %dma_start3A_180] : memref<10000x128xf32, #tpu.memory_space<vmem_shared>> -> memref<16x128xf32, #tpu.memory_space<vmem_shared>>
          %dma_start3A_182 = arith.constant 9984 : i32
          %dma_start3A_183 = arith.constant 0 : i32
          %dma_start3A_184 = tpu.memref_slice %arg5[%dma_start3A_182, %dma_start3A_183] : memref<10000x128xf32, #tpu.memory_space<vmem_shared>> -> memref<16x128xf32, #tpu.memory_space<vmem_shared>>
          %dma_start3A_185 = arith.constant 0 : i32
          %dma_start3A_186 = arith.constant 0 : i32
          %dma_start3A_187 = tpu.memref_slice %arg8[%cond3A_168, %dma_start3A_185, %dma_start3A_186] : memref<2x125x128xf32, #tpu.memory_space<vmem>> -> memref<1x125x128xf32, #tpu.memory_space<vmem>>
          %dma_start3A_188 = tpu.memref_squeeze %dma_start3A_187 : memref<1x125x128xf32, #tpu.memory_space<vmem>> -> memref<125x128xf32, #tpu.memory_space<vmem>>
          %dma_start3A_189 = arith.constant 0 : i32
          %dma_start3A_190 = arith.constant 0 : i32
          %dma_start3A_191 = tpu.memref_slice %dma_start3A_188[%dma_start3A_189, %dma_start3A_190] : memref<125x128xf32, #tpu.memory_space<vmem>> -> memref<16x128xf32, #tpu.memory_space<vmem>>
          tpu.enqueue_dma source(%dma_start3A_191 : memref<16x128xf32, #tpu.memory_space<vmem>>) target(%dma_start3A_184 : memref<16x128xf32, #tpu.memory_space<vmem_shared>>) target_semaphore(%run_scoped3A_171 : memref<!tpu.dma_semaphore, #tpu.memory_space<semaphore_mem>>)
          %dma_wait3A_192 = arith.constant 0 : i32
          %dma_wait3A_193 = arith.constant 0 : i32
          %dma_wait3A_194 = tpu.memref_slice %arg8[%cond3A_168, %dma_wait3A_192, %dma_wait3A_193] : memref<2x125x128xf32, #tpu.memory_space<vmem>> -> memref<1x125x128xf32, #tpu.memory_space<vmem>>
          %dma_wait3A_195 = tpu.memref_squeeze %dma_wait3A_194 : memref<1x125x128xf32, #tpu.memory_space<vmem>> -> memref<125x128xf32, #tpu.memory_space<vmem>>
          %dma_wait3A_196 = arith.constant 0 : i32
          %dma_wait3A_197 = arith.constant 0 : i32
          %dma_wait3A_198 = tpu.memref_slice %dma_wait3A_195[%dma_wait3A_196, %dma_wait3A_197] : memref<125x128xf32, #tpu.memory_space<vmem>> -> memref<16x128xf32, #tpu.memory_space<vmem>>
          %dma_wait3A_199 = arith.constant 9984 : i32
          %dma_wait3A_200 = arith.constant 0 : i32
          %dma_wait3A_201 = tpu.memref_slice %arg5[%dma_wait3A_199, %dma_wait3A_200] : memref<10000x128xf32, #tpu.memory_space<vmem_shared>> -> memref<16x128xf32, #tpu.memory_space<vmem_shared>>
          %dma_wait3A_202 = arith.constant 9984 : i32
          %dma_wait3A_203 = arith.constant 0 : i32
          %dma_wait3A_204 = tpu.memref_slice %arg5[%dma_wait3A_202, %dma_wait3A_203] : memref<10000x128xf32, #tpu.memory_space<vmem_shared>> -> memref<16x128xf32, #tpu.memory_space<vmem_shared>>
          %dma_wait3A_205 = arith.constant 0 : i32
          %dma_wait3A_206 = arith.constant 0 : i32
          %dma_wait3A_207 = tpu.memref_slice %arg8[%cond3A_168, %dma_wait3A_205, %dma_wait3A_206] : memref<2x125x128xf32, #tpu.memory_space<vmem>> -> memref<1x125x128xf32, #tpu.memory_space<vmem>>
          %dma_wait3A_208 = tpu.memref_squeeze %dma_wait3A_207 : memref<1x125x128xf32, #tpu.memory_space<vmem>> -> memref<125x128xf32, #tpu.memory_space<vmem>>
          %dma_wait3A_209 = arith.constant 0 : i32
          %dma_wait3A_210 = arith.constant 0 : i32
          %dma_wait3A_211 = tpu.memref_slice %dma_wait3A_208[%dma_wait3A_209, %dma_wait3A_210] : memref<125x128xf32, #tpu.memory_space<vmem>> -> memref<16x128xf32, #tpu.memory_space<vmem>>
          tpu.wait_dma2 semaphore(%run_scoped3A_171 : memref<!tpu.dma_semaphore, #tpu.memory_space<semaphore_mem>>) src(%dma_wait3A_211 : memref<16x128xf32, #tpu.memory_space<vmem>>) dst(%dma_wait3A_204 : memref<16x128xf32, #tpu.memory_space<vmem_shared>>)
          tpu.yield
        }) : () -> ()
      } else {
      }
    } else {
    }
    %barrier3A = arith.constant 0 : index
    tpu.barrier barrier_id(%barrier3A)
    %add3A_12 = arith.constant 0 : i32
    %add3A_13 = arith.addi %mul3A_2, %add3A_12 : i32
    %run_scoped3A = arith.constant 0 : i32
    "tpu.region"() ({
      %run_scoped3A_141 = tpu.sem_alloc : memref<!tpu.dma_semaphore, #tpu.memory_space<semaphore_mem>>
      %dma_start3A_142 = arith.constant 0 : i32
      %dma_start3A_143 = tpu.memref_slice %arg3[%run_scoped3A, %add3A_13, %dma_start3A_142] : memref<2x2560x125xi32, #tpu.memory_space<hbm>> -> memref<1x40x125xi32, #tpu.memory_space<hbm>>
      %dma_start3A_144 = tpu.memref_squeeze %dma_start3A_143 : memref<1x40x125xi32, #tpu.memory_space<hbm>> -> memref<40x125xi32, #tpu.memory_space<hbm>>
      %dma_start3A_145 = arith.constant 0 : i32
      %dma_start3A_146 = tpu.memref_slice %arg3[%run_scoped3A, %add3A_13, %dma_start3A_145] : memref<2x2560x125xi32, #tpu.memory_space<hbm>> -> memref<1x40x125xi32, #tpu.memory_space<hbm>>
      %dma_start3A_147 = tpu.memref_squeeze %dma_start3A_146 : memref<1x40x125xi32, #tpu.memory_space<hbm>> -> memref<40x125xi32, #tpu.memory_space<hbm>>
      tpu.enqueue_dma source(%dma_start3A_147 : memref<40x125xi32, #tpu.memory_space<hbm>>) target(%arg6 : memref<40x125xi32, #tpu.memory_space<vmem>>) target_semaphore(%run_scoped3A_141 : memref<!tpu.dma_semaphore, #tpu.memory_space<semaphore_mem>>)
      %dma_wait3A_148 = arith.constant 0 : i32
      %dma_wait3A_149 = tpu.memref_slice %arg3[%run_scoped3A, %add3A_13, %dma_wait3A_148] : memref<2x2560x125xi32, #tpu.memory_space<hbm>> -> memref<1x40x125xi32, #tpu.memory_space<hbm>>
      %dma_wait3A_150 = tpu.memref_squeeze %dma_wait3A_149 : memref<1x40x125xi32, #tpu.memory_space<hbm>> -> memref<40x125xi32, #tpu.memory_space<hbm>>
      %dma_wait3A_151 = arith.constant 0 : i32
      %dma_wait3A_152 = tpu.memref_slice %arg3[%run_scoped3A, %add3A_13, %dma_wait3A_151] : memref<2x2560x125xi32, #tpu.memory_space<hbm>> -> memref<1x40x125xi32, #tpu.memory_space<hbm>>
      %dma_wait3A_153 = tpu.memref_squeeze %dma_wait3A_152 : memref<1x40x125xi32, #tpu.memory_space<hbm>> -> memref<40x125xi32, #tpu.memory_space<hbm>>
      tpu.wait_dma2 semaphore(%run_scoped3A_141 : memref<!tpu.dma_semaphore, #tpu.memory_space<semaphore_mem>>) src(%dma_wait3A_153 : memref<40x125xi32, #tpu.memory_space<hbm>>) dst(%arg6 : memref<40x125xi32, #tpu.memory_space<vmem>>)
      tpu.yield
    }) : () -> ()
    %run_scoped3A_14 = arith.constant 1 : i32
    "tpu.region"() ({
      %run_scoped3A_141 = tpu.sem_alloc : memref<!tpu.dma_semaphore, #tpu.memory_space<semaphore_mem>>
      %dma_start3A_142 = arith.constant 0 : i32
      %dma_start3A_143 = tpu.memref_slice %arg3[%run_scoped3A_14, %add3A_13, %dma_start3A_142] : memref<2x2560x125xi32, #tpu.memory_space<hbm>> -> memref<1x40x125xi32, #tpu.memory_space<hbm>>
      %dma_start3A_144 = tpu.memref_squeeze %dma_start3A_143 : memref<1x40x125xi32, #tpu.memory_space<hbm>> -> memref<40x125xi32, #tpu.memory_space<hbm>>
      %dma_start3A_145 = arith.constant 0 : i32
      %dma_start3A_146 = tpu.memref_slice %arg3[%run_scoped3A_14, %add3A_13, %dma_start3A_145] : memref<2x2560x125xi32, #tpu.memory_space<hbm>> -> memref<1x40x125xi32, #tpu.memory_space<hbm>>
      %dma_start3A_147 = tpu.memref_squeeze %dma_start3A_146 : memref<1x40x125xi32, #tpu.memory_space<hbm>> -> memref<40x125xi32, #tpu.memory_space<hbm>>
      tpu.enqueue_dma source(%dma_start3A_147 : memref<40x125xi32, #tpu.memory_space<hbm>>) target(%arg7 : memref<40x125xi32, #tpu.memory_space<vmem>>) target_semaphore(%run_scoped3A_141 : memref<!tpu.dma_semaphore, #tpu.memory_space<semaphore_mem>>)
      %dma_wait3A_148 = arith.constant 0 : i32
      %dma_wait3A_149 = tpu.memref_slice %arg3[%run_scoped3A_14, %add3A_13, %dma_wait3A_148] : memref<2x2560x125xi32, #tpu.memory_space<hbm>> -> memref<1x40x125xi32, #tpu.memory_space<hbm>>
      %dma_wait3A_150 = tpu.memref_squeeze %dma_wait3A_149 : memref<1x40x125xi32, #tpu.memory_space<hbm>> -> memref<40x125xi32, #tpu.memory_space<hbm>>
      %dma_wait3A_151 = arith.constant 0 : i32
      %dma_wait3A_152 = tpu.memref_slice %arg3[%run_scoped3A_14, %add3A_13, %dma_wait3A_151] : memref<2x2560x125xi32, #tpu.memory_space<hbm>> -> memref<1x40x125xi32, #tpu.memory_space<hbm>>
      %dma_wait3A_153 = tpu.memref_squeeze %dma_wait3A_152 : memref<1x40x125xi32, #tpu.memory_space<hbm>> -> memref<40x125xi32, #tpu.memory_space<hbm>>
      tpu.wait_dma2 semaphore(%run_scoped3A_141 : memref<!tpu.dma_semaphore, #tpu.memory_space<semaphore_mem>>) src(%dma_wait3A_153 : memref<40x125xi32, #tpu.memory_space<hbm>>) dst(%arg7 : memref<40x125xi32, #tpu.memory_space<vmem>>)
      tpu.yield
    }) : () -> ()
    %dma_start3A = arith.constant 0 : i32
    %dma_start3A_15 = arith.constant 0 : i32
    %dma_start3A_16 = arith.constant 0 : i32
    %dma_start3A_17 = arith.constant 0 : i32
    %dma_start3A_18 = tpu.memref_slice %arg8[%dma_start3A_15, %dma_start3A_16, %dma_start3A_17] : memref<2x125x128xf32, #tpu.memory_space<vmem>> -> memref<1x125x128xf32, #tpu.memory_space<vmem>>
    %dma_start3A_19 = tpu.memref_squeeze %dma_start3A_18 : memref<1x125x128xf32, #tpu.memory_space<vmem>> -> memref<125x128xf32, #tpu.memory_space<vmem>>
    %dma_start3A_20 = arith.constant 0 : i32
    %dma_start3A_21 = tpu.memref_slice %arg6[%dma_start3A, %dma_start3A_20] : memref<40x125xi32, #tpu.memory_space<vmem>> -> memref<1x125xi32, #tpu.memory_space<vmem>>
    %dma_start3A_22 = tpu.memref_squeeze %dma_start3A_21 : memref<1x125xi32, #tpu.memory_space<vmem>> -> memref<125xi32, #tpu.memory_space<vmem>>
    %dma_start3A_23 = arith.constant 0 : i32
    %dma_start3A_24 = arith.constant 0 : i32
    %dma_start3A_25 = tpu.memref_slice %arg2[%dma_start3A_23, %dma_start3A_24] : memref<10000x128xf32, #tpu.memory_space<hbm>> -> memref<10000x128xf32, #tpu.memory_space<hbm>>
    tpu.enqueue_indirect_dma source(%dma_start3A_25 : memref<10000x128xf32, #tpu.memory_space<hbm>>) target(%dma_start3A_19 : memref<125x128xf32, #tpu.memory_space<vmem>>) offsets(%dma_start3A_22 : memref<125xi32, #tpu.memory_space<vmem>>) semaphore(%arg9 : memref<!tpu.dma_semaphore, #tpu.memory_space<semaphore_mem>>)
    %dma_start3A_26 = arith.constant 1 : i32
    %dma_start3A_27 = arith.constant 1 : i32
    %dma_start3A_28 = arith.constant 0 : i32
    %dma_start3A_29 = arith.constant 0 : i32
    %dma_start3A_30 = tpu.memref_slice %arg8[%dma_start3A_27, %dma_start3A_28, %dma_start3A_29] : memref<2x125x128xf32, #tpu.memory_space<vmem>> -> memref<1x125x128xf32, #tpu.memory_space<vmem>>
    %dma_start3A_31 = tpu.memref_squeeze %dma_start3A_30 : memref<1x125x128xf32, #tpu.memory_space<vmem>> -> memref<125x128xf32, #tpu.memory_space<vmem>>
    %dma_start3A_32 = arith.constant 0 : i32
    %dma_start3A_33 = tpu.memref_slice %arg6[%dma_start3A_26, %dma_start3A_32] : memref<40x125xi32, #tpu.memory_space<vmem>> -> memref<1x125xi32, #tpu.memory_space<vmem>>
    %dma_start3A_34 = tpu.memref_squeeze %dma_start3A_33 : memref<1x125xi32, #tpu.memory_space<vmem>> -> memref<125xi32, #tpu.memory_space<vmem>>
    %dma_start3A_35 = arith.constant 0 : i32
    %dma_start3A_36 = arith.constant 0 : i32
    %dma_start3A_37 = tpu.memref_slice %arg2[%dma_start3A_35, %dma_start3A_36] : memref<10000x128xf32, #tpu.memory_space<hbm>> -> memref<10000x128xf32, #tpu.memory_space<hbm>>
    tpu.enqueue_indirect_dma source(%dma_start3A_37 : memref<10000x128xf32, #tpu.memory_space<hbm>>) target(%dma_start3A_31 : memref<125x128xf32, #tpu.memory_space<vmem>>) offsets(%dma_start3A_34 : memref<125xi32, #tpu.memory_space<vmem>>) semaphore(%arg10 : memref<!tpu.dma_semaphore, #tpu.memory_space<semaphore_mem>>)
    %scan3A = arith.constant 0 : i32
    %scan3A_38 = arith.constant 0 : i32
    %scan3A_39 = arith.constant 19 : i32
    %scan3A_40 = arith.addi %scan3A_38, %scan3A_39 : i32
    %scan3A_41 = arith.constant 1 : i32
    scf.for %scan3A_141 = %scan3A_38 to %scan3A_40 step %scan3A_41  : i32 {
      %mul3A_142 = arith.constant 2 : i32
      %mul3A_143 = arith.muli %scan3A_141, %mul3A_142 : i32
      %add3A_144 = arith.constant 0 : i32
      %add3A_145 = arith.addi %mul3A_143, %add3A_144 : i32
      %dma_wait3A_146 = arith.constant 0 : i32
      %dma_wait3A_147 = arith.constant 0 : i32
      %dma_wait3A_148 = arith.constant 0 : i32
      %dma_wait3A_149 = tpu.memref_slice %arg8[%dma_wait3A_146, %dma_wait3A_147, %dma_wait3A_148] : memref<2x125x128xf32, #tpu.memory_space<vmem>> -> memref<1x125x128xf32, #tpu.memory_space<vmem>>
      %dma_wait3A_150 = tpu.memref_squeeze %dma_wait3A_149 : memref<1x125x128xf32, #tpu.memory_space<vmem>> -> memref<125x128xf32, #tpu.memory_space<vmem>>
      %dma_wait3A_151 = arith.constant 0 : i32
      %dma_wait3A_152 = tpu.memref_slice %arg6[%add3A_145, %dma_wait3A_151] : memref<40x125xi32, #tpu.memory_space<vmem>> -> memref<1x125xi32, #tpu.memory_space<vmem>>
      %dma_wait3A_153 = tpu.memref_squeeze %dma_wait3A_152 : memref<1x125xi32, #tpu.memory_space<vmem>> -> memref<125xi32, #tpu.memory_space<vmem>>
      %dma_wait3A_154 = arith.constant 0 : i32
      %dma_wait3A_155 = arith.constant 0 : i32
      %dma_wait3A_156 = tpu.memref_slice %arg2[%dma_wait3A_154, %dma_wait3A_155] : memref<10000x128xf32, #tpu.memory_space<hbm>> -> memref<10000x128xf32, #tpu.memory_space<hbm>>
      tpu.wait_indirect_dma semaphore(%arg9 : memref<!tpu.dma_semaphore, #tpu.memory_space<semaphore_mem>>) src(%dma_wait3A_156 : memref<10000x128xf32, #tpu.memory_space<hbm>>) dst(%dma_wait3A_150 : memref<125x128xf32, #tpu.memory_space<vmem>>)
      %run_scoped3A_157 = arith.constant 0 : i32
      "tpu.region"() ({
        %run_scoped3A_200 = tpu.sem_alloc : memref<!tpu.dma_semaphore, #tpu.memory_space<semaphore_mem>>
        %dma_start3A_201 = arith.constant 0 : i32
        %dma_start3A_202 = arith.constant 0 : i32
        %dma_start3A_203 = tpu.memref_slice %arg8[%run_scoped3A_157, %dma_start3A_201, %dma_start3A_202] : memref<2x125x128xf32, #tpu.memory_space<vmem>> -> memref<1x125x128xf32, #tpu.memory_space<vmem>>
        %dma_start3A_204 = tpu.memref_squeeze %dma_start3A_203 : memref<1x125x128xf32, #tpu.memory_space<vmem>> -> memref<125x128xf32, #tpu.memory_space<vmem>>
        %dma_start3A_205 = arith.constant 0 : i32
        %dma_start3A_206 = tpu.memref_slice %arg7[%add3A_145, %dma_start3A_205] : memref<40x125xi32, #tpu.memory_space<vmem>> -> memref<1x125xi32, #tpu.memory_space<vmem>>
        %dma_start3A_207 = tpu.memref_squeeze %dma_start3A_206 : memref<1x125xi32, #tpu.memory_space<vmem>> -> memref<125xi32, #tpu.memory_space<vmem>>
        %dma_start3A_208 = arith.constant 0 : i32
        %dma_start3A_209 = arith.constant 0 : i32
        %dma_start3A_210 = tpu.memref_slice %arg5[%dma_start3A_208, %dma_start3A_209] : memref<10000x128xf32, #tpu.memory_space<vmem_shared>> -> memref<10000x128xf32, #tpu.memory_space<vmem_shared>>
        tpu.enqueue_indirect_dma source(%dma_start3A_204 : memref<125x128xf32, #tpu.memory_space<vmem>>) target(%dma_start3A_210 : memref<10000x128xf32, #tpu.memory_space<vmem_shared>>) offsets(%dma_start3A_207 : memref<125xi32, #tpu.memory_space<vmem>>) semaphore(%run_scoped3A_200 : memref<!tpu.dma_semaphore, #tpu.memory_space<semaphore_mem>>) {add = true}
        %dma_wait3A_211 = arith.constant 0 : i32
        %dma_wait3A_212 = arith.constant 0 : i32
        %dma_wait3A_213 = tpu.memref_slice %arg8[%run_scoped3A_157, %dma_wait3A_211, %dma_wait3A_212] : memref<2x125x128xf32, #tpu.memory_space<vmem>> -> memref<1x125x128xf32, #tpu.memory_space<vmem>>
        %dma_wait3A_214 = tpu.memref_squeeze %dma_wait3A_213 : memref<1x125x128xf32, #tpu.memory_space<vmem>> -> memref<125x128xf32, #tpu.memory_space<vmem>>
        %dma_wait3A_215 = arith.constant 0 : i32
        %dma_wait3A_216 = tpu.memref_slice %arg7[%add3A_145, %dma_wait3A_215] : memref<40x125xi32, #tpu.memory_space<vmem>> -> memref<1x125xi32, #tpu.memory_space<vmem>>
        %dma_wait3A_217 = tpu.memref_squeeze %dma_wait3A_216 : memref<1x125xi32, #tpu.memory_space<vmem>> -> memref<125xi32, #tpu.memory_space<vmem>>
        %dma_wait3A_218 = arith.constant 0 : i32
        %dma_wait3A_219 = arith.constant 0 : i32
        %dma_wait3A_220 = tpu.memref_slice %arg5[%dma_wait3A_218, %dma_wait3A_219] : memref<10000x128xf32, #tpu.memory_space<vmem_shared>> -> memref<10000x128xf32, #tpu.memory_space<vmem_shared>>
        tpu.wait_indirect_dma semaphore(%run_scoped3A_200 : memref<!tpu.dma_semaphore, #tpu.memory_space<semaphore_mem>>) src(%dma_wait3A_214 : memref<125x128xf32, #tpu.memory_space<vmem>>) dst(%dma_wait3A_220 : memref<10000x128xf32, #tpu.memory_space<vmem_shared>>)
        tpu.yield
      }) : () -> ()
      %add3A_158 = arith.constant 2 : i32
      %add3A_159 = arith.addi %add3A_145, %add3A_158 : i32
      %dma_start3A_160 = arith.constant 0 : i32
      %dma_start3A_161 = arith.constant 0 : i32
      %dma_start3A_162 = arith.constant 0 : i32
      %dma_start3A_163 = tpu.memref_slice %arg8[%dma_start3A_160, %dma_start3A_161, %dma_start3A_162] : memref<2x125x128xf32, #tpu.memory_space<vmem>> -> memref<1x125x128xf32, #tpu.memory_space<vmem>>
      %dma_start3A_164 = tpu.memref_squeeze %dma_start3A_163 : memref<1x125x128xf32, #tpu.memory_space<vmem>> -> memref<125x128xf32, #tpu.memory_space<vmem>>
      %dma_start3A_165 = arith.constant 0 : i32
      %dma_start3A_166 = tpu.memref_slice %arg6[%add3A_159, %dma_start3A_165] : memref<40x125xi32, #tpu.memory_space<vmem>> -> memref<1x125xi32, #tpu.memory_space<vmem>>
      %dma_start3A_167 = tpu.memref_squeeze %dma_start3A_166 : memref<1x125xi32, #tpu.memory_space<vmem>> -> memref<125xi32, #tpu.memory_space<vmem>>
      %dma_start3A_168 = arith.constant 0 : i32
      %dma_start3A_169 = arith.constant 0 : i32
      %dma_start3A_170 = tpu.memref_slice %arg2[%dma_start3A_168, %dma_start3A_169] : memref<10000x128xf32, #tpu.memory_space<hbm>> -> memref<10000x128xf32, #tpu.memory_space<hbm>>
      tpu.enqueue_indirect_dma source(%dma_start3A_170 : memref<10000x128xf32, #tpu.memory_space<hbm>>) target(%dma_start3A_164 : memref<125x128xf32, #tpu.memory_space<vmem>>) offsets(%dma_start3A_167 : memref<125xi32, #tpu.memory_space<vmem>>) semaphore(%arg9 : memref<!tpu.dma_semaphore, #tpu.memory_space<semaphore_mem>>)
      %mul3A_171 = arith.constant 2 : i32
      %mul3A_172 = arith.muli %scan3A_141, %mul3A_171 : i32
      %add3A_173 = arith.constant 1 : i32
      %add3A_174 = arith.addi %mul3A_172, %add3A_173 : i32
      %dma_wait3A_175 = arith.constant 1 : i32
      %dma_wait3A_176 = arith.constant 0 : i32
      %dma_wait3A_177 = arith.constant 0 : i32
      %dma_wait3A_178 = tpu.memref_slice %arg8[%dma_wait3A_175, %dma_wait3A_176, %dma_wait3A_177] : memref<2x125x128xf32, #tpu.memory_space<vmem>> -> memref<1x125x128xf32, #tpu.memory_space<vmem>>
      %dma_wait3A_179 = tpu.memref_squeeze %dma_wait3A_178 : memref<1x125x128xf32, #tpu.memory_space<vmem>> -> memref<125x128xf32, #tpu.memory_space<vmem>>
      %dma_wait3A_180 = arith.constant 0 : i32
      %dma_wait3A_181 = tpu.memref_slice %arg6[%add3A_174, %dma_wait3A_180] : memref<40x125xi32, #tpu.memory_space<vmem>> -> memref<1x125xi32, #tpu.memory_space<vmem>>
      %dma_wait3A_182 = tpu.memref_squeeze %dma_wait3A_181 : memref<1x125xi32, #tpu.memory_space<vmem>> -> memref<125xi32, #tpu.memory_space<vmem>>
      %dma_wait3A_183 = arith.constant 0 : i32
      %dma_wait3A_184 = arith.constant 0 : i32
      %dma_wait3A_185 = tpu.memref_slice %arg2[%dma_wait3A_183, %dma_wait3A_184] : memref<10000x128xf32, #tpu.memory_space<hbm>> -> memref<10000x128xf32, #tpu.memory_space<hbm>>
      tpu.wait_indirect_dma semaphore(%arg10 : memref<!tpu.dma_semaphore, #tpu.memory_space<semaphore_mem>>) src(%dma_wait3A_185 : memref<10000x128xf32, #tpu.memory_space<hbm>>) dst(%dma_wait3A_179 : memref<125x128xf32, #tpu.memory_space<vmem>>)
      %run_scoped3A_186 = arith.constant 1 : i32
      "tpu.region"() ({
        %run_scoped3A_200 = tpu.sem_alloc : memref<!tpu.dma_semaphore, #tpu.memory_space<semaphore_mem>>
        %dma_start3A_201 = arith.constant 0 : i32
        %dma_start3A_202 = arith.constant 0 : i32
        %dma_start3A_203 = tpu.memref_slice %arg8[%run_scoped3A_186, %dma_start3A_201, %dma_start3A_202] : memref<2x125x128xf32, #tpu.memory_space<vmem>> -> memref<1x125x128xf32, #tpu.memory_space<vmem>>
        %dma_start3A_204 = tpu.memref_squeeze %dma_start3A_203 : memref<1x125x128xf32, #tpu.memory_space<vmem>> -> memref<125x128xf32, #tpu.memory_space<vmem>>
        %dma_start3A_205 = arith.constant 0 : i32
        %dma_start3A_206 = tpu.memref_slice %arg7[%add3A_174, %dma_start3A_205] : memref<40x125xi32, #tpu.memory_space<vmem>> -> memref<1x125xi32, #tpu.memory_space<vmem>>
        %dma_start3A_207 = tpu.memref_squeeze %dma_start3A_206 : memref<1x125xi32, #tpu.memory_space<vmem>> -> memref<125xi32, #tpu.memory_space<vmem>>
        %dma_start3A_208 = arith.constant 0 : i32
        %dma_start3A_209 = arith.constant 0 : i32
        %dma_start3A_210 = tpu.memref_slice %arg5[%dma_start3A_208, %dma_start3A_209] : memref<10000x128xf32, #tpu.memory_space<vmem_shared>> -> memref<10000x128xf32, #tpu.memory_space<vmem_shared>>
        tpu.enqueue_indirect_dma source(%dma_start3A_204 : memref<125x128xf32, #tpu.memory_space<vmem>>) target(%dma_start3A_210 : memref<10000x128xf32, #tpu.memory_space<vmem_shared>>) offsets(%dma_start3A_207 : memref<125xi32, #tpu.memory_space<vmem>>) semaphore(%run_scoped3A_200 : memref<!tpu.dma_semaphore, #tpu.memory_space<semaphore_mem>>) {add = true}
        %dma_wait3A_211 = arith.constant 0 : i32
        %dma_wait3A_212 = arith.constant 0 : i32
        %dma_wait3A_213 = tpu.memref_slice %arg8[%run_scoped3A_186, %dma_wait3A_211, %dma_wait3A_212] : memref<2x125x128xf32, #tpu.memory_space<vmem>> -> memref<1x125x128xf32, #tpu.memory_space<vmem>>
        %dma_wait3A_214 = tpu.memref_squeeze %dma_wait3A_213 : memref<1x125x128xf32, #tpu.memory_space<vmem>> -> memref<125x128xf32, #tpu.memory_space<vmem>>
        %dma_wait3A_215 = arith.constant 0 : i32
        %dma_wait3A_216 = tpu.memref_slice %arg7[%add3A_174, %dma_wait3A_215] : memref<40x125xi32, #tpu.memory_space<vmem>> -> memref<1x125xi32, #tpu.memory_space<vmem>>
        %dma_wait3A_217 = tpu.memref_squeeze %dma_wait3A_216 : memref<1x125xi32, #tpu.memory_space<vmem>> -> memref<125xi32, #tpu.memory_space<vmem>>
        %dma_wait3A_218 = arith.constant 0 : i32
        %dma_wait3A_219 = arith.constant 0 : i32
        %dma_wait3A_220 = tpu.memref_slice %arg5[%dma_wait3A_218, %dma_wait3A_219] : memref<10000x128xf32, #tpu.memory_space<vmem_shared>> -> memref<10000x128xf32, #tpu.memory_space<vmem_shared>>
        tpu.wait_indirect_dma semaphore(%run_scoped3A_200 : memref<!tpu.dma_semaphore, #tpu.memory_space<semaphore_mem>>) src(%dma_wait3A_214 : memref<125x128xf32, #tpu.memory_space<vmem>>) dst(%dma_wait3A_220 : memref<10000x128xf32, #tpu.memory_space<vmem_shared>>)
        tpu.yield
      }) : () -> ()
      %add3A_187 = arith.constant 2 : i32
      %add3A_188 = arith.addi %add3A_174, %add3A_187 : i32
      %dma_start3A_189 = arith.constant 1 : i32
      %dma_start3A_190 = arith.constant 0 : i32
      %dma_start3A_191 = arith.constant 0 : i32
      %dma_start3A_192 = tpu.memref_slice %arg8[%dma_start3A_189, %dma_start3A_190, %dma_start3A_191] : memref<2x125x128xf32, #tpu.memory_space<vmem>> -> memref<1x125x128xf32, #tpu.memory_space<vmem>>
      %dma_start3A_193 = tpu.memref_squeeze %dma_start3A_192 : memref<1x125x128xf32, #tpu.memory_space<vmem>> -> memref<125x128xf32, #tpu.memory_space<vmem>>
      %dma_start3A_194 = arith.constant 0 : i32
      %dma_start3A_195 = tpu.memref_slice %arg6[%add3A_188, %dma_start3A_194] : memref<40x125xi32, #tpu.memory_space<vmem>> -> memref<1x125xi32, #tpu.memory_space<vmem>>
      %dma_start3A_196 = tpu.memref_squeeze %dma_start3A_195 : memref<1x125xi32, #tpu.memory_space<vmem>> -> memref<125xi32, #tpu.memory_space<vmem>>
      %dma_start3A_197 = arith.constant 0 : i32
      %dma_start3A_198 = arith.constant 0 : i32
      %dma_start3A_199 = tpu.memref_slice %arg2[%dma_start3A_197, %dma_start3A_198] : memref<10000x128xf32, #tpu.memory_space<hbm>> -> memref<10000x128xf32, #tpu.memory_space<hbm>>
      tpu.enqueue_indirect_dma source(%dma_start3A_199 : memref<10000x128xf32, #tpu.memory_space<hbm>>) target(%dma_start3A_193 : memref<125x128xf32, #tpu.memory_space<vmem>>) offsets(%dma_start3A_196 : memref<125xi32, #tpu.memory_space<vmem>>) semaphore(%arg10 : memref<!tpu.dma_semaphore, #tpu.memory_space<semaphore_mem>>)
    }
    %scan3A_42 = arith.constant 19 : i32
    %dma_wait3A = arith.constant 38 : i32
    %dma_wait3A_43 = arith.constant 0 : i32
    %dma_wait3A_44 = arith.constant 0 : i32
    %dma_wait3A_45 = arith.constant 0 : i32
    %dma_wait3A_46 = tpu.memref_slice %arg8[%dma_wait3A_43, %dma_wait3A_44, %dma_wait3A_45] : memref<2x125x128xf32, #tpu.memory_space<vmem>> -> memref<1x125x128xf32, #tpu.memory_space<vmem>>
    %dma_wait3A_47 = tpu.memref_squeeze %dma_wait3A_46 : memref<1x125x128xf32, #tpu.memory_space<vmem>> -> memref<125x128xf32, #tpu.memory_space<vmem>>
    %dma_wait3A_48 = arith.constant 0 : i32
    %dma_wait3A_49 = tpu.memref_slice %arg6[%dma_wait3A, %dma_wait3A_48] : memref<40x125xi32, #tpu.memory_space<vmem>> -> memref<1x125xi32, #tpu.memory_space<vmem>>
    %dma_wait3A_50 = tpu.memref_squeeze %dma_wait3A_49 : memref<1x125xi32, #tpu.memory_space<vmem>> -> memref<125xi32, #tpu.memory_space<vmem>>
    %dma_wait3A_51 = arith.constant 0 : i32
    %dma_wait3A_52 = arith.constant 0 : i32
    %dma_wait3A_53 = tpu.memref_slice %arg2[%dma_wait3A_51, %dma_wait3A_52] : memref<10000x128xf32, #tpu.memory_space<hbm>> -> memref<10000x128xf32, #tpu.memory_space<hbm>>
    tpu.wait_indirect_dma semaphore(%arg9 : memref<!tpu.dma_semaphore, #tpu.memory_space<semaphore_mem>>) src(%dma_wait3A_53 : memref<10000x128xf32, #tpu.memory_space<hbm>>) dst(%dma_wait3A_47 : memref<125x128xf32, #tpu.memory_space<vmem>>)
    %run_scoped3A_54 = arith.constant 0 : i32
    %run_scoped3A_55 = arith.constant 38 : i32
    "tpu.region"() ({
      %run_scoped3A_141 = tpu.sem_alloc : memref<!tpu.dma_semaphore, #tpu.memory_space<semaphore_mem>>
      %dma_start3A_142 = arith.constant 0 : i32
      %dma_start3A_143 = arith.constant 0 : i32
      %dma_start3A_144 = tpu.memref_slice %arg8[%run_scoped3A_54, %dma_start3A_142, %dma_start3A_143] : memref<2x125x128xf32, #tpu.memory_space<vmem>> -> memref<1x125x128xf32, #tpu.memory_space<vmem>>
      %dma_start3A_145 = tpu.memref_squeeze %dma_start3A_144 : memref<1x125x128xf32, #tpu.memory_space<vmem>> -> memref<125x128xf32, #tpu.memory_space<vmem>>
      %dma_start3A_146 = arith.constant 0 : i32
      %dma_start3A_147 = tpu.memref_slice %arg7[%run_scoped3A_55, %dma_start3A_146] : memref<40x125xi32, #tpu.memory_space<vmem>> -> memref<1x125xi32, #tpu.memory_space<vmem>>
      %dma_start3A_148 = tpu.memref_squeeze %dma_start3A_147 : memref<1x125xi32, #tpu.memory_space<vmem>> -> memref<125xi32, #tpu.memory_space<vmem>>
      %dma_start3A_149 = arith.constant 0 : i32
      %dma_start3A_150 = arith.constant 0 : i32
      %dma_start3A_151 = tpu.memref_slice %arg5[%dma_start3A_149, %dma_start3A_150] : memref<10000x128xf32, #tpu.memory_space<vmem_shared>> -> memref<10000x128xf32, #tpu.memory_space<vmem_shared>>
      tpu.enqueue_indirect_dma source(%dma_start3A_145 : memref<125x128xf32, #tpu.memory_space<vmem>>) target(%dma_start3A_151 : memref<10000x128xf32, #tpu.memory_space<vmem_shared>>) offsets(%dma_start3A_148 : memref<125xi32, #tpu.memory_space<vmem>>) semaphore(%run_scoped3A_141 : memref<!tpu.dma_semaphore, #tpu.memory_space<semaphore_mem>>) {add = true}
      %dma_wait3A_152 = arith.constant 0 : i32
      %dma_wait3A_153 = arith.constant 0 : i32
      %dma_wait3A_154 = tpu.memref_slice %arg8[%run_scoped3A_54, %dma_wait3A_152, %dma_wait3A_153] : memref<2x125x128xf32, #tpu.memory_space<vmem>> -> memref<1x125x128xf32, #tpu.memory_space<vmem>>
      %dma_wait3A_155 = tpu.memref_squeeze %dma_wait3A_154 : memref<1x125x128xf32, #tpu.memory_space<vmem>> -> memref<125x128xf32, #tpu.memory_space<vmem>>
      %dma_wait3A_156 = arith.constant 0 : i32
      %dma_wait3A_157 = tpu.memref_slice %arg7[%run_scoped3A_55, %dma_wait3A_156] : memref<40x125xi32, #tpu.memory_space<vmem>> -> memref<1x125xi32, #tpu.memory_space<vmem>>
      %dma_wait3A_158 = tpu.memref_squeeze %dma_wait3A_157 : memref<1x125xi32, #tpu.memory_space<vmem>> -> memref<125xi32, #tpu.memory_space<vmem>>
      %dma_wait3A_159 = arith.constant 0 : i32
      %dma_wait3A_160 = arith.constant 0 : i32
      %dma_wait3A_161 = tpu.memref_slice %arg5[%dma_wait3A_159, %dma_wait3A_160] : memref<10000x128xf32, #tpu.memory_space<vmem_shared>> -> memref<10000x128xf32, #tpu.memory_space<vmem_shared>>
      tpu.wait_indirect_dma semaphore(%run_scoped3A_141 : memref<!tpu.dma_semaphore, #tpu.memory_space<semaphore_mem>>) src(%dma_wait3A_155 : memref<125x128xf32, #tpu.memory_space<vmem>>) dst(%dma_wait3A_161 : memref<10000x128xf32, #tpu.memory_space<vmem_shared>>)
      tpu.yield
    }) : () -> ()
    %dma_wait3A_56 = arith.constant 39 : i32
    %dma_wait3A_57 = arith.constant 1 : i32
    %dma_wait3A_58 = arith.constant 0 : i32
    %dma_wait3A_59 = arith.constant 0 : i32
    %dma_wait3A_60 = tpu.memref_slice %arg8[%dma_wait3A_57, %dma_wait3A_58, %dma_wait3A_59] : memref<2x125x128xf32, #tpu.memory_space<vmem>> -> memref<1x125x128xf32, #tpu.memory_space<vmem>>
    %dma_wait3A_61 = tpu.memref_squeeze %dma_wait3A_60 : memref<1x125x128xf32, #tpu.memory_space<vmem>> -> memref<125x128xf32, #tpu.memory_space<vmem>>
    %dma_wait3A_62 = arith.constant 0 : i32
    %dma_wait3A_63 = tpu.memref_slice %arg6[%dma_wait3A_56, %dma_wait3A_62] : memref<40x125xi32, #tpu.memory_space<vmem>> -> memref<1x125xi32, #tpu.memory_space<vmem>>
    %dma_wait3A_64 = tpu.memref_squeeze %dma_wait3A_63 : memref<1x125xi32, #tpu.memory_space<vmem>> -> memref<125xi32, #tpu.memory_space<vmem>>
    %dma_wait3A_65 = arith.constant 0 : i32
    %dma_wait3A_66 = arith.constant 0 : i32
    %dma_wait3A_67 = tpu.memref_slice %arg2[%dma_wait3A_65, %dma_wait3A_66] : memref<10000x128xf32, #tpu.memory_space<hbm>> -> memref<10000x128xf32, #tpu.memory_space<hbm>>
    tpu.wait_indirect_dma semaphore(%arg10 : memref<!tpu.dma_semaphore, #tpu.memory_space<semaphore_mem>>) src(%dma_wait3A_67 : memref<10000x128xf32, #tpu.memory_space<hbm>>) dst(%dma_wait3A_61 : memref<125x128xf32, #tpu.memory_space<vmem>>)
    %run_scoped3A_68 = arith.constant 1 : i32
    %run_scoped3A_69 = arith.constant 39 : i32
    "tpu.region"() ({
      %run_scoped3A_141 = tpu.sem_alloc : memref<!tpu.dma_semaphore, #tpu.memory_space<semaphore_mem>>
      %dma_start3A_142 = arith.constant 0 : i32
      %dma_start3A_143 = arith.constant 0 : i32
      %dma_start3A_144 = tpu.memref_slice %arg8[%run_scoped3A_68, %dma_start3A_142, %dma_start3A_143] : memref<2x125x128xf32, #tpu.memory_space<vmem>> -> memref<1x125x128xf32, #tpu.memory_space<vmem>>
      %dma_start3A_145 = tpu.memref_squeeze %dma_start3A_144 : memref<1x125x128xf32, #tpu.memory_space<vmem>> -> memref<125x128xf32, #tpu.memory_space<vmem>>
      %dma_start3A_146 = arith.constant 0 : i32
      %dma_start3A_147 = tpu.memref_slice %arg7[%run_scoped3A_69, %dma_start3A_146] : memref<40x125xi32, #tpu.memory_space<vmem>> -> memref<1x125xi32, #tpu.memory_space<vmem>>
      %dma_start3A_148 = tpu.memref_squeeze %dma_start3A_147 : memref<1x125xi32, #tpu.memory_space<vmem>> -> memref<125xi32, #tpu.memory_space<vmem>>
      %dma_start3A_149 = arith.constant 0 : i32
      %dma_start3A_150 = arith.constant 0 : i32
      %dma_start3A_151 = tpu.memref_slice %arg5[%dma_start3A_149, %dma_start3A_150] : memref<10000x128xf32, #tpu.memory_space<vmem_shared>> -> memref<10000x128xf32, #tpu.memory_space<vmem_shared>>
      tpu.enqueue_indirect_dma source(%dma_start3A_145 : memref<125x128xf32, #tpu.memory_space<vmem>>) target(%dma_start3A_151 : memref<10000x128xf32, #tpu.memory_space<vmem_shared>>) offsets(%dma_start3A_148 : memref<125xi32, #tpu.memory_space<vmem>>) semaphore(%run_scoped3A_141 : memref<!tpu.dma_semaphore, #tpu.memory_space<semaphore_mem>>) {add = true}
      %dma_wait3A_152 = arith.constant 0 : i32
      %dma_wait3A_153 = arith.constant 0 : i32
      %dma_wait3A_154 = tpu.memref_slice %arg8[%run_scoped3A_68, %dma_wait3A_152, %dma_wait3A_153] : memref<2x125x128xf32, #tpu.memory_space<vmem>> -> memref<1x125x128xf32, #tpu.memory_space<vmem>>
      %dma_wait3A_155 = tpu.memref_squeeze %dma_wait3A_154 : memref<1x125x128xf32, #tpu.memory_space<vmem>> -> memref<125x128xf32, #tpu.memory_space<vmem>>
      %dma_wait3A_156 = arith.constant 0 : i32
      %dma_wait3A_157 = tpu.memref_slice %arg7[%run_scoped3A_69, %dma_wait3A_156] : memref<40x125xi32, #tpu.memory_space<vmem>> -> memref<1x125xi32, #tpu.memory_space<vmem>>
      %dma_wait3A_158 = tpu.memref_squeeze %dma_wait3A_157 : memref<1x125xi32, #tpu.memory_space<vmem>> -> memref<125xi32, #tpu.memory_space<vmem>>
      %dma_wait3A_159 = arith.constant 0 : i32
      %dma_wait3A_160 = arith.constant 0 : i32
      %dma_wait3A_161 = tpu.memref_slice %arg5[%dma_wait3A_159, %dma_wait3A_160] : memref<10000x128xf32, #tpu.memory_space<vmem_shared>> -> memref<10000x128xf32, #tpu.memory_space<vmem_shared>>
      tpu.wait_indirect_dma semaphore(%run_scoped3A_141 : memref<!tpu.dma_semaphore, #tpu.memory_space<semaphore_mem>>) src(%dma_wait3A_155 : memref<125x128xf32, #tpu.memory_space<vmem>>) dst(%dma_wait3A_161 : memref<10000x128xf32, #tpu.memory_space<vmem_shared>>)
      tpu.yield
    }) : () -> ()
    %add3A_70 = arith.constant 40 : i32
    %add3A_71 = arith.addi %mul3A_2, %add3A_70 : i32
    %run_scoped3A_72 = arith.constant 0 : i32
    "tpu.region"() ({
      %run_scoped3A_141 = tpu.sem_alloc : memref<!tpu.dma_semaphore, #tpu.memory_space<semaphore_mem>>
      %dma_start3A_142 = arith.constant 0 : i32
      %dma_start3A_143 = tpu.memref_slice %arg3[%run_scoped3A_72, %add3A_71, %dma_start3A_142] : memref<2x2560x125xi32, #tpu.memory_space<hbm>> -> memref<1x40x125xi32, #tpu.memory_space<hbm>>
      %dma_start3A_144 = tpu.memref_squeeze %dma_start3A_143 : memref<1x40x125xi32, #tpu.memory_space<hbm>> -> memref<40x125xi32, #tpu.memory_space<hbm>>
      %dma_start3A_145 = arith.constant 0 : i32
      %dma_start3A_146 = tpu.memref_slice %arg3[%run_scoped3A_72, %add3A_71, %dma_start3A_145] : memref<2x2560x125xi32, #tpu.memory_space<hbm>> -> memref<1x40x125xi32, #tpu.memory_space<hbm>>
      %dma_start3A_147 = tpu.memref_squeeze %dma_start3A_146 : memref<1x40x125xi32, #tpu.memory_space<hbm>> -> memref<40x125xi32, #tpu.memory_space<hbm>>
      tpu.enqueue_dma source(%dma_start3A_147 : memref<40x125xi32, #tpu.memory_space<hbm>>) target(%arg6 : memref<40x125xi32, #tpu.memory_space<vmem>>) target_semaphore(%run_scoped3A_141 : memref<!tpu.dma_semaphore, #tpu.memory_space<semaphore_mem>>)
      %dma_wait3A_148 = arith.constant 0 : i32
      %dma_wait3A_149 = tpu.memref_slice %arg3[%run_scoped3A_72, %add3A_71, %dma_wait3A_148] : memref<2x2560x125xi32, #tpu.memory_space<hbm>> -> memref<1x40x125xi32, #tpu.memory_space<hbm>>
      %dma_wait3A_150 = tpu.memref_squeeze %dma_wait3A_149 : memref<1x40x125xi32, #tpu.memory_space<hbm>> -> memref<40x125xi32, #tpu.memory_space<hbm>>
      %dma_wait3A_151 = arith.constant 0 : i32
      %dma_wait3A_152 = tpu.memref_slice %arg3[%run_scoped3A_72, %add3A_71, %dma_wait3A_151] : memref<2x2560x125xi32, #tpu.memory_space<hbm>> -> memref<1x40x125xi32, #tpu.memory_space<hbm>>
      %dma_wait3A_153 = tpu.memref_squeeze %dma_wait3A_152 : memref<1x40x125xi32, #tpu.memory_space<hbm>> -> memref<40x125xi32, #tpu.memory_space<hbm>>
      tpu.wait_dma2 semaphore(%run_scoped3A_141 : memref<!tpu.dma_semaphore, #tpu.memory_space<semaphore_mem>>) src(%dma_wait3A_153 : memref<40x125xi32, #tpu.memory_space<hbm>>) dst(%arg6 : memref<40x125xi32, #tpu.memory_space<vmem>>)
      tpu.yield
    }) : () -> ()
    %run_scoped3A_73 = arith.constant 1 : i32
    "tpu.region"() ({
      %run_scoped3A_141 = tpu.sem_alloc : memref<!tpu.dma_semaphore, #tpu.memory_space<semaphore_mem>>
      %dma_start3A_142 = arith.constant 0 : i32
      %dma_start3A_143 = tpu.memref_slice %arg3[%run_scoped3A_73, %add3A_71, %dma_start3A_142] : memref<2x2560x125xi32, #tpu.memory_space<hbm>> -> memref<1x40x125xi32, #tpu.memory_space<hbm>>
      %dma_start3A_144 = tpu.memref_squeeze %dma_start3A_143 : memref<1x40x125xi32, #tpu.memory_space<hbm>> -> memref<40x125xi32, #tpu.memory_space<hbm>>
      %dma_start3A_145 = arith.constant 0 : i32
      %dma_start3A_146 = tpu.memref_slice %arg3[%run_scoped3A_73, %add3A_71, %dma_start3A_145] : memref<2x2560x125xi32, #tpu.memory_space<hbm>> -> memref<1x40x125xi32, #tpu.memory_space<hbm>>
      %dma_start3A_147 = tpu.memref_squeeze %dma_start3A_146 : memref<1x40x125xi32, #tpu.memory_space<hbm>> -> memref<40x125xi32, #tpu.memory_space<hbm>>
      tpu.enqueue_dma source(%dma_start3A_147 : memref<40x125xi32, #tpu.memory_space<hbm>>) target(%arg7 : memref<40x125xi32, #tpu.memory_space<vmem>>) target_semaphore(%run_scoped3A_141 : memref<!tpu.dma_semaphore, #tpu.memory_space<semaphore_mem>>)
      %dma_wait3A_148 = arith.constant 0 : i32
      %dma_wait3A_149 = tpu.memref_slice %arg3[%run_scoped3A_73, %add3A_71, %dma_wait3A_148] : memref<2x2560x125xi32, #tpu.memory_space<hbm>> -> memref<1x40x125xi32, #tpu.memory_space<hbm>>
      %dma_wait3A_150 = tpu.memref_squeeze %dma_wait3A_149 : memref<1x40x125xi32, #tpu.memory_space<hbm>> -> memref<40x125xi32, #tpu.memory_space<hbm>>
      %dma_wait3A_151 = arith.constant 0 : i32
      %dma_wait3A_152 = tpu.memref_slice %arg3[%run_scoped3A_73, %add3A_71, %dma_wait3A_151] : memref<2x2560x125xi32, #tpu.memory_space<hbm>> -> memref<1x40x125xi32, #tpu.memory_space<hbm>>
      %dma_wait3A_153 = tpu.memref_squeeze %dma_wait3A_152 : memref<1x40x125xi32, #tpu.memory_space<hbm>> -> memref<40x125xi32, #tpu.memory_space<hbm>>
      tpu.wait_dma2 semaphore(%run_scoped3A_141 : memref<!tpu.dma_semaphore, #tpu.memory_space<semaphore_mem>>) src(%dma_wait3A_153 : memref<40x125xi32, #tpu.memory_space<hbm>>) dst(%arg7 : memref<40x125xi32, #tpu.memory_space<vmem>>)
      tpu.yield
    }) : () -> ()
    %dma_start3A_74 = arith.constant 0 : i32
    %dma_start3A_75 = arith.constant 0 : i32
    %dma_start3A_76 = arith.constant 0 : i32
    %dma_start3A_77 = arith.constant 0 : i32
    %dma_start3A_78 = tpu.memref_slice %arg8[%dma_start3A_75, %dma_start3A_76, %dma_start3A_77] : memref<2x125x128xf32, #tpu.memory_space<vmem>> -> memref<1x125x128xf32, #tpu.memory_space<vmem>>
    %dma_start3A_79 = tpu.memref_squeeze %dma_start3A_78 : memref<1x125x128xf32, #tpu.memory_space<vmem>> -> memref<125x128xf32, #tpu.memory_space<vmem>>
    %dma_start3A_80 = arith.constant 0 : i32
    %dma_start3A_81 = tpu.memref_slice %arg6[%dma_start3A_74, %dma_start3A_80] : memref<40x125xi32, #tpu.memory_space<vmem>> -> memref<1x125xi32, #tpu.memory_space<vmem>>
    %dma_start3A_82 = tpu.memref_squeeze %dma_start3A_81 : memref<1x125xi32, #tpu.memory_space<vmem>> -> memref<125xi32, #tpu.memory_space<vmem>>
    %dma_start3A_83 = arith.constant 0 : i32
    %dma_start3A_84 = arith.constant 0 : i32
    %dma_start3A_85 = tpu.memref_slice %arg2[%dma_start3A_83, %dma_start3A_84] : memref<10000x128xf32, #tpu.memory_space<hbm>> -> memref<10000x128xf32, #tpu.memory_space<hbm>>
    tpu.enqueue_indirect_dma source(%dma_start3A_85 : memref<10000x128xf32, #tpu.memory_space<hbm>>) target(%dma_start3A_79 : memref<125x128xf32, #tpu.memory_space<vmem>>) offsets(%dma_start3A_82 : memref<125xi32, #tpu.memory_space<vmem>>) semaphore(%arg9 : memref<!tpu.dma_semaphore, #tpu.memory_space<semaphore_mem>>)
    %dma_start3A_86 = arith.constant 1 : i32
    %dma_start3A_87 = arith.constant 1 : i32
    %dma_start3A_88 = arith.constant 0 : i32
    %dma_start3A_89 = arith.constant 0 : i32
    %dma_start3A_90 = tpu.memref_slice %arg8[%dma_start3A_87, %dma_start3A_88, %dma_start3A_89] : memref<2x125x128xf32, #tpu.memory_space<vmem>> -> memref<1x125x128xf32, #tpu.memory_space<vmem>>
    %dma_start3A_91 = tpu.memref_squeeze %dma_start3A_90 : memref<1x125x128xf32, #tpu.memory_space<vmem>> -> memref<125x128xf32, #tpu.memory_space<vmem>>
    %dma_start3A_92 = arith.constant 0 : i32
    %dma_start3A_93 = tpu.memref_slice %arg6[%dma_start3A_86, %dma_start3A_92] : memref<40x125xi32, #tpu.memory_space<vmem>> -> memref<1x125xi32, #tpu.memory_space<vmem>>
    %dma_start3A_94 = tpu.memref_squeeze %dma_start3A_93 : memref<1x125xi32, #tpu.memory_space<vmem>> -> memref<125xi32, #tpu.memory_space<vmem>>
    %dma_start3A_95 = arith.constant 0 : i32
    %dma_start3A_96 = arith.constant 0 : i32
    %dma_start3A_97 = tpu.memref_slice %arg2[%dma_start3A_95, %dma_start3A_96] : memref<10000x128xf32, #tpu.memory_space<hbm>> -> memref<10000x128xf32, #tpu.memory_space<hbm>>
    tpu.enqueue_indirect_dma source(%dma_start3A_97 : memref<10000x128xf32, #tpu.memory_space<hbm>>) target(%dma_start3A_91 : memref<125x128xf32, #tpu.memory_space<vmem>>) offsets(%dma_start3A_94 : memref<125xi32, #tpu.memory_space<vmem>>) semaphore(%arg10 : memref<!tpu.dma_semaphore, #tpu.memory_space<semaphore_mem>>)
    %scan3A_98 = arith.constant 0 : i32
    %scan3A_99 = arith.constant 0 : i32
    %scan3A_100 = arith.constant 19 : i32
    %scan3A_101 = arith.addi %scan3A_99, %scan3A_100 : i32
    %scan3A_102 = arith.constant 1 : i32
    scf.for %scan3A_141 = %scan3A_99 to %scan3A_101 step %scan3A_102  : i32 {
      %mul3A_142 = arith.constant 2 : i32
      %mul3A_143 = arith.muli %scan3A_141, %mul3A_142 : i32
      %add3A_144 = arith.constant 0 : i32
      %add3A_145 = arith.addi %mul3A_143, %add3A_144 : i32
      %dma_wait3A_146 = arith.constant 0 : i32
      %dma_wait3A_147 = arith.constant 0 : i32
      %dma_wait3A_148 = arith.constant 0 : i32
      %dma_wait3A_149 = tpu.memref_slice %arg8[%dma_wait3A_146, %dma_wait3A_147, %dma_wait3A_148] : memref<2x125x128xf32, #tpu.memory_space<vmem>> -> memref<1x125x128xf32, #tpu.memory_space<vmem>>
      %dma_wait3A_150 = tpu.memref_squeeze %dma_wait3A_149 : memref<1x125x128xf32, #tpu.memory_space<vmem>> -> memref<125x128xf32, #tpu.memory_space<vmem>>
      %dma_wait3A_151 = arith.constant 0 : i32
      %dma_wait3A_152 = tpu.memref_slice %arg6[%add3A_145, %dma_wait3A_151] : memref<40x125xi32, #tpu.memory_space<vmem>> -> memref<1x125xi32, #tpu.memory_space<vmem>>
      %dma_wait3A_153 = tpu.memref_squeeze %dma_wait3A_152 : memref<1x125xi32, #tpu.memory_space<vmem>> -> memref<125xi32, #tpu.memory_space<vmem>>
      %dma_wait3A_154 = arith.constant 0 : i32
      %dma_wait3A_155 = arith.constant 0 : i32
      %dma_wait3A_156 = tpu.memref_slice %arg2[%dma_wait3A_154, %dma_wait3A_155] : memref<10000x128xf32, #tpu.memory_space<hbm>> -> memref<10000x128xf32, #tpu.memory_space<hbm>>
      tpu.wait_indirect_dma semaphore(%arg9 : memref<!tpu.dma_semaphore, #tpu.memory_space<semaphore_mem>>) src(%dma_wait3A_156 : memref<10000x128xf32, #tpu.memory_space<hbm>>) dst(%dma_wait3A_150 : memref<125x128xf32, #tpu.memory_space<vmem>>)
      %run_scoped3A_157 = arith.constant 0 : i32
      "tpu.region"() ({
        %run_scoped3A_200 = tpu.sem_alloc : memref<!tpu.dma_semaphore, #tpu.memory_space<semaphore_mem>>
        %dma_start3A_201 = arith.constant 0 : i32
        %dma_start3A_202 = arith.constant 0 : i32
        %dma_start3A_203 = tpu.memref_slice %arg8[%run_scoped3A_157, %dma_start3A_201, %dma_start3A_202] : memref<2x125x128xf32, #tpu.memory_space<vmem>> -> memref<1x125x128xf32, #tpu.memory_space<vmem>>
        %dma_start3A_204 = tpu.memref_squeeze %dma_start3A_203 : memref<1x125x128xf32, #tpu.memory_space<vmem>> -> memref<125x128xf32, #tpu.memory_space<vmem>>
        %dma_start3A_205 = arith.constant 0 : i32
        %dma_start3A_206 = tpu.memref_slice %arg7[%add3A_145, %dma_start3A_205] : memref<40x125xi32, #tpu.memory_space<vmem>> -> memref<1x125xi32, #tpu.memory_space<vmem>>
        %dma_start3A_207 = tpu.memref_squeeze %dma_start3A_206 : memref<1x125xi32, #tpu.memory_space<vmem>> -> memref<125xi32, #tpu.memory_space<vmem>>
        %dma_start3A_208 = arith.constant 0 : i32
        %dma_start3A_209 = arith.constant 0 : i32
        %dma_start3A_210 = tpu.memref_slice %arg5[%dma_start3A_208, %dma_start3A_209] : memref<10000x128xf32, #tpu.memory_space<vmem_shared>> -> memref<10000x128xf32, #tpu.memory_space<vmem_shared>>
        tpu.enqueue_indirect_dma source(%dma_start3A_204 : memref<125x128xf32, #tpu.memory_space<vmem>>) target(%dma_start3A_210 : memref<10000x128xf32, #tpu.memory_space<vmem_shared>>) offsets(%dma_start3A_207 : memref<125xi32, #tpu.memory_space<vmem>>) semaphore(%run_scoped3A_200 : memref<!tpu.dma_semaphore, #tpu.memory_space<semaphore_mem>>) {add = true}
        %dma_wait3A_211 = arith.constant 0 : i32
        %dma_wait3A_212 = arith.constant 0 : i32
        %dma_wait3A_213 = tpu.memref_slice %arg8[%run_scoped3A_157, %dma_wait3A_211, %dma_wait3A_212] : memref<2x125x128xf32, #tpu.memory_space<vmem>> -> memref<1x125x128xf32, #tpu.memory_space<vmem>>
        %dma_wait3A_214 = tpu.memref_squeeze %dma_wait3A_213 : memref<1x125x128xf32, #tpu.memory_space<vmem>> -> memref<125x128xf32, #tpu.memory_space<vmem>>
        %dma_wait3A_215 = arith.constant 0 : i32
        %dma_wait3A_216 = tpu.memref_slice %arg7[%add3A_145, %dma_wait3A_215] : memref<40x125xi32, #tpu.memory_space<vmem>> -> memref<1x125xi32, #tpu.memory_space<vmem>>
        %dma_wait3A_217 = tpu.memref_squeeze %dma_wait3A_216 : memref<1x125xi32, #tpu.memory_space<vmem>> -> memref<125xi32, #tpu.memory_space<vmem>>
        %dma_wait3A_218 = arith.constant 0 : i32
        %dma_wait3A_219 = arith.constant 0 : i32
        %dma_wait3A_220 = tpu.memref_slice %arg5[%dma_wait3A_218, %dma_wait3A_219] : memref<10000x128xf32, #tpu.memory_space<vmem_shared>> -> memref<10000x128xf32, #tpu.memory_space<vmem_shared>>
        tpu.wait_indirect_dma semaphore(%run_scoped3A_200 : memref<!tpu.dma_semaphore, #tpu.memory_space<semaphore_mem>>) src(%dma_wait3A_214 : memref<125x128xf32, #tpu.memory_space<vmem>>) dst(%dma_wait3A_220 : memref<10000x128xf32, #tpu.memory_space<vmem_shared>>)
        tpu.yield
      }) : () -> ()
      %add3A_158 = arith.constant 2 : i32
      %add3A_159 = arith.addi %add3A_145, %add3A_158 : i32
      %dma_start3A_160 = arith.constant 0 : i32
      %dma_start3A_161 = arith.constant 0 : i32
      %dma_start3A_162 = arith.constant 0 : i32
      %dma_start3A_163 = tpu.memref_slice %arg8[%dma_start3A_160, %dma_start3A_161, %dma_start3A_162] : memref<2x125x128xf32, #tpu.memory_space<vmem>> -> memref<1x125x128xf32, #tpu.memory_space<vmem>>
      %dma_start3A_164 = tpu.memref_squeeze %dma_start3A_163 : memref<1x125x128xf32, #tpu.memory_space<vmem>> -> memref<125x128xf32, #tpu.memory_space<vmem>>
      %dma_start3A_165 = arith.constant 0 : i32
      %dma_start3A_166 = tpu.memref_slice %arg6[%add3A_159, %dma_start3A_165] : memref<40x125xi32, #tpu.memory_space<vmem>> -> memref<1x125xi32, #tpu.memory_space<vmem>>
      %dma_start3A_167 = tpu.memref_squeeze %dma_start3A_166 : memref<1x125xi32, #tpu.memory_space<vmem>> -> memref<125xi32, #tpu.memory_space<vmem>>
      %dma_start3A_168 = arith.constant 0 : i32
      %dma_start3A_169 = arith.constant 0 : i32
      %dma_start3A_170 = tpu.memref_slice %arg2[%dma_start3A_168, %dma_start3A_169] : memref<10000x128xf32, #tpu.memory_space<hbm>> -> memref<10000x128xf32, #tpu.memory_space<hbm>>
      tpu.enqueue_indirect_dma source(%dma_start3A_170 : memref<10000x128xf32, #tpu.memory_space<hbm>>) target(%dma_start3A_164 : memref<125x128xf32, #tpu.memory_space<vmem>>) offsets(%dma_start3A_167 : memref<125xi32, #tpu.memory_space<vmem>>) semaphore(%arg9 : memref<!tpu.dma_semaphore, #tpu.memory_space<semaphore_mem>>)
      %mul3A_171 = arith.constant 2 : i32
      %mul3A_172 = arith.muli %scan3A_141, %mul3A_171 : i32
      %add3A_173 = arith.constant 1 : i32
      %add3A_174 = arith.addi %mul3A_172, %add3A_173 : i32
      %dma_wait3A_175 = arith.constant 1 : i32
      %dma_wait3A_176 = arith.constant 0 : i32
      %dma_wait3A_177 = arith.constant 0 : i32
      %dma_wait3A_178 = tpu.memref_slice %arg8[%dma_wait3A_175, %dma_wait3A_176, %dma_wait3A_177] : memref<2x125x128xf32, #tpu.memory_space<vmem>> -> memref<1x125x128xf32, #tpu.memory_space<vmem>>
      %dma_wait3A_179 = tpu.memref_squeeze %dma_wait3A_178 : memref<1x125x128xf32, #tpu.memory_space<vmem>> -> memref<125x128xf32, #tpu.memory_space<vmem>>
      %dma_wait3A_180 = arith.constant 0 : i32
      %dma_wait3A_181 = tpu.memref_slice %arg6[%add3A_174, %dma_wait3A_180] : memref<40x125xi32, #tpu.memory_space<vmem>> -> memref<1x125xi32, #tpu.memory_space<vmem>>
      %dma_wait3A_182 = tpu.memref_squeeze %dma_wait3A_181 : memref<1x125xi32, #tpu.memory_space<vmem>> -> memref<125xi32, #tpu.memory_space<vmem>>
      %dma_wait3A_183 = arith.constant 0 : i32
      %dma_wait3A_184 = arith.constant 0 : i32
      %dma_wait3A_185 = tpu.memref_slice %arg2[%dma_wait3A_183, %dma_wait3A_184] : memref<10000x128xf32, #tpu.memory_space<hbm>> -> memref<10000x128xf32, #tpu.memory_space<hbm>>
      tpu.wait_indirect_dma semaphore(%arg10 : memref<!tpu.dma_semaphore, #tpu.memory_space<semaphore_mem>>) src(%dma_wait3A_185 : memref<10000x128xf32, #tpu.memory_space<hbm>>) dst(%dma_wait3A_179 : memref<125x128xf32, #tpu.memory_space<vmem>>)
      %run_scoped3A_186 = arith.constant 1 : i32
      "tpu.region"() ({
        %run_scoped3A_200 = tpu.sem_alloc : memref<!tpu.dma_semaphore, #tpu.memory_space<semaphore_mem>>
        %dma_start3A_201 = arith.constant 0 : i32
        %dma_start3A_202 = arith.constant 0 : i32
        %dma_start3A_203 = tpu.memref_slice %arg8[%run_scoped3A_186, %dma_start3A_201, %dma_start3A_202] : memref<2x125x128xf32, #tpu.memory_space<vmem>> -> memref<1x125x128xf32, #tpu.memory_space<vmem>>
        %dma_start3A_204 = tpu.memref_squeeze %dma_start3A_203 : memref<1x125x128xf32, #tpu.memory_space<vmem>> -> memref<125x128xf32, #tpu.memory_space<vmem>>
        %dma_start3A_205 = arith.constant 0 : i32
        %dma_start3A_206 = tpu.memref_slice %arg7[%add3A_174, %dma_start3A_205] : memref<40x125xi32, #tpu.memory_space<vmem>> -> memref<1x125xi32, #tpu.memory_space<vmem>>
        %dma_start3A_207 = tpu.memref_squeeze %dma_start3A_206 : memref<1x125xi32, #tpu.memory_space<vmem>> -> memref<125xi32, #tpu.memory_space<vmem>>
        %dma_start3A_208 = arith.constant 0 : i32
        %dma_start3A_209 = arith.constant 0 : i32
        %dma_start3A_210 = tpu.memref_slice %arg5[%dma_start3A_208, %dma_start3A_209] : memref<10000x128xf32, #tpu.memory_space<vmem_shared>> -> memref<10000x128xf32, #tpu.memory_space<vmem_shared>>
        tpu.enqueue_indirect_dma source(%dma_start3A_204 : memref<125x128xf32, #tpu.memory_space<vmem>>) target(%dma_start3A_210 : memref<10000x128xf32, #tpu.memory_space<vmem_shared>>) offsets(%dma_start3A_207 : memref<125xi32, #tpu.memory_space<vmem>>) semaphore(%run_scoped3A_200 : memref<!tpu.dma_semaphore, #tpu.memory_space<semaphore_mem>>) {add = true}
        %dma_wait3A_211 = arith.constant 0 : i32
        %dma_wait3A_212 = arith.constant 0 : i32
        %dma_wait3A_213 = tpu.memref_slice %arg8[%run_scoped3A_186, %dma_wait3A_211, %dma_wait3A_212] : memref<2x125x128xf32, #tpu.memory_space<vmem>> -> memref<1x125x128xf32, #tpu.memory_space<vmem>>
        %dma_wait3A_214 = tpu.memref_squeeze %dma_wait3A_213 : memref<1x125x128xf32, #tpu.memory_space<vmem>> -> memref<125x128xf32, #tpu.memory_space<vmem>>
        %dma_wait3A_215 = arith.constant 0 : i32
        %dma_wait3A_216 = tpu.memref_slice %arg7[%add3A_174, %dma_wait3A_215] : memref<40x125xi32, #tpu.memory_space<vmem>> -> memref<1x125xi32, #tpu.memory_space<vmem>>
        %dma_wait3A_217 = tpu.memref_squeeze %dma_wait3A_216 : memref<1x125xi32, #tpu.memory_space<vmem>> -> memref<125xi32, #tpu.memory_space<vmem>>
        %dma_wait3A_218 = arith.constant 0 : i32
        %dma_wait3A_219 = arith.constant 0 : i32
        %dma_wait3A_220 = tpu.memref_slice %arg5[%dma_wait3A_218, %dma_wait3A_219] : memref<10000x128xf32, #tpu.memory_space<vmem_shared>> -> memref<10000x128xf32, #tpu.memory_space<vmem_shared>>
        tpu.wait_indirect_dma semaphore(%run_scoped3A_200 : memref<!tpu.dma_semaphore, #tpu.memory_space<semaphore_mem>>) src(%dma_wait3A_214 : memref<125x128xf32, #tpu.memory_space<vmem>>) dst(%dma_wait3A_220 : memref<10000x128xf32, #tpu.memory_space<vmem_shared>>)
        tpu.yield
      }) : () -> ()
      %add3A_187 = arith.constant 2 : i32
      %add3A_188 = arith.addi %add3A_174, %add3A_187 : i32
      %dma_start3A_189 = arith.constant 1 : i32
      %dma_start3A_190 = arith.constant 0 : i32
      %dma_start3A_191 = arith.constant 0 : i32
      %dma_start3A_192 = tpu.memref_slice %arg8[%dma_start3A_189, %dma_start3A_190, %dma_start3A_191] : memref<2x125x128xf32, #tpu.memory_space<vmem>> -> memref<1x125x128xf32, #tpu.memory_space<vmem>>
      %dma_start3A_193 = tpu.memref_squeeze %dma_start3A_192 : memref<1x125x128xf32, #tpu.memory_space<vmem>> -> memref<125x128xf32, #tpu.memory_space<vmem>>
      %dma_start3A_194 = arith.constant 0 : i32
      %dma_start3A_195 = tpu.memref_slice %arg6[%add3A_188, %dma_start3A_194] : memref<40x125xi32, #tpu.memory_space<vmem>> -> memref<1x125xi32, #tpu.memory_space<vmem>>
      %dma_start3A_196 = tpu.memref_squeeze %dma_start3A_195 : memref<1x125xi32, #tpu.memory_space<vmem>> -> memref<125xi32, #tpu.memory_space<vmem>>
      %dma_start3A_197 = arith.constant 0 : i32
      %dma_start3A_198 = arith.constant 0 : i32
      %dma_start3A_199 = tpu.memref_slice %arg2[%dma_start3A_197, %dma_start3A_198] : memref<10000x128xf32, #tpu.memory_space<hbm>> -> memref<10000x128xf32, #tpu.memory_space<hbm>>
      tpu.enqueue_indirect_dma source(%dma_start3A_199 : memref<10000x128xf32, #tpu.memory_space<hbm>>) target(%dma_start3A_193 : memref<125x128xf32, #tpu.memory_space<vmem>>) offsets(%dma_start3A_196 : memref<125xi32, #tpu.memory_space<vmem>>) semaphore(%arg10 : memref<!tpu.dma_semaphore, #tpu.memory_space<semaphore_mem>>)
    }
    %scan3A_103 = arith.constant 19 : i32
    %dma_wait3A_104 = arith.constant 38 : i32
    %dma_wait3A_105 = arith.constant 0 : i32
    %dma_wait3A_106 = arith.constant 0 : i32
    %dma_wait3A_107 = arith.constant 0 : i32
    %dma_wait3A_108 = tpu.memref_slice %arg8[%dma_wait3A_105, %dma_wait3A_106, %dma_wait3A_107] : memref<2x125x128xf32, #tpu.memory_space<vmem>> -> memref<1x125x128xf32, #tpu.memory_space<vmem>>
    %dma_wait3A_109 = tpu.memref_squeeze %dma_wait3A_108 : memref<1x125x128xf32, #tpu.memory_space<vmem>> -> memref<125x128xf32, #tpu.memory_space<vmem>>
    %dma_wait3A_110 = arith.constant 0 : i32
    %dma_wait3A_111 = tpu.memref_slice %arg6[%dma_wait3A_104, %dma_wait3A_110] : memref<40x125xi32, #tpu.memory_space<vmem>> -> memref<1x125xi32, #tpu.memory_space<vmem>>
    %dma_wait3A_112 = tpu.memref_squeeze %dma_wait3A_111 : memref<1x125xi32, #tpu.memory_space<vmem>> -> memref<125xi32, #tpu.memory_space<vmem>>
    %dma_wait3A_113 = arith.constant 0 : i32
    %dma_wait3A_114 = arith.constant 0 : i32
    %dma_wait3A_115 = tpu.memref_slice %arg2[%dma_wait3A_113, %dma_wait3A_114] : memref<10000x128xf32, #tpu.memory_space<hbm>> -> memref<10000x128xf32, #tpu.memory_space<hbm>>
    tpu.wait_indirect_dma semaphore(%arg9 : memref<!tpu.dma_semaphore, #tpu.memory_space<semaphore_mem>>) src(%dma_wait3A_115 : memref<10000x128xf32, #tpu.memory_space<hbm>>) dst(%dma_wait3A_109 : memref<125x128xf32, #tpu.memory_space<vmem>>)
    %run_scoped3A_116 = arith.constant 0 : i32
    %run_scoped3A_117 = arith.constant 38 : i32
    "tpu.region"() ({
      %run_scoped3A_141 = tpu.sem_alloc : memref<!tpu.dma_semaphore, #tpu.memory_space<semaphore_mem>>
      %dma_start3A_142 = arith.constant 0 : i32
      %dma_start3A_143 = arith.constant 0 : i32
      %dma_start3A_144 = tpu.memref_slice %arg8[%run_scoped3A_116, %dma_start3A_142, %dma_start3A_143] : memref<2x125x128xf32, #tpu.memory_space<vmem>> -> memref<1x125x128xf32, #tpu.memory_space<vmem>>
      %dma_start3A_145 = tpu.memref_squeeze %dma_start3A_144 : memref<1x125x128xf32, #tpu.memory_space<vmem>> -> memref<125x128xf32, #tpu.memory_space<vmem>>
      %dma_start3A_146 = arith.constant 0 : i32
      %dma_start3A_147 = tpu.memref_slice %arg7[%run_scoped3A_117, %dma_start3A_146] : memref<40x125xi32, #tpu.memory_space<vmem>> -> memref<1x125xi32, #tpu.memory_space<vmem>>
      %dma_start3A_148 = tpu.memref_squeeze %dma_start3A_147 : memref<1x125xi32, #tpu.memory_space<vmem>> -> memref<125xi32, #tpu.memory_space<vmem>>
      %dma_start3A_149 = arith.constant 0 : i32
      %dma_start3A_150 = arith.constant 0 : i32
      %dma_start3A_151 = tpu.memref_slice %arg5[%dma_start3A_149, %dma_start3A_150] : memref<10000x128xf32, #tpu.memory_space<vmem_shared>> -> memref<10000x128xf32, #tpu.memory_space<vmem_shared>>
      tpu.enqueue_indirect_dma source(%dma_start3A_145 : memref<125x128xf32, #tpu.memory_space<vmem>>) target(%dma_start3A_151 : memref<10000x128xf32, #tpu.memory_space<vmem_shared>>) offsets(%dma_start3A_148 : memref<125xi32, #tpu.memory_space<vmem>>) semaphore(%run_scoped3A_141 : memref<!tpu.dma_semaphore, #tpu.memory_space<semaphore_mem>>) {add = true}
      %dma_wait3A_152 = arith.constant 0 : i32
      %dma_wait3A_153 = arith.constant 0 : i32
      %dma_wait3A_154 = tpu.memref_slice %arg8[%run_scoped3A_116, %dma_wait3A_152, %dma_wait3A_153] : memref<2x125x128xf32, #tpu.memory_space<vmem>> -> memref<1x125x128xf32, #tpu.memory_space<vmem>>
      %dma_wait3A_155 = tpu.memref_squeeze %dma_wait3A_154 : memref<1x125x128xf32, #tpu.memory_space<vmem>> -> memref<125x128xf32, #tpu.memory_space<vmem>>
      %dma_wait3A_156 = arith.constant 0 : i32
      %dma_wait3A_157 = tpu.memref_slice %arg7[%run_scoped3A_117, %dma_wait3A_156] : memref<40x125xi32, #tpu.memory_space<vmem>> -> memref<1x125xi32, #tpu.memory_space<vmem>>
      %dma_wait3A_158 = tpu.memref_squeeze %dma_wait3A_157 : memref<1x125xi32, #tpu.memory_space<vmem>> -> memref<125xi32, #tpu.memory_space<vmem>>
      %dma_wait3A_159 = arith.constant 0 : i32
      %dma_wait3A_160 = arith.constant 0 : i32
      %dma_wait3A_161 = tpu.memref_slice %arg5[%dma_wait3A_159, %dma_wait3A_160] : memref<10000x128xf32, #tpu.memory_space<vmem_shared>> -> memref<10000x128xf32, #tpu.memory_space<vmem_shared>>
      tpu.wait_indirect_dma semaphore(%run_scoped3A_141 : memref<!tpu.dma_semaphore, #tpu.memory_space<semaphore_mem>>) src(%dma_wait3A_155 : memref<125x128xf32, #tpu.memory_space<vmem>>) dst(%dma_wait3A_161 : memref<10000x128xf32, #tpu.memory_space<vmem_shared>>)
      tpu.yield
    }) : () -> ()
    %dma_wait3A_118 = arith.constant 39 : i32
    %dma_wait3A_119 = arith.constant 1 : i32
    %dma_wait3A_120 = arith.constant 0 : i32
    %dma_wait3A_121 = arith.constant 0 : i32
    %dma_wait3A_122 = tpu.memref_slice %arg8[%dma_wait3A_119, %dma_wait3A_120, %dma_wait3A_121] : memref<2x125x128xf32, #tpu.memory_space<vmem>> -> memref<1x125x128xf32, #tpu.memory_space<vmem>>
    %dma_wait3A_123 = tpu.memref_squeeze %dma_wait3A_122 : memref<1x125x128xf32, #tpu.memory_space<vmem>> -> memref<125x128xf32, #tpu.memory_space<vmem>>
    %dma_wait3A_124 = arith.constant 0 : i32
    %dma_wait3A_125 = tpu.memref_slice %arg6[%dma_wait3A_118, %dma_wait3A_124] : memref<40x125xi32, #tpu.memory_space<vmem>> -> memref<1x125xi32, #tpu.memory_space<vmem>>
    %dma_wait3A_126 = tpu.memref_squeeze %dma_wait3A_125 : memref<1x125xi32, #tpu.memory_space<vmem>> -> memref<125xi32, #tpu.memory_space<vmem>>
    %dma_wait3A_127 = arith.constant 0 : i32
    %dma_wait3A_128 = arith.constant 0 : i32
    %dma_wait3A_129 = tpu.memref_slice %arg2[%dma_wait3A_127, %dma_wait3A_128] : memref<10000x128xf32, #tpu.memory_space<hbm>> -> memref<10000x128xf32, #tpu.memory_space<hbm>>
    tpu.wait_indirect_dma semaphore(%arg10 : memref<!tpu.dma_semaphore, #tpu.memory_space<semaphore_mem>>) src(%dma_wait3A_129 : memref<10000x128xf32, #tpu.memory_space<hbm>>) dst(%dma_wait3A_123 : memref<125x128xf32, #tpu.memory_space<vmem>>)
    %run_scoped3A_130 = arith.constant 1 : i32
    %run_scoped3A_131 = arith.constant 39 : i32
    "tpu.region"() ({
      %run_scoped3A_141 = tpu.sem_alloc : memref<!tpu.dma_semaphore, #tpu.memory_space<semaphore_mem>>
      %dma_start3A_142 = arith.constant 0 : i32
      %dma_start3A_143 = arith.constant 0 : i32
      %dma_start3A_144 = tpu.memref_slice %arg8[%run_scoped3A_130, %dma_start3A_142, %dma_start3A_143] : memref<2x125x128xf32, #tpu.memory_space<vmem>> -> memref<1x125x128xf32, #tpu.memory_space<vmem>>
      %dma_start3A_145 = tpu.memref_squeeze %dma_start3A_144 : memref<1x125x128xf32, #tpu.memory_space<vmem>> -> memref<125x128xf32, #tpu.memory_space<vmem>>
      %dma_start3A_146 = arith.constant 0 : i32
      %dma_start3A_147 = tpu.memref_slice %arg7[%run_scoped3A_131, %dma_start3A_146] : memref<40x125xi32, #tpu.memory_space<vmem>> -> memref<1x125xi32, #tpu.memory_space<vmem>>
      %dma_start3A_148 = tpu.memref_squeeze %dma_start3A_147 : memref<1x125xi32, #tpu.memory_space<vmem>> -> memref<125xi32, #tpu.memory_space<vmem>>
      %dma_start3A_149 = arith.constant 0 : i32
      %dma_start3A_150 = arith.constant 0 : i32
      %dma_start3A_151 = tpu.memref_slice %arg5[%dma_start3A_149, %dma_start3A_150] : memref<10000x128xf32, #tpu.memory_space<vmem_shared>> -> memref<10000x128xf32, #tpu.memory_space<vmem_shared>>
      tpu.enqueue_indirect_dma source(%dma_start3A_145 : memref<125x128xf32, #tpu.memory_space<vmem>>) target(%dma_start3A_151 : memref<10000x128xf32, #tpu.memory_space<vmem_shared>>) offsets(%dma_start3A_148 : memref<125xi32, #tpu.memory_space<vmem>>) semaphore(%run_scoped3A_141 : memref<!tpu.dma_semaphore, #tpu.memory_space<semaphore_mem>>) {add = true}
      %dma_wait3A_152 = arith.constant 0 : i32
      %dma_wait3A_153 = arith.constant 0 : i32
      %dma_wait3A_154 = tpu.memref_slice %arg8[%run_scoped3A_130, %dma_wait3A_152, %dma_wait3A_153] : memref<2x125x128xf32, #tpu.memory_space<vmem>> -> memref<1x125x128xf32, #tpu.memory_space<vmem>>
      %dma_wait3A_155 = tpu.memref_squeeze %dma_wait3A_154 : memref<1x125x128xf32, #tpu.memory_space<vmem>> -> memref<125x128xf32, #tpu.memory_space<vmem>>
      %dma_wait3A_156 = arith.constant 0 : i32
      %dma_wait3A_157 = tpu.memref_slice %arg7[%run_scoped3A_131, %dma_wait3A_156] : memref<40x125xi32, #tpu.memory_space<vmem>> -> memref<1x125xi32, #tpu.memory_space<vmem>>
      %dma_wait3A_158 = tpu.memref_squeeze %dma_wait3A_157 : memref<1x125xi32, #tpu.memory_space<vmem>> -> memref<125xi32, #tpu.memory_space<vmem>>
      %dma_wait3A_159 = arith.constant 0 : i32
      %dma_wait3A_160 = arith.constant 0 : i32
      %dma_wait3A_161 = tpu.memref_slice %arg5[%dma_wait3A_159, %dma_wait3A_160] : memref<10000x128xf32, #tpu.memory_space<vmem_shared>> -> memref<10000x128xf32, #tpu.memory_space<vmem_shared>>
      tpu.wait_indirect_dma semaphore(%run_scoped3A_141 : memref<!tpu.dma_semaphore, #tpu.memory_space<semaphore_mem>>) src(%dma_wait3A_155 : memref<125x128xf32, #tpu.memory_space<vmem>>) dst(%dma_wait3A_161 : memref<10000x128xf32, #tpu.memory_space<vmem_shared>>)
      tpu.yield
    }) : () -> ()
    %barrier3A_132 = arith.constant 0 : index
    tpu.barrier barrier_id(%barrier3A_132)
    %mul3A_133 = arith.constant 10000 : i32
    %mul3A_134 = arith.muli %arg0, %mul3A_133 : i32
    %add3A_135 = arith.addi %mul3A_134, %mul3A_4 : i32
    "tpu.region"() ({
      %run_scoped3A_141 = tpu.sem_alloc : memref<!tpu.dma_semaphore, #tpu.memory_space<semaphore_mem>>
      %dma_start3A_142 = arith.constant 0 : i32
      %dma_start3A_143 = tpu.memref_slice %arg4[%add3A_135, %dma_start3A_142] : memref<20000x128xf32, #tpu.memory_space<hbm>> -> memref<624x128xf32, #tpu.memory_space<hbm>>
      %dma_start3A_144 = arith.constant 0 : i32
      %dma_start3A_145 = tpu.memref_slice %arg5[%mul3A_4, %dma_start3A_144] : memref<10000x128xf32, #tpu.memory_space<vmem_shared>> -> memref<624x128xf32, #tpu.memory_space<vmem_shared>>
      tpu.enqueue_dma source(%dma_start3A_145 : memref<624x128xf32, #tpu.memory_space<vmem_shared>>) target(%dma_start3A_143 : memref<624x128xf32, #tpu.memory_space<hbm>>) target_semaphore(%run_scoped3A_141 : memref<!tpu.dma_semaphore, #tpu.memory_space<semaphore_mem>>)
      %dma_wait3A_146 = arith.constant 0 : i32
      %dma_wait3A_147 = tpu.memref_slice %arg4[%add3A_135, %dma_wait3A_146] : memref<20000x128xf32, #tpu.memory_space<hbm>> -> memref<624x128xf32, #tpu.memory_space<hbm>>
      %dma_wait3A_148 = arith.constant 0 : i32
      %dma_wait3A_149 = tpu.memref_slice %arg5[%mul3A_4, %dma_wait3A_148] : memref<10000x128xf32, #tpu.memory_space<vmem_shared>> -> memref<624x128xf32, #tpu.memory_space<vmem_shared>>
      tpu.wait_dma2 semaphore(%run_scoped3A_141 : memref<!tpu.dma_semaphore, #tpu.memory_space<semaphore_mem>>) src(%dma_wait3A_149 : memref<624x128xf32, #tpu.memory_space<vmem_shared>>) dst(%dma_wait3A_147 : memref<624x128xf32, #tpu.memory_space<hbm>>)
      tpu.yield
    }) : () -> ()
    %eq3A_136 = arith.constant 15 : i32
    %eq3A_137 = arith.cmpi eq, %arg1, %eq3A_136 : i32
    %convert_element_type3A_138 = arith.extui %eq3A_137 : i1 to i32
    %cond3A_139 = arith.constant 0 : i32
    %cond3A_140 = arith.cmpi ne, %convert_element_type3A_138, %cond3A_139 : i32
    scf.if %cond3A_140 {
      %mul3A_141 = arith.constant 10000 : i32
      %mul3A_142 = arith.muli %arg0, %mul3A_141 : i32
      %add3A_143 = arith.constant 9984 : i32
      %add3A_144 = arith.addi %mul3A_142, %add3A_143 : i32
      "tpu.region"() ({
        %run_scoped3A_145 = tpu.sem_alloc : memref<!tpu.dma_semaphore, #tpu.memory_space<semaphore_mem>>
        %dma_start3A_146 = arith.constant 0 : i32
        %dma_start3A_147 = tpu.memref_slice %arg4[%add3A_144, %dma_start3A_146] : memref<20000x128xf32, #tpu.memory_space<hbm>> -> memref<16x128xf32, #tpu.memory_space<hbm>>
        %dma_start3A_148 = arith.constant 9984 : i32
        %dma_start3A_149 = arith.constant 0 : i32
        %dma_start3A_150 = tpu.memref_slice %arg5[%dma_start3A_148, %dma_start3A_149] : memref<10000x128xf32, #tpu.memory_space<vmem_shared>> -> memref<16x128xf32, #tpu.memory_space<vmem_shared>>
        tpu.enqueue_dma source(%dma_start3A_150 : memref<16x128xf32, #tpu.memory_space<vmem_shared>>) target(%dma_start3A_147 : memref<16x128xf32, #tpu.memory_space<hbm>>) target_semaphore(%run_scoped3A_145 : memref<!tpu.dma_semaphore, #tpu.memory_space<semaphore_mem>>)
        %dma_wait3A_151 = arith.constant 0 : i32
        %dma_wait3A_152 = tpu.memref_slice %arg4[%add3A_144, %dma_wait3A_151] : memref<20000x128xf32, #tpu.memory_space<hbm>> -> memref<16x128xf32, #tpu.memory_space<hbm>>
        %dma_wait3A_153 = arith.constant 9984 : i32
        %dma_wait3A_154 = arith.constant 0 : i32
        %dma_wait3A_155 = tpu.memref_slice %arg5[%dma_wait3A_153, %dma_wait3A_154] : memref<10000x128xf32, #tpu.memory_space<vmem_shared>> -> memref<16x128xf32, #tpu.memory_space<vmem_shared>>
        tpu.wait_dma2 semaphore(%run_scoped3A_145 : memref<!tpu.dma_semaphore, #tpu.memory_space<semaphore_mem>>) src(%dma_wait3A_155 : memref<16x128xf32, #tpu.memory_space<vmem_shared>>) dst(%dma_wait3A_152 : memref<16x128xf32, #tpu.memory_space<hbm>>)
        tpu.yield
      }) : () -> ()
    } else {
    }
    return
  }
}

#map = affine_map<(d0, d1) -> (0, 0)>
#map1 = affine_map<(d0, d1) -> (0, 0, 0)>
module attributes {stable_mosaic.version = 14 : i64} {
  func.func @_segsum_sc(%arg0: i32, %arg1: i32, %arg2: memref<10000x128xf32, #tpu.memory_space<hbm>>, %arg3: memref<2x2560x125xi32, #tpu.memory_space<hbm>>, %arg4: memref<20000x128xf32, #tpu.memory_space<hbm>>, %arg5: memref<10000x128xf32, #tpu.memory_space<vmem_shared>>, %arg6: memref<40x125xi32, #tpu.memory_space<vmem>>, %arg7: memref<40x125xi32, #tpu.memory_space<vmem>>, %arg8: memref<2x125x128xf32, #tpu.memory_space<vmem>>, %arg9: memref<!tpu.dma_semaphore, #tpu.memory_space<semaphore_mem>>, %arg10: memref<!tpu.dma_semaphore, #tpu.memory_space<semaphore_mem>>) attributes {dimension_semantics = [#tpu.dimension_semantics<core_parallel>, #tpu.dimension_semantics<subcore_parallel>], iteration_bounds = array<i64: 2, 16>, scalar_prefetch = 0 : i64, scratch_operands = 6 : i64, tpu.core_type = #tpu.core_type<sc_vector_subcore>, window_params = [{transform_indices = #map}, {transform_indices = #map1}, {transform_indices = #map}]} {
    %mul3A = arith.constant 2 : i32
    %mul3A_0 = arith.muli %arg1, %mul3A : i32
    %add3A = arith.addi %mul3A_0, %arg0 : i32
    %mul3A_1 = arith.constant 80 : i32
    %mul3A_2 = arith.muli %add3A, %mul3A_1 : i32
    %mul3A_3 = arith.constant 624 : i32
    %mul3A_4 = arith.muli %arg1, %mul3A_3 : i32
    %eq3A = arith.constant 0 : i32
    %eq3A_5 = arith.cmpi eq, %arg0, %eq3A : i32
    %convert_element_type3A = arith.extui %eq3A_5 : i1 to i32
    %cond3A = arith.constant 0 : i32
    %cond3A_6 = arith.cmpi ne, %convert_element_type3A, %cond3A : i32
    scf.if %cond3A_6 {
      "tpu.region"() ({
        %run_scoped3A_146 = tpu.sem_alloc : memref<!tpu.dma_semaphore, #tpu.memory_space<semaphore_mem>>
        %dma_start3A_147 = arith.constant 0 : i32
        %dma_start3A_148 = tpu.memref_slice %arg5[%mul3A_4, %dma_start3A_147] : memref<10000x128xf32, #tpu.memory_space<vmem_shared>> -> memref<624x128xf32, #tpu.memory_space<vmem_shared>>
        %dma_start3A_149 = arith.constant 0 : i32
        %dma_start3A_150 = tpu.memref_slice %arg2[%mul3A_4, %dma_start3A_149] : memref<10000x128xf32, #tpu.memory_space<hbm>> -> memref<624x128xf32, #tpu.memory_space<hbm>>
        tpu.enqueue_dma source(%dma_start3A_150 : memref<624x128xf32, #tpu.memory_space<hbm>>) target(%dma_start3A_148 : memref<624x128xf32, #tpu.memory_space<vmem_shared>>) target_semaphore(%run_scoped3A_146 : memref<!tpu.dma_semaphore, #tpu.memory_space<semaphore_mem>>)
        %dma_wait3A_151 = arith.constant 0 : i32
        %dma_wait3A_152 = tpu.memref_slice %arg5[%mul3A_4, %dma_wait3A_151] : memref<10000x128xf32, #tpu.memory_space<vmem_shared>> -> memref<624x128xf32, #tpu.memory_space<vmem_shared>>
        %dma_wait3A_153 = arith.constant 0 : i32
        %dma_wait3A_154 = tpu.memref_slice %arg2[%mul3A_4, %dma_wait3A_153] : memref<10000x128xf32, #tpu.memory_space<hbm>> -> memref<624x128xf32, #tpu.memory_space<hbm>>
        tpu.wait_dma2 semaphore(%run_scoped3A_146 : memref<!tpu.dma_semaphore, #tpu.memory_space<semaphore_mem>>) src(%dma_wait3A_154 : memref<624x128xf32, #tpu.memory_space<hbm>>) dst(%dma_wait3A_152 : memref<624x128xf32, #tpu.memory_space<vmem_shared>>)
        tpu.yield
      }) : () -> ()
      %eq3A_141 = arith.constant 15 : i32
      %eq3A_142 = arith.cmpi eq, %arg1, %eq3A_141 : i32
      %convert_element_type3A_143 = arith.extui %eq3A_142 : i1 to i32
      %cond3A_144 = arith.constant 0 : i32
      %cond3A_145 = arith.cmpi ne, %convert_element_type3A_143, %cond3A_144 : i32
      scf.if %cond3A_145 {
        "tpu.region"() ({
          %run_scoped3A_146 = tpu.sem_alloc : memref<!tpu.dma_semaphore, #tpu.memory_space<semaphore_mem>>
          %dma_start3A_147 = arith.constant 9984 : i32
          %dma_start3A_148 = arith.constant 0 : i32
          %dma_start3A_149 = tpu.memref_slice %arg5[%dma_start3A_147, %dma_start3A_148] : memref<10000x128xf32, #tpu.memory_space<vmem_shared>> -> memref<16x128xf32, #tpu.memory_space<vmem_shared>>
          %dma_start3A_150 = arith.constant 9984 : i32
          %dma_start3A_151 = arith.constant 0 : i32
          %dma_start3A_152 = tpu.memref_slice %arg2[%dma_start3A_150, %dma_start3A_151] : memref<10000x128xf32, #tpu.memory_space<hbm>> -> memref<16x128xf32, #tpu.memory_space<hbm>>
          tpu.enqueue_dma source(%dma_start3A_152 : memref<16x128xf32, #tpu.memory_space<hbm>>) target(%dma_start3A_149 : memref<16x128xf32, #tpu.memory_space<vmem_shared>>) target_semaphore(%run_scoped3A_146 : memref<!tpu.dma_semaphore, #tpu.memory_space<semaphore_mem>>)
          %dma_wait3A_153 = arith.constant 9984 : i32
          %dma_wait3A_154 = arith.constant 0 : i32
          %dma_wait3A_155 = tpu.memref_slice %arg5[%dma_wait3A_153, %dma_wait3A_154] : memref<10000x128xf32, #tpu.memory_space<vmem_shared>> -> memref<16x128xf32, #tpu.memory_space<vmem_shared>>
          %dma_wait3A_156 = arith.constant 9984 : i32
          %dma_wait3A_157 = arith.constant 0 : i32
          %dma_wait3A_158 = tpu.memref_slice %arg2[%dma_wait3A_156, %dma_wait3A_157] : memref<10000x128xf32, #tpu.memory_space<hbm>> -> memref<16x128xf32, #tpu.memory_space<hbm>>
          tpu.wait_dma2 semaphore(%run_scoped3A_146 : memref<!tpu.dma_semaphore, #tpu.memory_space<semaphore_mem>>) src(%dma_wait3A_158 : memref<16x128xf32, #tpu.memory_space<hbm>>) dst(%dma_wait3A_155 : memref<16x128xf32, #tpu.memory_space<vmem_shared>>)
          tpu.yield
        }) : () -> ()
      } else {
      }
    } else {
    }
    %eq3A_7 = arith.constant 1 : i32
    %eq3A_8 = arith.cmpi eq, %arg0, %eq3A_7 : i32
    %convert_element_type3A_9 = arith.extui %eq3A_8 : i1 to i32
    %cond3A_10 = arith.constant 0 : i32
    %cond3A_11 = arith.cmpi ne, %convert_element_type3A_9, %cond3A_10 : i32
    scf.if %cond3A_11 {
      %scan3A_141 = arith.constant 0 : i32
      %scan3A_142 = arith.constant 0 : i32
      %scan3A_143 = arith.constant 960 : i32
      %scan3A_144 = arith.addi %scan3A_142, %scan3A_143 : i32
      %scan3A_145 = arith.constant 1 : i32
      scf.for %scan3A_171 = %scan3A_142 to %scan3A_144 step %scan3A_145  : i32 {
        %jit3A = arith.constant 8 : i32
        %div3A = arith.divsi %scan3A_171, %jit3A : i32
        %sign3A = arith.constant 0 : i32
        %sign3A_172 = arith.cmpi sgt, %scan3A_171, %sign3A : i32
        %sign3A_173 = arith.extui %sign3A_172 : i1 to i32
        %sign3A_174 = arith.constant 0 : i32
        %sign3A_175 = arith.cmpi slt, %scan3A_171, %sign3A_174 : i32
        %sign3A_176 = arith.extui %sign3A_175 : i1 to i32
        %sign3A_177 = arith.subi %sign3A_173, %sign3A_176 : i32
        %sign3A_178 = arith.constant 0 : i32
        %sign3A_179 = arith.cmpi sgt, %jit3A, %sign3A_178 : i32
        %sign3A_180 = arith.extui %sign3A_179 : i1 to i32
        %sign3A_181 = arith.constant 0 : i32
        %sign3A_182 = arith.cmpi slt, %jit3A, %sign3A_181 : i32
        %sign3A_183 = arith.extui %sign3A_182 : i1 to i32
        %sign3A_184 = arith.subi %sign3A_180, %sign3A_183 : i32
        %ne3A = arith.cmpi ne, %sign3A_177, %sign3A_184 : i32
        %rem3A = arith.remsi %scan3A_171, %jit3A : i32
        %ne3A_185 = arith.constant 0 : i32
        %ne3A_186 = arith.cmpi ne, %rem3A, %ne3A_185 : i32
        %and3A = arith.andi %ne3A, %ne3A_186 : i1
        %sub3A = arith.constant 1 : i32
        %sub3A_187 = arith.subi %div3A, %sub3A : i32
        %select_n3A = arith.select %and3A, %sub3A_187, %div3A : i32
        %mul3A_188 = arith.constant 8 : i32
        %mul3A_189 = arith.muli %select_n3A, %mul3A_188 : i32
        %sub3A_190 = arith.subi %scan3A_171, %mul3A_189 : i32
        %broadcast_in_dim3A = arith.constant 0.000000e+00 : f32
        %broadcast_in_dim3A_191 = vector.broadcast %broadcast_in_dim3A : f32 to vector<16xf32>
        %mul3A_192 = arith.constant 16 : i32
        %mul3A_193 = arith.muli %sub3A_190, %mul3A_192 : i32
        %swap3A = arith.constant 0 : i32
        %swap3A_194 = arith.index_cast %swap3A : i32 to index
        %swap3A_195 = arith.index_cast %select_n3A : i32 to index
        %swap3A_196 = arith.index_cast %mul3A_193 : i32 to index
        %swap3A_197 = tpu.vector_load %arg8[%swap3A_194, %swap3A_195, %swap3A_196] {strides = array<i32>} : memref<2x125x128xf32, #tpu.memory_space<vmem>>, vector<1x1x16xf32>,
        %swap3A_198 = vector.shape_cast %swap3A_197 : vector<1x1x16xf32> to vector<16xf32>
        %swap3A_199 = vector.shape_cast %broadcast_in_dim3A_191 : vector<16xf32> to vector<1x1x16xf32>
        tpu.vector_store %arg8[%swap3A_194, %swap3A_195, %swap3A_196], %swap3A_199 {strides = array<i32>} : memref<2x125x128xf32, #tpu.memory_space<vmem>>, vector<1x1x16xf32>,
      }
      %scan3A_146 = arith.constant 960 : i32
      %add3A_147 = arith.constant 0 : i32
      %add3A_148 = arith.addi %mul3A_4, %add3A_147 : i32
      %run_scoped3A_149 = arith.constant 0 : i32
      "tpu.region"() ({
        %run_scoped3A_171 = tpu.sem_alloc : memref<!tpu.dma_semaphore, #tpu.memory_space<semaphore_mem>>
        %dma_start3A_172 = arith.constant 0 : i32
        %dma_start3A_173 = arith.constant 0 : i32
        %dma_start3A_174 = tpu.memref_slice %arg8[%run_scoped3A_149, %dma_start3A_172, %dma_start3A_173] : memref<2x125x128xf32, #tpu.memory_space<vmem>> -> memref<1x125x128xf32, #tpu.memory_space<vmem>>
        %dma_start3A_175 = tpu.memref_squeeze %dma_start3A_174 : memref<1x125x128xf32, #tpu.memory_space<vmem>> -> memref<125x128xf32, #tpu.memory_space<vmem>>
        %dma_start3A_176 = arith.constant 0 : i32
        %dma_start3A_177 = arith.constant 0 : i32
        %dma_start3A_178 = tpu.memref_slice %dma_start3A_175[%dma_start3A_176, %dma_start3A_177] : memref<125x128xf32, #tpu.memory_space<vmem>> -> memref<120x128xf32, #tpu.memory_space<vmem>>
        %dma_start3A_179 = arith.constant 0 : i32
        %dma_start3A_180 = tpu.memref_slice %arg5[%add3A_148, %dma_start3A_179] : memref<10000x128xf32, #tpu.memory_space<vmem_shared>> -> memref<120x128xf32, #tpu.memory_space<vmem_shared>>
        %dma_start3A_181 = arith.constant 0 : i32
        %dma_start3A_182 = tpu.memref_slice %arg5[%add3A_148, %dma_start3A_181] : memref<10000x128xf32, #tpu.memory_space<vmem_shared>> -> memref<120x128xf32, #tpu.memory_space<vmem_shared>>
        %dma_start3A_183 = arith.constant 0 : i32
        %dma_start3A_184 = arith.constant 0 : i32
        %dma_start3A_185 = tpu.memref_slice %arg8[%run_scoped3A_149, %dma_start3A_183, %dma_start3A_184] : memref<2x125x128xf32, #tpu.memory_space<vmem>> -> memref<1x125x128xf32, #tpu.memory_space<vmem>>
        %dma_start3A_186 = tpu.memref_squeeze %dma_start3A_185 : memref<1x125x128xf32, #tpu.memory_space<vmem>> -> memref<125x128xf32, #tpu.memory_space<vmem>>
        %dma_start3A_187 = arith.constant 0 : i32
        %dma_start3A_188 = arith.constant 0 : i32
        %dma_start3A_189 = tpu.memref_slice %dma_start3A_186[%dma_start3A_187, %dma_start3A_188] : memref<125x128xf32, #tpu.memory_space<vmem>> -> memref<120x128xf32, #tpu.memory_space<vmem>>
        tpu.enqueue_dma source(%dma_start3A_189 : memref<120x128xf32, #tpu.memory_space<vmem>>) target(%dma_start3A_182 : memref<120x128xf32, #tpu.memory_space<vmem_shared>>) target_semaphore(%run_scoped3A_171 : memref<!tpu.dma_semaphore, #tpu.memory_space<semaphore_mem>>)
        %dma_wait3A_190 = arith.constant 0 : i32
        %dma_wait3A_191 = arith.constant 0 : i32
        %dma_wait3A_192 = tpu.memref_slice %arg8[%run_scoped3A_149, %dma_wait3A_190, %dma_wait3A_191] : memref<2x125x128xf32, #tpu.memory_space<vmem>> -> memref<1x125x128xf32, #tpu.memory_space<vmem>>
        %dma_wait3A_193 = tpu.memref_squeeze %dma_wait3A_192 : memref<1x125x128xf32, #tpu.memory_space<vmem>> -> memref<125x128xf32, #tpu.memory_space<vmem>>
        %dma_wait3A_194 = arith.constant 0 : i32
        %dma_wait3A_195 = arith.constant 0 : i32
        %dma_wait3A_196 = tpu.memref_slice %dma_wait3A_193[%dma_wait3A_194, %dma_wait3A_195] : memref<125x128xf32, #tpu.memory_space<vmem>> -> memref<120x128xf32, #tpu.memory_space<vmem>>
        %dma_wait3A_197 = arith.constant 0 : i32
        %dma_wait3A_198 = tpu.memref_slice %arg5[%add3A_148, %dma_wait3A_197] : memref<10000x128xf32, #tpu.memory_space<vmem_shared>> -> memref<120x128xf32, #tpu.memory_space<vmem_shared>>
        %dma_wait3A_199 = arith.constant 0 : i32
        %dma_wait3A_200 = tpu.memref_slice %arg5[%add3A_148, %dma_wait3A_199] : memref<10000x128xf32, #tpu.memory_space<vmem_shared>> -> memref<120x128xf32, #tpu.memory_space<vmem_shared>>
        %dma_wait3A_201 = arith.constant 0 : i32
        %dma_wait3A_202 = arith.constant 0 : i32
        %dma_wait3A_203 = tpu.memref_slice %arg8[%run_scoped3A_149, %dma_wait3A_201, %dma_wait3A_202] : memref<2x125x128xf32, #tpu.memory_space<vmem>> -> memref<1x125x128xf32, #tpu.memory_space<vmem>>
        %dma_wait3A_204 = tpu.memref_squeeze %dma_wait3A_203 : memref<1x125x128xf32, #tpu.memory_space<vmem>> -> memref<125x128xf32, #tpu.memory_space<vmem>>
        %dma_wait3A_205 = arith.constant 0 : i32
        %dma_wait3A_206 = arith.constant 0 : i32
        %dma_wait3A_207 = tpu.memref_slice %dma_wait3A_204[%dma_wait3A_205, %dma_wait3A_206] : memref<125x128xf32, #tpu.memory_space<vmem>> -> memref<120x128xf32, #tpu.memory_space<vmem>>
        tpu.wait_dma2 semaphore(%run_scoped3A_171 : memref<!tpu.dma_semaphore, #tpu.memory_space<semaphore_mem>>) src(%dma_wait3A_207 : memref<120x128xf32, #tpu.memory_space<vmem>>) dst(%dma_wait3A_200 : memref<120x128xf32, #tpu.memory_space<vmem_shared>>)
        tpu.yield
      }) : () -> ()
      %add3A_150 = arith.constant 120 : i32
      %add3A_151 = arith.addi %mul3A_4, %add3A_150 : i32
      %run_scoped3A_152 = arith.constant 0 : i32
      "tpu.region"() ({
        %run_scoped3A_171 = tpu.sem_alloc : memref<!tpu.dma_semaphore, #tpu.memory_space<semaphore_mem>>
        %dma_start3A_172 = arith.constant 0 : i32
        %dma_start3A_173 = arith.constant 0 : i32
        %dma_start3A_174 = tpu.memref_slice %arg8[%run_scoped3A_152, %dma_start3A_172, %dma_start3A_173] : memref<2x125x128xf32, #tpu.memory_space<vmem>> -> memref<1x125x128xf32, #tpu.memory_space<vmem>>
        %dma_start3A_175 = tpu.memref_squeeze %dma_start3A_174 : memref<1x125x128xf32, #tpu.memory_space<vmem>> -> memref<125x128xf32, #tpu.memory_space<vmem>>
        %dma_start3A_176 = arith.constant 0 : i32
        %dma_start3A_177 = arith.constant 0 : i32
        %dma_start3A_178 = tpu.memref_slice %dma_start3A_175[%dma_start3A_176, %dma_start3A_177] : memref<125x128xf32, #tpu.memory_space<vmem>> -> memref<120x128xf32, #tpu.memory_space<vmem>>
        %dma_start3A_179 = arith.constant 0 : i32
        %dma_start3A_180 = tpu.memref_slice %arg5[%add3A_151, %dma_start3A_179] : memref<10000x128xf32, #tpu.memory_space<vmem_shared>> -> memref<120x128xf32, #tpu.memory_space<vmem_shared>>
        %dma_start3A_181 = arith.constant 0 : i32
        %dma_start3A_182 = tpu.memref_slice %arg5[%add3A_151, %dma_start3A_181] : memref<10000x128xf32, #tpu.memory_space<vmem_shared>> -> memref<120x128xf32, #tpu.memory_space<vmem_shared>>
        %dma_start3A_183 = arith.constant 0 : i32
        %dma_start3A_184 = arith.constant 0 : i32
        %dma_start3A_185 = tpu.memref_slice %arg8[%run_scoped3A_152, %dma_start3A_183, %dma_start3A_184] : memref<2x125x128xf32, #tpu.memory_space<vmem>> -> memref<1x125x128xf32, #tpu.memory_space<vmem>>
        %dma_start3A_186 = tpu.memref_squeeze %dma_start3A_185 : memref<1x125x128xf32, #tpu.memory_space<vmem>> -> memref<125x128xf32, #tpu.memory_space<vmem>>
        %dma_start3A_187 = arith.constant 0 : i32
        %dma_start3A_188 = arith.constant 0 : i32
        %dma_start3A_189 = tpu.memref_slice %dma_start3A_186[%dma_start3A_187, %dma_start3A_188] : memref<125x128xf32, #tpu.memory_space<vmem>> -> memref<120x128xf32, #tpu.memory_space<vmem>>
        tpu.enqueue_dma source(%dma_start3A_189 : memref<120x128xf32, #tpu.memory_space<vmem>>) target(%dma_start3A_182 : memref<120x128xf32, #tpu.memory_space<vmem_shared>>) target_semaphore(%run_scoped3A_171 : memref<!tpu.dma_semaphore, #tpu.memory_space<semaphore_mem>>)
        %dma_wait3A_190 = arith.constant 0 : i32
        %dma_wait3A_191 = arith.constant 0 : i32
        %dma_wait3A_192 = tpu.memref_slice %arg8[%run_scoped3A_152, %dma_wait3A_190, %dma_wait3A_191] : memref<2x125x128xf32, #tpu.memory_space<vmem>> -> memref<1x125x128xf32, #tpu.memory_space<vmem>>
        %dma_wait3A_193 = tpu.memref_squeeze %dma_wait3A_192 : memref<1x125x128xf32, #tpu.memory_space<vmem>> -> memref<125x128xf32, #tpu.memory_space<vmem>>
        %dma_wait3A_194 = arith.constant 0 : i32
        %dma_wait3A_195 = arith.constant 0 : i32
        %dma_wait3A_196 = tpu.memref_slice %dma_wait3A_193[%dma_wait3A_194, %dma_wait3A_195] : memref<125x128xf32, #tpu.memory_space<vmem>> -> memref<120x128xf32, #tpu.memory_space<vmem>>
        %dma_wait3A_197 = arith.constant 0 : i32
        %dma_wait3A_198 = tpu.memref_slice %arg5[%add3A_151, %dma_wait3A_197] : memref<10000x128xf32, #tpu.memory_space<vmem_shared>> -> memref<120x128xf32, #tpu.memory_space<vmem_shared>>
        %dma_wait3A_199 = arith.constant 0 : i32
        %dma_wait3A_200 = tpu.memref_slice %arg5[%add3A_151, %dma_wait3A_199] : memref<10000x128xf32, #tpu.memory_space<vmem_shared>> -> memref<120x128xf32, #tpu.memory_space<vmem_shared>>
        %dma_wait3A_201 = arith.constant 0 : i32
        %dma_wait3A_202 = arith.constant 0 : i32
        %dma_wait3A_203 = tpu.memref_slice %arg8[%run_scoped3A_152, %dma_wait3A_201, %dma_wait3A_202] : memref<2x125x128xf32, #tpu.memory_space<vmem>> -> memref<1x125x128xf32, #tpu.memory_space<vmem>>
        %dma_wait3A_204 = tpu.memref_squeeze %dma_wait3A_203 : memref<1x125x128xf32, #tpu.memory_space<vmem>> -> memref<125x128xf32, #tpu.memory_space<vmem>>
        %dma_wait3A_205 = arith.constant 0 : i32
        %dma_wait3A_206 = arith.constant 0 : i32
        %dma_wait3A_207 = tpu.memref_slice %dma_wait3A_204[%dma_wait3A_205, %dma_wait3A_206] : memref<125x128xf32, #tpu.memory_space<vmem>> -> memref<120x128xf32, #tpu.memory_space<vmem>>
        tpu.wait_dma2 semaphore(%run_scoped3A_171 : memref<!tpu.dma_semaphore, #tpu.memory_space<semaphore_mem>>) src(%dma_wait3A_207 : memref<120x128xf32, #tpu.memory_space<vmem>>) dst(%dma_wait3A_200 : memref<120x128xf32, #tpu.memory_space<vmem_shared>>)
        tpu.yield
      }) : () -> ()
      %add3A_153 = arith.constant 240 : i32
      %add3A_154 = arith.addi %mul3A_4, %add3A_153 : i32
      %run_scoped3A_155 = arith.constant 0 : i32
      "tpu.region"() ({
        %run_scoped3A_171 = tpu.sem_alloc : memref<!tpu.dma_semaphore, #tpu.memory_space<semaphore_mem>>
        %dma_start3A_172 = arith.constant 0 : i32
        %dma_start3A_173 = arith.constant 0 : i32
        %dma_start3A_174 = tpu.memref_slice %arg8[%run_scoped3A_155, %dma_start3A_172, %dma_start3A_173] : memref<2x125x128xf32, #tpu.memory_space<vmem>> -> memref<1x125x128xf32, #tpu.memory_space<vmem>>
        %dma_start3A_175 = tpu.memref_squeeze %dma_start3A_174 : memref<1x125x128xf32, #tpu.memory_space<vmem>> -> memref<125x128xf32, #tpu.memory_space<vmem>>
        %dma_start3A_176 = arith.constant 0 : i32
        %dma_start3A_177 = arith.constant 0 : i32
        %dma_start3A_178 = tpu.memref_slice %dma_start3A_175[%dma_start3A_176, %dma_start3A_177] : memref<125x128xf32, #tpu.memory_space<vmem>> -> memref<120x128xf32, #tpu.memory_space<vmem>>
        %dma_start3A_179 = arith.constant 0 : i32
        %dma_start3A_180 = tpu.memref_slice %arg5[%add3A_154, %dma_start3A_179] : memref<10000x128xf32, #tpu.memory_space<vmem_shared>> -> memref<120x128xf32, #tpu.memory_space<vmem_shared>>
        %dma_start3A_181 = arith.constant 0 : i32
        %dma_start3A_182 = tpu.memref_slice %arg5[%add3A_154, %dma_start3A_181] : memref<10000x128xf32, #tpu.memory_space<vmem_shared>> -> memref<120x128xf32, #tpu.memory_space<vmem_shared>>
        %dma_start3A_183 = arith.constant 0 : i32
        %dma_start3A_184 = arith.constant 0 : i32
        %dma_start3A_185 = tpu.memref_slice %arg8[%run_scoped3A_155, %dma_start3A_183, %dma_start3A_184] : memref<2x125x128xf32, #tpu.memory_space<vmem>> -> memref<1x125x128xf32, #tpu.memory_space<vmem>>
        %dma_start3A_186 = tpu.memref_squeeze %dma_start3A_185 : memref<1x125x128xf32, #tpu.memory_space<vmem>> -> memref<125x128xf32, #tpu.memory_space<vmem>>
        %dma_start3A_187 = arith.constant 0 : i32
        %dma_start3A_188 = arith.constant 0 : i32
        %dma_start3A_189 = tpu.memref_slice %dma_start3A_186[%dma_start3A_187, %dma_start3A_188] : memref<125x128xf32, #tpu.memory_space<vmem>> -> memref<120x128xf32, #tpu.memory_space<vmem>>
        tpu.enqueue_dma source(%dma_start3A_189 : memref<120x128xf32, #tpu.memory_space<vmem>>) target(%dma_start3A_182 : memref<120x128xf32, #tpu.memory_space<vmem_shared>>) target_semaphore(%run_scoped3A_171 : memref<!tpu.dma_semaphore, #tpu.memory_space<semaphore_mem>>)
        %dma_wait3A_190 = arith.constant 0 : i32
        %dma_wait3A_191 = arith.constant 0 : i32
        %dma_wait3A_192 = tpu.memref_slice %arg8[%run_scoped3A_155, %dma_wait3A_190, %dma_wait3A_191] : memref<2x125x128xf32, #tpu.memory_space<vmem>> -> memref<1x125x128xf32, #tpu.memory_space<vmem>>
        %dma_wait3A_193 = tpu.memref_squeeze %dma_wait3A_192 : memref<1x125x128xf32, #tpu.memory_space<vmem>> -> memref<125x128xf32, #tpu.memory_space<vmem>>
        %dma_wait3A_194 = arith.constant 0 : i32
        %dma_wait3A_195 = arith.constant 0 : i32
        %dma_wait3A_196 = tpu.memref_slice %dma_wait3A_193[%dma_wait3A_194, %dma_wait3A_195] : memref<125x128xf32, #tpu.memory_space<vmem>> -> memref<120x128xf32, #tpu.memory_space<vmem>>
        %dma_wait3A_197 = arith.constant 0 : i32
        %dma_wait3A_198 = tpu.memref_slice %arg5[%add3A_154, %dma_wait3A_197] : memref<10000x128xf32, #tpu.memory_space<vmem_shared>> -> memref<120x128xf32, #tpu.memory_space<vmem_shared>>
        %dma_wait3A_199 = arith.constant 0 : i32
        %dma_wait3A_200 = tpu.memref_slice %arg5[%add3A_154, %dma_wait3A_199] : memref<10000x128xf32, #tpu.memory_space<vmem_shared>> -> memref<120x128xf32, #tpu.memory_space<vmem_shared>>
        %dma_wait3A_201 = arith.constant 0 : i32
        %dma_wait3A_202 = arith.constant 0 : i32
        %dma_wait3A_203 = tpu.memref_slice %arg8[%run_scoped3A_155, %dma_wait3A_201, %dma_wait3A_202] : memref<2x125x128xf32, #tpu.memory_space<vmem>> -> memref<1x125x128xf32, #tpu.memory_space<vmem>>
        %dma_wait3A_204 = tpu.memref_squeeze %dma_wait3A_203 : memref<1x125x128xf32, #tpu.memory_space<vmem>> -> memref<125x128xf32, #tpu.memory_space<vmem>>
        %dma_wait3A_205 = arith.constant 0 : i32
        %dma_wait3A_206 = arith.constant 0 : i32
        %dma_wait3A_207 = tpu.memref_slice %dma_wait3A_204[%dma_wait3A_205, %dma_wait3A_206] : memref<125x128xf32, #tpu.memory_space<vmem>> -> memref<120x128xf32, #tpu.memory_space<vmem>>
        tpu.wait_dma2 semaphore(%run_scoped3A_171 : memref<!tpu.dma_semaphore, #tpu.memory_space<semaphore_mem>>) src(%dma_wait3A_207 : memref<120x128xf32, #tpu.memory_space<vmem>>) dst(%dma_wait3A_200 : memref<120x128xf32, #tpu.memory_space<vmem_shared>>)
        tpu.yield
      }) : () -> ()
      %add3A_156 = arith.constant 360 : i32
      %add3A_157 = arith.addi %mul3A_4, %add3A_156 : i32
      %run_scoped3A_158 = arith.constant 0 : i32
      "tpu.region"() ({
        %run_scoped3A_171 = tpu.sem_alloc : memref<!tpu.dma_semaphore, #tpu.memory_space<semaphore_mem>>
        %dma_start3A_172 = arith.constant 0 : i32
        %dma_start3A_173 = arith.constant 0 : i32
        %dma_start3A_174 = tpu.memref_slice %arg8[%run_scoped3A_158, %dma_start3A_172, %dma_start3A_173] : memref<2x125x128xf32, #tpu.memory_space<vmem>> -> memref<1x125x128xf32, #tpu.memory_space<vmem>>
        %dma_start3A_175 = tpu.memref_squeeze %dma_start3A_174 : memref<1x125x128xf32, #tpu.memory_space<vmem>> -> memref<125x128xf32, #tpu.memory_space<vmem>>
        %dma_start3A_176 = arith.constant 0 : i32
        %dma_start3A_177 = arith.constant 0 : i32
        %dma_start3A_178 = tpu.memref_slice %dma_start3A_175[%dma_start3A_176, %dma_start3A_177] : memref<125x128xf32, #tpu.memory_space<vmem>> -> memref<120x128xf32, #tpu.memory_space<vmem>>
        %dma_start3A_179 = arith.constant 0 : i32
        %dma_start3A_180 = tpu.memref_slice %arg5[%add3A_157, %dma_start3A_179] : memref<10000x128xf32, #tpu.memory_space<vmem_shared>> -> memref<120x128xf32, #tpu.memory_space<vmem_shared>>
        %dma_start3A_181 = arith.constant 0 : i32
        %dma_start3A_182 = tpu.memref_slice %arg5[%add3A_157, %dma_start3A_181] : memref<10000x128xf32, #tpu.memory_space<vmem_shared>> -> memref<120x128xf32, #tpu.memory_space<vmem_shared>>
        %dma_start3A_183 = arith.constant 0 : i32
        %dma_start3A_184 = arith.constant 0 : i32
        %dma_start3A_185 = tpu.memref_slice %arg8[%run_scoped3A_158, %dma_start3A_183, %dma_start3A_184] : memref<2x125x128xf32, #tpu.memory_space<vmem>> -> memref<1x125x128xf32, #tpu.memory_space<vmem>>
        %dma_start3A_186 = tpu.memref_squeeze %dma_start3A_185 : memref<1x125x128xf32, #tpu.memory_space<vmem>> -> memref<125x128xf32, #tpu.memory_space<vmem>>
        %dma_start3A_187 = arith.constant 0 : i32
        %dma_start3A_188 = arith.constant 0 : i32
        %dma_start3A_189 = tpu.memref_slice %dma_start3A_186[%dma_start3A_187, %dma_start3A_188] : memref<125x128xf32, #tpu.memory_space<vmem>> -> memref<120x128xf32, #tpu.memory_space<vmem>>
        tpu.enqueue_dma source(%dma_start3A_189 : memref<120x128xf32, #tpu.memory_space<vmem>>) target(%dma_start3A_182 : memref<120x128xf32, #tpu.memory_space<vmem_shared>>) target_semaphore(%run_scoped3A_171 : memref<!tpu.dma_semaphore, #tpu.memory_space<semaphore_mem>>)
        %dma_wait3A_190 = arith.constant 0 : i32
        %dma_wait3A_191 = arith.constant 0 : i32
        %dma_wait3A_192 = tpu.memref_slice %arg8[%run_scoped3A_158, %dma_wait3A_190, %dma_wait3A_191] : memref<2x125x128xf32, #tpu.memory_space<vmem>> -> memref<1x125x128xf32, #tpu.memory_space<vmem>>
        %dma_wait3A_193 = tpu.memref_squeeze %dma_wait3A_192 : memref<1x125x128xf32, #tpu.memory_space<vmem>> -> memref<125x128xf32, #tpu.memory_space<vmem>>
        %dma_wait3A_194 = arith.constant 0 : i32
        %dma_wait3A_195 = arith.constant 0 : i32
        %dma_wait3A_196 = tpu.memref_slice %dma_wait3A_193[%dma_wait3A_194, %dma_wait3A_195] : memref<125x128xf32, #tpu.memory_space<vmem>> -> memref<120x128xf32, #tpu.memory_space<vmem>>
        %dma_wait3A_197 = arith.constant 0 : i32
        %dma_wait3A_198 = tpu.memref_slice %arg5[%add3A_157, %dma_wait3A_197] : memref<10000x128xf32, #tpu.memory_space<vmem_shared>> -> memref<120x128xf32, #tpu.memory_space<vmem_shared>>
        %dma_wait3A_199 = arith.constant 0 : i32
        %dma_wait3A_200 = tpu.memref_slice %arg5[%add3A_157, %dma_wait3A_199] : memref<10000x128xf32, #tpu.memory_space<vmem_shared>> -> memref<120x128xf32, #tpu.memory_space<vmem_shared>>
        %dma_wait3A_201 = arith.constant 0 : i32
        %dma_wait3A_202 = arith.constant 0 : i32
        %dma_wait3A_203 = tpu.memref_slice %arg8[%run_scoped3A_158, %dma_wait3A_201, %dma_wait3A_202] : memref<2x125x128xf32, #tpu.memory_space<vmem>> -> memref<1x125x128xf32, #tpu.memory_space<vmem>>
        %dma_wait3A_204 = tpu.memref_squeeze %dma_wait3A_203 : memref<1x125x128xf32, #tpu.memory_space<vmem>> -> memref<125x128xf32, #tpu.memory_space<vmem>>
        %dma_wait3A_205 = arith.constant 0 : i32
        %dma_wait3A_206 = arith.constant 0 : i32
        %dma_wait3A_207 = tpu.memref_slice %dma_wait3A_204[%dma_wait3A_205, %dma_wait3A_206] : memref<125x128xf32, #tpu.memory_space<vmem>> -> memref<120x128xf32, #tpu.memory_space<vmem>>
        tpu.wait_dma2 semaphore(%run_scoped3A_171 : memref<!tpu.dma_semaphore, #tpu.memory_space<semaphore_mem>>) src(%dma_wait3A_207 : memref<120x128xf32, #tpu.memory_space<vmem>>) dst(%dma_wait3A_200 : memref<120x128xf32, #tpu.memory_space<vmem_shared>>)
        tpu.yield
      }) : () -> ()
      %add3A_159 = arith.constant 480 : i32
      %add3A_160 = arith.addi %mul3A_4, %add3A_159 : i32
      %run_scoped3A_161 = arith.constant 0 : i32
      "tpu.region"() ({
        %run_scoped3A_171 = tpu.sem_alloc : memref<!tpu.dma_semaphore, #tpu.memory_space<semaphore_mem>>
        %dma_start3A_172 = arith.constant 0 : i32
        %dma_start3A_173 = arith.constant 0 : i32
        %dma_start3A_174 = tpu.memref_slice %arg8[%run_scoped3A_161, %dma_start3A_172, %dma_start3A_173] : memref<2x125x128xf32, #tpu.memory_space<vmem>> -> memref<1x125x128xf32, #tpu.memory_space<vmem>>
        %dma_start3A_175 = tpu.memref_squeeze %dma_start3A_174 : memref<1x125x128xf32, #tpu.memory_space<vmem>> -> memref<125x128xf32, #tpu.memory_space<vmem>>
        %dma_start3A_176 = arith.constant 0 : i32
        %dma_start3A_177 = arith.constant 0 : i32
        %dma_start3A_178 = tpu.memref_slice %dma_start3A_175[%dma_start3A_176, %dma_start3A_177] : memref<125x128xf32, #tpu.memory_space<vmem>> -> memref<120x128xf32, #tpu.memory_space<vmem>>
        %dma_start3A_179 = arith.constant 0 : i32
        %dma_start3A_180 = tpu.memref_slice %arg5[%add3A_160, %dma_start3A_179] : memref<10000x128xf32, #tpu.memory_space<vmem_shared>> -> memref<120x128xf32, #tpu.memory_space<vmem_shared>>
        %dma_start3A_181 = arith.constant 0 : i32
        %dma_start3A_182 = tpu.memref_slice %arg5[%add3A_160, %dma_start3A_181] : memref<10000x128xf32, #tpu.memory_space<vmem_shared>> -> memref<120x128xf32, #tpu.memory_space<vmem_shared>>
        %dma_start3A_183 = arith.constant 0 : i32
        %dma_start3A_184 = arith.constant 0 : i32
        %dma_start3A_185 = tpu.memref_slice %arg8[%run_scoped3A_161, %dma_start3A_183, %dma_start3A_184] : memref<2x125x128xf32, #tpu.memory_space<vmem>> -> memref<1x125x128xf32, #tpu.memory_space<vmem>>
        %dma_start3A_186 = tpu.memref_squeeze %dma_start3A_185 : memref<1x125x128xf32, #tpu.memory_space<vmem>> -> memref<125x128xf32, #tpu.memory_space<vmem>>
        %dma_start3A_187 = arith.constant 0 : i32
        %dma_start3A_188 = arith.constant 0 : i32
        %dma_start3A_189 = tpu.memref_slice %dma_start3A_186[%dma_start3A_187, %dma_start3A_188] : memref<125x128xf32, #tpu.memory_space<vmem>> -> memref<120x128xf32, #tpu.memory_space<vmem>>
        tpu.enqueue_dma source(%dma_start3A_189 : memref<120x128xf32, #tpu.memory_space<vmem>>) target(%dma_start3A_182 : memref<120x128xf32, #tpu.memory_space<vmem_shared>>) target_semaphore(%run_scoped3A_171 : memref<!tpu.dma_semaphore, #tpu.memory_space<semaphore_mem>>)
        %dma_wait3A_190 = arith.constant 0 : i32
        %dma_wait3A_191 = arith.constant 0 : i32
        %dma_wait3A_192 = tpu.memref_slice %arg8[%run_scoped3A_161, %dma_wait3A_190, %dma_wait3A_191] : memref<2x125x128xf32, #tpu.memory_space<vmem>> -> memref<1x125x128xf32, #tpu.memory_space<vmem>>
        %dma_wait3A_193 = tpu.memref_squeeze %dma_wait3A_192 : memref<1x125x128xf32, #tpu.memory_space<vmem>> -> memref<125x128xf32, #tpu.memory_space<vmem>>
        %dma_wait3A_194 = arith.constant 0 : i32
        %dma_wait3A_195 = arith.constant 0 : i32
        %dma_wait3A_196 = tpu.memref_slice %dma_wait3A_193[%dma_wait3A_194, %dma_wait3A_195] : memref<125x128xf32, #tpu.memory_space<vmem>> -> memref<120x128xf32, #tpu.memory_space<vmem>>
        %dma_wait3A_197 = arith.constant 0 : i32
        %dma_wait3A_198 = tpu.memref_slice %arg5[%add3A_160, %dma_wait3A_197] : memref<10000x128xf32, #tpu.memory_space<vmem_shared>> -> memref<120x128xf32, #tpu.memory_space<vmem_shared>>
        %dma_wait3A_199 = arith.constant 0 : i32
        %dma_wait3A_200 = tpu.memref_slice %arg5[%add3A_160, %dma_wait3A_199] : memref<10000x128xf32, #tpu.memory_space<vmem_shared>> -> memref<120x128xf32, #tpu.memory_space<vmem_shared>>
        %dma_wait3A_201 = arith.constant 0 : i32
        %dma_wait3A_202 = arith.constant 0 : i32
        %dma_wait3A_203 = tpu.memref_slice %arg8[%run_scoped3A_161, %dma_wait3A_201, %dma_wait3A_202] : memref<2x125x128xf32, #tpu.memory_space<vmem>> -> memref<1x125x128xf32, #tpu.memory_space<vmem>>
        %dma_wait3A_204 = tpu.memref_squeeze %dma_wait3A_203 : memref<1x125x128xf32, #tpu.memory_space<vmem>> -> memref<125x128xf32, #tpu.memory_space<vmem>>
        %dma_wait3A_205 = arith.constant 0 : i32
        %dma_wait3A_206 = arith.constant 0 : i32
        %dma_wait3A_207 = tpu.memref_slice %dma_wait3A_204[%dma_wait3A_205, %dma_wait3A_206] : memref<125x128xf32, #tpu.memory_space<vmem>> -> memref<120x128xf32, #tpu.memory_space<vmem>>
        tpu.wait_dma2 semaphore(%run_scoped3A_171 : memref<!tpu.dma_semaphore, #tpu.memory_space<semaphore_mem>>) src(%dma_wait3A_207 : memref<120x128xf32, #tpu.memory_space<vmem>>) dst(%dma_wait3A_200 : memref<120x128xf32, #tpu.memory_space<vmem_shared>>)
        tpu.yield
      }) : () -> ()
      %add3A_162 = arith.constant 600 : i32
      %add3A_163 = arith.addi %mul3A_4, %add3A_162 : i32
      %run_scoped3A_164 = arith.constant 0 : i32
      "tpu.region"() ({
        %run_scoped3A_171 = tpu.sem_alloc : memref<!tpu.dma_semaphore, #tpu.memory_space<semaphore_mem>>
        %dma_start3A_172 = arith.constant 0 : i32
        %dma_start3A_173 = arith.constant 0 : i32
        %dma_start3A_174 = tpu.memref_slice %arg8[%run_scoped3A_164, %dma_start3A_172, %dma_start3A_173] : memref<2x125x128xf32, #tpu.memory_space<vmem>> -> memref<1x125x128xf32, #tpu.memory_space<vmem>>
        %dma_start3A_175 = tpu.memref_squeeze %dma_start3A_174 : memref<1x125x128xf32, #tpu.memory_space<vmem>> -> memref<125x128xf32, #tpu.memory_space<vmem>>
        %dma_start3A_176 = arith.constant 0 : i32
        %dma_start3A_177 = arith.constant 0 : i32
        %dma_start3A_178 = tpu.memref_slice %dma_start3A_175[%dma_start3A_176, %dma_start3A_177] : memref<125x128xf32, #tpu.memory_space<vmem>> -> memref<24x128xf32, #tpu.memory_space<vmem>>
        %dma_start3A_179 = arith.constant 0 : i32
        %dma_start3A_180 = tpu.memref_slice %arg5[%add3A_163, %dma_start3A_179] : memref<10000x128xf32, #tpu.memory_space<vmem_shared>> -> memref<24x128xf32, #tpu.memory_space<vmem_shared>>
        %dma_start3A_181 = arith.constant 0 : i32
        %dma_start3A_182 = tpu.memref_slice %arg5[%add3A_163, %dma_start3A_181] : memref<10000x128xf32, #tpu.memory_space<vmem_shared>> -> memref<24x128xf32, #tpu.memory_space<vmem_shared>>
        %dma_start3A_183 = arith.constant 0 : i32
        %dma_start3A_184 = arith.constant 0 : i32
        %dma_start3A_185 = tpu.memref_slice %arg8[%run_scoped3A_164, %dma_start3A_183, %dma_start3A_184] : memref<2x125x128xf32, #tpu.memory_space<vmem>> -> memref<1x125x128xf32, #tpu.memory_space<vmem>>
        %dma_start3A_186 = tpu.memref_squeeze %dma_start3A_185 : memref<1x125x128xf32, #tpu.memory_space<vmem>> -> memref<125x128xf32, #tpu.memory_space<vmem>>
        %dma_start3A_187 = arith.constant 0 : i32
        %dma_start3A_188 = arith.constant 0 : i32
        %dma_start3A_189 = tpu.memref_slice %dma_start3A_186[%dma_start3A_187, %dma_start3A_188] : memref<125x128xf32, #tpu.memory_space<vmem>> -> memref<24x128xf32, #tpu.memory_space<vmem>>
        tpu.enqueue_dma source(%dma_start3A_189 : memref<24x128xf32, #tpu.memory_space<vmem>>) target(%dma_start3A_182 : memref<24x128xf32, #tpu.memory_space<vmem_shared>>) target_semaphore(%run_scoped3A_171 : memref<!tpu.dma_semaphore, #tpu.memory_space<semaphore_mem>>)
        %dma_wait3A_190 = arith.constant 0 : i32
        %dma_wait3A_191 = arith.constant 0 : i32
        %dma_wait3A_192 = tpu.memref_slice %arg8[%run_scoped3A_164, %dma_wait3A_190, %dma_wait3A_191] : memref<2x125x128xf32, #tpu.memory_space<vmem>> -> memref<1x125x128xf32, #tpu.memory_space<vmem>>
        %dma_wait3A_193 = tpu.memref_squeeze %dma_wait3A_192 : memref<1x125x128xf32, #tpu.memory_space<vmem>> -> memref<125x128xf32, #tpu.memory_space<vmem>>
        %dma_wait3A_194 = arith.constant 0 : i32
        %dma_wait3A_195 = arith.constant 0 : i32
        %dma_wait3A_196 = tpu.memref_slice %dma_wait3A_193[%dma_wait3A_194, %dma_wait3A_195] : memref<125x128xf32, #tpu.memory_space<vmem>> -> memref<24x128xf32, #tpu.memory_space<vmem>>
        %dma_wait3A_197 = arith.constant 0 : i32
        %dma_wait3A_198 = tpu.memref_slice %arg5[%add3A_163, %dma_wait3A_197] : memref<10000x128xf32, #tpu.memory_space<vmem_shared>> -> memref<24x128xf32, #tpu.memory_space<vmem_shared>>
        %dma_wait3A_199 = arith.constant 0 : i32
        %dma_wait3A_200 = tpu.memref_slice %arg5[%add3A_163, %dma_wait3A_199] : memref<10000x128xf32, #tpu.memory_space<vmem_shared>> -> memref<24x128xf32, #tpu.memory_space<vmem_shared>>
        %dma_wait3A_201 = arith.constant 0 : i32
        %dma_wait3A_202 = arith.constant 0 : i32
        %dma_wait3A_203 = tpu.memref_slice %arg8[%run_scoped3A_164, %dma_wait3A_201, %dma_wait3A_202] : memref<2x125x128xf32, #tpu.memory_space<vmem>> -> memref<1x125x128xf32, #tpu.memory_space<vmem>>
        %dma_wait3A_204 = tpu.memref_squeeze %dma_wait3A_203 : memref<1x125x128xf32, #tpu.memory_space<vmem>> -> memref<125x128xf32, #tpu.memory_space<vmem>>
        %dma_wait3A_205 = arith.constant 0 : i32
        %dma_wait3A_206 = arith.constant 0 : i32
        %dma_wait3A_207 = tpu.memref_slice %dma_wait3A_204[%dma_wait3A_205, %dma_wait3A_206] : memref<125x128xf32, #tpu.memory_space<vmem>> -> memref<24x128xf32, #tpu.memory_space<vmem>>
        tpu.wait_dma2 semaphore(%run_scoped3A_171 : memref<!tpu.dma_semaphore, #tpu.memory_space<semaphore_mem>>) src(%dma_wait3A_207 : memref<24x128xf32, #tpu.memory_space<vmem>>) dst(%dma_wait3A_200 : memref<24x128xf32, #tpu.memory_space<vmem_shared>>)
        tpu.yield
      }) : () -> ()
      %eq3A_165 = arith.constant 15 : i32
      %eq3A_166 = arith.cmpi eq, %arg1, %eq3A_165 : i32
      %convert_element_type3A_167 = arith.extui %eq3A_166 : i1 to i32
      %cond3A_168 = arith.constant 0 : i32
      %cond3A_169 = arith.constant 0 : i32
      %cond3A_170 = arith.cmpi ne, %convert_element_type3A_167, %cond3A_169 : i32
      scf.if %cond3A_170 {
        "tpu.region"() ({
          %run_scoped3A_171 = tpu.sem_alloc : memref<!tpu.dma_semaphore, #tpu.memory_space<semaphore_mem>>
          %dma_start3A_172 = arith.constant 0 : i32
          %dma_start3A_173 = arith.constant 0 : i32
          %dma_start3A_174 = tpu.memref_slice %arg8[%cond3A_168, %dma_start3A_172, %dma_start3A_173] : memref<2x125x128xf32, #tpu.memory_space<vmem>> -> memref<1x125x128xf32, #tpu.memory_space<vmem>>
          %dma_start3A_175 = tpu.memref_squeeze %dma_start3A_174 : memref<1x125x128xf32, #tpu.memory_space<vmem>> -> memref<125x128xf32, #tpu.memory_space<vmem>>
          %dma_start3A_176 = arith.constant 0 : i32
          %dma_start3A_177 = arith.constant 0 : i32
          %dma_start3A_178 = tpu.memref_slice %dma_start3A_175[%dma_start3A_176, %dma_start3A_177] : memref<125x128xf32, #tpu.memory_space<vmem>> -> memref<16x128xf32, #tpu.memory_space<vmem>>
          %dma_start3A_179 = arith.constant 9984 : i32
          %dma_start3A_180 = arith.constant 0 : i32
          %dma_start3A_181 = tpu.memref_slice %arg5[%dma_start3A_179, %dma_start3A_180] : memref<10000x128xf32, #tpu.memory_space<vmem_shared>> -> memref<16x128xf32, #tpu.memory_space<vmem_shared>>
          %dma_start3A_182 = arith.constant 9984 : i32
          %dma_start3A_183 = arith.constant 0 : i32
          %dma_start3A_184 = tpu.memref_slice %arg5[%dma_start3A_182, %dma_start3A_183] : memref<10000x128xf32, #tpu.memory_space<vmem_shared>> -> memref<16x128xf32, #tpu.memory_space<vmem_shared>>
          %dma_start3A_185 = arith.constant 0 : i32
          %dma_start3A_186 = arith.constant 0 : i32
          %dma_start3A_187 = tpu.memref_slice %arg8[%cond3A_168, %dma_start3A_185, %dma_start3A_186] : memref<2x125x128xf32, #tpu.memory_space<vmem>> -> memref<1x125x128xf32, #tpu.memory_space<vmem>>
          %dma_start3A_188 = tpu.memref_squeeze %dma_start3A_187 : memref<1x125x128xf32, #tpu.memory_space<vmem>> -> memref<125x128xf32, #tpu.memory_space<vmem>>
          %dma_start3A_189 = arith.constant 0 : i32
          %dma_start3A_190 = arith.constant 0 : i32
          %dma_start3A_191 = tpu.memref_slice %dma_start3A_188[%dma_start3A_189, %dma_start3A_190] : memref<125x128xf32, #tpu.memory_space<vmem>> -> memref<16x128xf32, #tpu.memory_space<vmem>>
          tpu.enqueue_dma source(%dma_start3A_191 : memref<16x128xf32, #tpu.memory_space<vmem>>) target(%dma_start3A_184 : memref<16x128xf32, #tpu.memory_space<vmem_shared>>) target_semaphore(%run_scoped3A_171 : memref<!tpu.dma_semaphore, #tpu.memory_space<semaphore_mem>>)
          %dma_wait3A_192 = arith.constant 0 : i32
          %dma_wait3A_193 = arith.constant 0 : i32
          %dma_wait3A_194 = tpu.memref_slice %arg8[%cond3A_168, %dma_wait3A_192, %dma_wait3A_193] : memref<2x125x128xf32, #tpu.memory_space<vmem>> -> memref<1x125x128xf32, #tpu.memory_space<vmem>>
          %dma_wait3A_195 = tpu.memref_squeeze %dma_wait3A_194 : memref<1x125x128xf32, #tpu.memory_space<vmem>> -> memref<125x128xf32, #tpu.memory_space<vmem>>
          %dma_wait3A_196 = arith.constant 0 : i32
          %dma_wait3A_197 = arith.constant 0 : i32
          %dma_wait3A_198 = tpu.memref_slice %dma_wait3A_195[%dma_wait3A_196, %dma_wait3A_197] : memref<125x128xf32, #tpu.memory_space<vmem>> -> memref<16x128xf32, #tpu.memory_space<vmem>>
          %dma_wait3A_199 = arith.constant 9984 : i32
          %dma_wait3A_200 = arith.constant 0 : i32
          %dma_wait3A_201 = tpu.memref_slice %arg5[%dma_wait3A_199, %dma_wait3A_200] : memref<10000x128xf32, #tpu.memory_space<vmem_shared>> -> memref<16x128xf32, #tpu.memory_space<vmem_shared>>
          %dma_wait3A_202 = arith.constant 9984 : i32
          %dma_wait3A_203 = arith.constant 0 : i32
          %dma_wait3A_204 = tpu.memref_slice %arg5[%dma_wait3A_202, %dma_wait3A_203] : memref<10000x128xf32, #tpu.memory_space<vmem_shared>> -> memref<16x128xf32, #tpu.memory_space<vmem_shared>>
          %dma_wait3A_205 = arith.constant 0 : i32
          %dma_wait3A_206 = arith.constant 0 : i32
          %dma_wait3A_207 = tpu.memref_slice %arg8[%cond3A_168, %dma_wait3A_205, %dma_wait3A_206] : memref<2x125x128xf32, #tpu.memory_space<vmem>> -> memref<1x125x128xf32, #tpu.memory_space<vmem>>
          %dma_wait3A_208 = tpu.memref_squeeze %dma_wait3A_207 : memref<1x125x128xf32, #tpu.memory_space<vmem>> -> memref<125x128xf32, #tpu.memory_space<vmem>>
          %dma_wait3A_209 = arith.constant 0 : i32
          %dma_wait3A_210 = arith.constant 0 : i32
          %dma_wait3A_211 = tpu.memref_slice %dma_wait3A_208[%dma_wait3A_209, %dma_wait3A_210] : memref<125x128xf32, #tpu.memory_space<vmem>> -> memref<16x128xf32, #tpu.memory_space<vmem>>
          tpu.wait_dma2 semaphore(%run_scoped3A_171 : memref<!tpu.dma_semaphore, #tpu.memory_space<semaphore_mem>>) src(%dma_wait3A_211 : memref<16x128xf32, #tpu.memory_space<vmem>>) dst(%dma_wait3A_204 : memref<16x128xf32, #tpu.memory_space<vmem_shared>>)
          tpu.yield
        }) : () -> ()
      } else {
      }
    } else {
    }
    %barrier3A = arith.constant 0 : index
    tpu.barrier barrier_id(%barrier3A)
    %add3A_12 = arith.constant 0 : i32
    %add3A_13 = arith.addi %mul3A_2, %add3A_12 : i32
    %run_scoped3A = arith.constant 0 : i32
    "tpu.region"() ({
      %run_scoped3A_141 = tpu.sem_alloc : memref<!tpu.dma_semaphore, #tpu.memory_space<semaphore_mem>>
      %dma_start3A_142 = arith.constant 0 : i32
      %dma_start3A_143 = tpu.memref_slice %arg3[%run_scoped3A, %add3A_13, %dma_start3A_142] : memref<2x2560x125xi32, #tpu.memory_space<hbm>> -> memref<1x40x125xi32, #tpu.memory_space<hbm>>
      %dma_start3A_144 = tpu.memref_squeeze %dma_start3A_143 : memref<1x40x125xi32, #tpu.memory_space<hbm>> -> memref<40x125xi32, #tpu.memory_space<hbm>>
      %dma_start3A_145 = arith.constant 0 : i32
      %dma_start3A_146 = tpu.memref_slice %arg3[%run_scoped3A, %add3A_13, %dma_start3A_145] : memref<2x2560x125xi32, #tpu.memory_space<hbm>> -> memref<1x40x125xi32, #tpu.memory_space<hbm>>
      %dma_start3A_147 = tpu.memref_squeeze %dma_start3A_146 : memref<1x40x125xi32, #tpu.memory_space<hbm>> -> memref<40x125xi32, #tpu.memory_space<hbm>>
      tpu.enqueue_dma source(%dma_start3A_147 : memref<40x125xi32, #tpu.memory_space<hbm>>) target(%arg6 : memref<40x125xi32, #tpu.memory_space<vmem>>) target_semaphore(%run_scoped3A_141 : memref<!tpu.dma_semaphore, #tpu.memory_space<semaphore_mem>>)
      %dma_wait3A_148 = arith.constant 0 : i32
      %dma_wait3A_149 = tpu.memref_slice %arg3[%run_scoped3A, %add3A_13, %dma_wait3A_148] : memref<2x2560x125xi32, #tpu.memory_space<hbm>> -> memref<1x40x125xi32, #tpu.memory_space<hbm>>
      %dma_wait3A_150 = tpu.memref_squeeze %dma_wait3A_149 : memref<1x40x125xi32, #tpu.memory_space<hbm>> -> memref<40x125xi32, #tpu.memory_space<hbm>>
      %dma_wait3A_151 = arith.constant 0 : i32
      %dma_wait3A_152 = tpu.memref_slice %arg3[%run_scoped3A, %add3A_13, %dma_wait3A_151] : memref<2x2560x125xi32, #tpu.memory_space<hbm>> -> memref<1x40x125xi32, #tpu.memory_space<hbm>>
      %dma_wait3A_153 = tpu.memref_squeeze %dma_wait3A_152 : memref<1x40x125xi32, #tpu.memory_space<hbm>> -> memref<40x125xi32, #tpu.memory_space<hbm>>
      tpu.wait_dma2 semaphore(%run_scoped3A_141 : memref<!tpu.dma_semaphore, #tpu.memory_space<semaphore_mem>>) src(%dma_wait3A_153 : memref<40x125xi32, #tpu.memory_space<hbm>>) dst(%arg6 : memref<40x125xi32, #tpu.memory_space<vmem>>)
      tpu.yield
    }) : () -> ()
    %run_scoped3A_14 = arith.constant 1 : i32
    "tpu.region"() ({
      %run_scoped3A_141 = tpu.sem_alloc : memref<!tpu.dma_semaphore, #tpu.memory_space<semaphore_mem>>
      %dma_start3A_142 = arith.constant 0 : i32
      %dma_start3A_143 = tpu.memref_slice %arg3[%run_scoped3A_14, %add3A_13, %dma_start3A_142] : memref<2x2560x125xi32, #tpu.memory_space<hbm>> -> memref<1x40x125xi32, #tpu.memory_space<hbm>>
      %dma_start3A_144 = tpu.memref_squeeze %dma_start3A_143 : memref<1x40x125xi32, #tpu.memory_space<hbm>> -> memref<40x125xi32, #tpu.memory_space<hbm>>
      %dma_start3A_145 = arith.constant 0 : i32
      %dma_start3A_146 = tpu.memref_slice %arg3[%run_scoped3A_14, %add3A_13, %dma_start3A_145] : memref<2x2560x125xi32, #tpu.memory_space<hbm>> -> memref<1x40x125xi32, #tpu.memory_space<hbm>>
      %dma_start3A_147 = tpu.memref_squeeze %dma_start3A_146 : memref<1x40x125xi32, #tpu.memory_space<hbm>> -> memref<40x125xi32, #tpu.memory_space<hbm>>
      tpu.enqueue_dma source(%dma_start3A_147 : memref<40x125xi32, #tpu.memory_space<hbm>>) target(%arg7 : memref<40x125xi32, #tpu.memory_space<vmem>>) target_semaphore(%run_scoped3A_141 : memref<!tpu.dma_semaphore, #tpu.memory_space<semaphore_mem>>)
      %dma_wait3A_148 = arith.constant 0 : i32
      %dma_wait3A_149 = tpu.memref_slice %arg3[%run_scoped3A_14, %add3A_13, %dma_wait3A_148] : memref<2x2560x125xi32, #tpu.memory_space<hbm>> -> memref<1x40x125xi32, #tpu.memory_space<hbm>>
      %dma_wait3A_150 = tpu.memref_squeeze %dma_wait3A_149 : memref<1x40x125xi32, #tpu.memory_space<hbm>> -> memref<40x125xi32, #tpu.memory_space<hbm>>
      %dma_wait3A_151 = arith.constant 0 : i32
      %dma_wait3A_152 = tpu.memref_slice %arg3[%run_scoped3A_14, %add3A_13, %dma_wait3A_151] : memref<2x2560x125xi32, #tpu.memory_space<hbm>> -> memref<1x40x125xi32, #tpu.memory_space<hbm>>
      %dma_wait3A_153 = tpu.memref_squeeze %dma_wait3A_152 : memref<1x40x125xi32, #tpu.memory_space<hbm>> -> memref<40x125xi32, #tpu.memory_space<hbm>>
      tpu.wait_dma2 semaphore(%run_scoped3A_141 : memref<!tpu.dma_semaphore, #tpu.memory_space<semaphore_mem>>) src(%dma_wait3A_153 : memref<40x125xi32, #tpu.memory_space<hbm>>) dst(%arg7 : memref<40x125xi32, #tpu.memory_space<vmem>>)
      tpu.yield
    }) : () -> ()
    %dma_start3A = arith.constant 0 : i32
    %dma_start3A_15 = arith.constant 0 : i32
    %dma_start3A_16 = arith.constant 0 : i32
    %dma_start3A_17 = arith.constant 0 : i32
    %dma_start3A_18 = tpu.memref_slice %arg8[%dma_start3A_15, %dma_start3A_16, %dma_start3A_17] : memref<2x125x128xf32, #tpu.memory_space<vmem>> -> memref<1x125x128xf32, #tpu.memory_space<vmem>>
    %dma_start3A_19 = tpu.memref_squeeze %dma_start3A_18 : memref<1x125x128xf32, #tpu.memory_space<vmem>> -> memref<125x128xf32, #tpu.memory_space<vmem>>
    %dma_start3A_20 = arith.constant 0 : i32
    %dma_start3A_21 = tpu.memref_slice %arg6[%dma_start3A, %dma_start3A_20] : memref<40x125xi32, #tpu.memory_space<vmem>> -> memref<1x125xi32, #tpu.memory_space<vmem>>
    %dma_start3A_22 = tpu.memref_squeeze %dma_start3A_21 : memref<1x125xi32, #tpu.memory_space<vmem>> -> memref<125xi32, #tpu.memory_space<vmem>>
    %dma_start3A_23 = arith.constant 0 : i32
    %dma_start3A_24 = arith.constant 0 : i32
    %dma_start3A_25 = tpu.memref_slice %arg2[%dma_start3A_23, %dma_start3A_24] : memref<10000x128xf32, #tpu.memory_space<hbm>> -> memref<10000x128xf32, #tpu.memory_space<hbm>>
    tpu.enqueue_indirect_dma source(%dma_start3A_25 : memref<10000x128xf32, #tpu.memory_space<hbm>>) target(%dma_start3A_19 : memref<125x128xf32, #tpu.memory_space<vmem>>) offsets(%dma_start3A_22 : memref<125xi32, #tpu.memory_space<vmem>>) semaphore(%arg9 : memref<!tpu.dma_semaphore, #tpu.memory_space<semaphore_mem>>)
    %dma_start3A_26 = arith.constant 1 : i32
    %dma_start3A_27 = arith.constant 1 : i32
    %dma_start3A_28 = arith.constant 0 : i32
    %dma_start3A_29 = arith.constant 0 : i32
    %dma_start3A_30 = tpu.memref_slice %arg8[%dma_start3A_27, %dma_start3A_28, %dma_start3A_29] : memref<2x125x128xf32, #tpu.memory_space<vmem>> -> memref<1x125x128xf32, #tpu.memory_space<vmem>>
    %dma_start3A_31 = tpu.memref_squeeze %dma_start3A_30 : memref<1x125x128xf32, #tpu.memory_space<vmem>> -> memref<125x128xf32, #tpu.memory_space<vmem>>
    %dma_start3A_32 = arith.constant 0 : i32
    %dma_start3A_33 = tpu.memref_slice %arg6[%dma_start3A_26, %dma_start3A_32] : memref<40x125xi32, #tpu.memory_space<vmem>> -> memref<1x125xi32, #tpu.memory_space<vmem>>
    %dma_start3A_34 = tpu.memref_squeeze %dma_start3A_33 : memref<1x125xi32, #tpu.memory_space<vmem>> -> memref<125xi32, #tpu.memory_space<vmem>>
    %dma_start3A_35 = arith.constant 0 : i32
    %dma_start3A_36 = arith.constant 0 : i32
    %dma_start3A_37 = tpu.memref_slice %arg2[%dma_start3A_35, %dma_start3A_36] : memref<10000x128xf32, #tpu.memory_space<hbm>> -> memref<10000x128xf32, #tpu.memory_space<hbm>>
    tpu.enqueue_indirect_dma source(%dma_start3A_37 : memref<10000x128xf32, #tpu.memory_space<hbm>>) target(%dma_start3A_31 : memref<125x128xf32, #tpu.memory_space<vmem>>) offsets(%dma_start3A_34 : memref<125xi32, #tpu.memory_space<vmem>>) semaphore(%arg10 : memref<!tpu.dma_semaphore, #tpu.memory_space<semaphore_mem>>)
    %scan3A = arith.constant 0 : i32
    %scan3A_38 = arith.constant 0 : i32
    %scan3A_39 = arith.constant 19 : i32
    %scan3A_40 = arith.addi %scan3A_38, %scan3A_39 : i32
    %scan3A_41 = arith.constant 1 : i32
    scf.for %scan3A_141 = %scan3A_38 to %scan3A_40 step %scan3A_41  : i32 {
      %mul3A_142 = arith.constant 2 : i32
      %mul3A_143 = arith.muli %scan3A_141, %mul3A_142 : i32
      %add3A_144 = arith.constant 0 : i32
      %add3A_145 = arith.addi %mul3A_143, %add3A_144 : i32
      %dma_wait3A_146 = arith.constant 0 : i32
      %dma_wait3A_147 = arith.constant 0 : i32
      %dma_wait3A_148 = arith.constant 0 : i32
      %dma_wait3A_149 = tpu.memref_slice %arg8[%dma_wait3A_146, %dma_wait3A_147, %dma_wait3A_148] : memref<2x125x128xf32, #tpu.memory_space<vmem>> -> memref<1x125x128xf32, #tpu.memory_space<vmem>>
      %dma_wait3A_150 = tpu.memref_squeeze %dma_wait3A_149 : memref<1x125x128xf32, #tpu.memory_space<vmem>> -> memref<125x128xf32, #tpu.memory_space<vmem>>
      %dma_wait3A_151 = arith.constant 0 : i32
      %dma_wait3A_152 = tpu.memref_slice %arg6[%add3A_145, %dma_wait3A_151] : memref<40x125xi32, #tpu.memory_space<vmem>> -> memref<1x125xi32, #tpu.memory_space<vmem>>
      %dma_wait3A_153 = tpu.memref_squeeze %dma_wait3A_152 : memref<1x125xi32, #tpu.memory_space<vmem>> -> memref<125xi32, #tpu.memory_space<vmem>>
      %dma_wait3A_154 = arith.constant 0 : i32
      %dma_wait3A_155 = arith.constant 0 : i32
      %dma_wait3A_156 = tpu.memref_slice %arg2[%dma_wait3A_154, %dma_wait3A_155] : memref<10000x128xf32, #tpu.memory_space<hbm>> -> memref<10000x128xf32, #tpu.memory_space<hbm>>
      tpu.wait_indirect_dma semaphore(%arg9 : memref<!tpu.dma_semaphore, #tpu.memory_space<semaphore_mem>>) src(%dma_wait3A_156 : memref<10000x128xf32, #tpu.memory_space<hbm>>) dst(%dma_wait3A_150 : memref<125x128xf32, #tpu.memory_space<vmem>>)
      %run_scoped3A_157 = arith.constant 0 : i32
      "tpu.region"() ({
        %run_scoped3A_200 = tpu.sem_alloc : memref<!tpu.dma_semaphore, #tpu.memory_space<semaphore_mem>>
        %dma_start3A_201 = arith.constant 0 : i32
        %dma_start3A_202 = arith.constant 0 : i32
        %dma_start3A_203 = tpu.memref_slice %arg8[%run_scoped3A_157, %dma_start3A_201, %dma_start3A_202] : memref<2x125x128xf32, #tpu.memory_space<vmem>> -> memref<1x125x128xf32, #tpu.memory_space<vmem>>
        %dma_start3A_204 = tpu.memref_squeeze %dma_start3A_203 : memref<1x125x128xf32, #tpu.memory_space<vmem>> -> memref<125x128xf32, #tpu.memory_space<vmem>>
        %dma_start3A_205 = arith.constant 0 : i32
        %dma_start3A_206 = tpu.memref_slice %arg7[%add3A_145, %dma_start3A_205] : memref<40x125xi32, #tpu.memory_space<vmem>> -> memref<1x125xi32, #tpu.memory_space<vmem>>
        %dma_start3A_207 = tpu.memref_squeeze %dma_start3A_206 : memref<1x125xi32, #tpu.memory_space<vmem>> -> memref<125xi32, #tpu.memory_space<vmem>>
        %dma_start3A_208 = arith.constant 0 : i32
        %dma_start3A_209 = arith.constant 0 : i32
        %dma_start3A_210 = tpu.memref_slice %arg5[%dma_start3A_208, %dma_start3A_209] : memref<10000x128xf32, #tpu.memory_space<vmem_shared>> -> memref<10000x128xf32, #tpu.memory_space<vmem_shared>>
        tpu.enqueue_indirect_dma source(%dma_start3A_204 : memref<125x128xf32, #tpu.memory_space<vmem>>) target(%dma_start3A_210 : memref<10000x128xf32, #tpu.memory_space<vmem_shared>>) offsets(%dma_start3A_207 : memref<125xi32, #tpu.memory_space<vmem>>) semaphore(%run_scoped3A_200 : memref<!tpu.dma_semaphore, #tpu.memory_space<semaphore_mem>>) {add = true}
        %dma_wait3A_211 = arith.constant 0 : i32
        %dma_wait3A_212 = arith.constant 0 : i32
        %dma_wait3A_213 = tpu.memref_slice %arg8[%run_scoped3A_157, %dma_wait3A_211, %dma_wait3A_212] : memref<2x125x128xf32, #tpu.memory_space<vmem>> -> memref<1x125x128xf32, #tpu.memory_space<vmem>>
        %dma_wait3A_214 = tpu.memref_squeeze %dma_wait3A_213 : memref<1x125x128xf32, #tpu.memory_space<vmem>> -> memref<125x128xf32, #tpu.memory_space<vmem>>
        %dma_wait3A_215 = arith.constant 0 : i32
        %dma_wait3A_216 = tpu.memref_slice %arg7[%add3A_145, %dma_wait3A_215] : memref<40x125xi32, #tpu.memory_space<vmem>> -> memref<1x125xi32, #tpu.memory_space<vmem>>
        %dma_wait3A_217 = tpu.memref_squeeze %dma_wait3A_216 : memref<1x125xi32, #tpu.memory_space<vmem>> -> memref<125xi32, #tpu.memory_space<vmem>>
        %dma_wait3A_218 = arith.constant 0 : i32
        %dma_wait3A_219 = arith.constant 0 : i32
        %dma_wait3A_220 = tpu.memref_slice %arg5[%dma_wait3A_218, %dma_wait3A_219] : memref<10000x128xf32, #tpu.memory_space<vmem_shared>> -> memref<10000x128xf32, #tpu.memory_space<vmem_shared>>
        tpu.wait_indirect_dma semaphore(%run_scoped3A_200 : memref<!tpu.dma_semaphore, #tpu.memory_space<semaphore_mem>>) src(%dma_wait3A_214 : memref<125x128xf32, #tpu.memory_space<vmem>>) dst(%dma_wait3A_220 : memref<10000x128xf32, #tpu.memory_space<vmem_shared>>)
        tpu.yield
      }) : () -> ()
      %add3A_158 = arith.constant 2 : i32
      %add3A_159 = arith.addi %add3A_145, %add3A_158 : i32
      %dma_start3A_160 = arith.constant 0 : i32
      %dma_start3A_161 = arith.constant 0 : i32
      %dma_start3A_162 = arith.constant 0 : i32
      %dma_start3A_163 = tpu.memref_slice %arg8[%dma_start3A_160, %dma_start3A_161, %dma_start3A_162] : memref<2x125x128xf32, #tpu.memory_space<vmem>> -> memref<1x125x128xf32, #tpu.memory_space<vmem>>
      %dma_start3A_164 = tpu.memref_squeeze %dma_start3A_163 : memref<1x125x128xf32, #tpu.memory_space<vmem>> -> memref<125x128xf32, #tpu.memory_space<vmem>>
      %dma_start3A_165 = arith.constant 0 : i32
      %dma_start3A_166 = tpu.memref_slice %arg6[%add3A_159, %dma_start3A_165] : memref<40x125xi32, #tpu.memory_space<vmem>> -> memref<1x125xi32, #tpu.memory_space<vmem>>
      %dma_start3A_167 = tpu.memref_squeeze %dma_start3A_166 : memref<1x125xi32, #tpu.memory_space<vmem>> -> memref<125xi32, #tpu.memory_space<vmem>>
      %dma_start3A_168 = arith.constant 0 : i32
      %dma_start3A_169 = arith.constant 0 : i32
      %dma_start3A_170 = tpu.memref_slice %arg2[%dma_start3A_168, %dma_start3A_169] : memref<10000x128xf32, #tpu.memory_space<hbm>> -> memref<10000x128xf32, #tpu.memory_space<hbm>>
      tpu.enqueue_indirect_dma source(%dma_start3A_170 : memref<10000x128xf32, #tpu.memory_space<hbm>>) target(%dma_start3A_164 : memref<125x128xf32, #tpu.memory_space<vmem>>) offsets(%dma_start3A_167 : memref<125xi32, #tpu.memory_space<vmem>>) semaphore(%arg9 : memref<!tpu.dma_semaphore, #tpu.memory_space<semaphore_mem>>)
      %mul3A_171 = arith.constant 2 : i32
      %mul3A_172 = arith.muli %scan3A_141, %mul3A_171 : i32
      %add3A_173 = arith.constant 1 : i32
      %add3A_174 = arith.addi %mul3A_172, %add3A_173 : i32
      %dma_wait3A_175 = arith.constant 1 : i32
      %dma_wait3A_176 = arith.constant 0 : i32
      %dma_wait3A_177 = arith.constant 0 : i32
      %dma_wait3A_178 = tpu.memref_slice %arg8[%dma_wait3A_175, %dma_wait3A_176, %dma_wait3A_177] : memref<2x125x128xf32, #tpu.memory_space<vmem>> -> memref<1x125x128xf32, #tpu.memory_space<vmem>>
      %dma_wait3A_179 = tpu.memref_squeeze %dma_wait3A_178 : memref<1x125x128xf32, #tpu.memory_space<vmem>> -> memref<125x128xf32, #tpu.memory_space<vmem>>
      %dma_wait3A_180 = arith.constant 0 : i32
      %dma_wait3A_181 = tpu.memref_slice %arg6[%add3A_174, %dma_wait3A_180] : memref<40x125xi32, #tpu.memory_space<vmem>> -> memref<1x125xi32, #tpu.memory_space<vmem>>
      %dma_wait3A_182 = tpu.memref_squeeze %dma_wait3A_181 : memref<1x125xi32, #tpu.memory_space<vmem>> -> memref<125xi32, #tpu.memory_space<vmem>>
      %dma_wait3A_183 = arith.constant 0 : i32
      %dma_wait3A_184 = arith.constant 0 : i32
      %dma_wait3A_185 = tpu.memref_slice %arg2[%dma_wait3A_183, %dma_wait3A_184] : memref<10000x128xf32, #tpu.memory_space<hbm>> -> memref<10000x128xf32, #tpu.memory_space<hbm>>
      tpu.wait_indirect_dma semaphore(%arg10 : memref<!tpu.dma_semaphore, #tpu.memory_space<semaphore_mem>>) src(%dma_wait3A_185 : memref<10000x128xf32, #tpu.memory_space<hbm>>) dst(%dma_wait3A_179 : memref<125x128xf32, #tpu.memory_space<vmem>>)
      %run_scoped3A_186 = arith.constant 1 : i32
      "tpu.region"() ({
        %run_scoped3A_200 = tpu.sem_alloc : memref<!tpu.dma_semaphore, #tpu.memory_space<semaphore_mem>>
        %dma_start3A_201 = arith.constant 0 : i32
        %dma_start3A_202 = arith.constant 0 : i32
        %dma_start3A_203 = tpu.memref_slice %arg8[%run_scoped3A_186, %dma_start3A_201, %dma_start3A_202] : memref<2x125x128xf32, #tpu.memory_space<vmem>> -> memref<1x125x128xf32, #tpu.memory_space<vmem>>
        %dma_start3A_204 = tpu.memref_squeeze %dma_start3A_203 : memref<1x125x128xf32, #tpu.memory_space<vmem>> -> memref<125x128xf32, #tpu.memory_space<vmem>>
        %dma_start3A_205 = arith.constant 0 : i32
        %dma_start3A_206 = tpu.memref_slice %arg7[%add3A_174, %dma_start3A_205] : memref<40x125xi32, #tpu.memory_space<vmem>> -> memref<1x125xi32, #tpu.memory_space<vmem>>
        %dma_start3A_207 = tpu.memref_squeeze %dma_start3A_206 : memref<1x125xi32, #tpu.memory_space<vmem>> -> memref<125xi32, #tpu.memory_space<vmem>>
        %dma_start3A_208 = arith.constant 0 : i32
        %dma_start3A_209 = arith.constant 0 : i32
        %dma_start3A_210 = tpu.memref_slice %arg5[%dma_start3A_208, %dma_start3A_209] : memref<10000x128xf32, #tpu.memory_space<vmem_shared>> -> memref<10000x128xf32, #tpu.memory_space<vmem_shared>>
        tpu.enqueue_indirect_dma source(%dma_start3A_204 : memref<125x128xf32, #tpu.memory_space<vmem>>) target(%dma_start3A_210 : memref<10000x128xf32, #tpu.memory_space<vmem_shared>>) offsets(%dma_start3A_207 : memref<125xi32, #tpu.memory_space<vmem>>) semaphore(%run_scoped3A_200 : memref<!tpu.dma_semaphore, #tpu.memory_space<semaphore_mem>>) {add = true}
        %dma_wait3A_211 = arith.constant 0 : i32
        %dma_wait3A_212 = arith.constant 0 : i32
        %dma_wait3A_213 = tpu.memref_slice %arg8[%run_scoped3A_186, %dma_wait3A_211, %dma_wait3A_212] : memref<2x125x128xf32, #tpu.memory_space<vmem>> -> memref<1x125x128xf32, #tpu.memory_space<vmem>>
        %dma_wait3A_214 = tpu.memref_squeeze %dma_wait3A_213 : memref<1x125x128xf32, #tpu.memory_space<vmem>> -> memref<125x128xf32, #tpu.memory_space<vmem>>
        %dma_wait3A_215 = arith.constant 0 : i32
        %dma_wait3A_216 = tpu.memref_slice %arg7[%add3A_174, %dma_wait3A_215] : memref<40x125xi32, #tpu.memory_space<vmem>> -> memref<1x125xi32, #tpu.memory_space<vmem>>
        %dma_wait3A_217 = tpu.memref_squeeze %dma_wait3A_216 : memref<1x125xi32, #tpu.memory_space<vmem>> -> memref<125xi32, #tpu.memory_space<vmem>>
        %dma_wait3A_218 = arith.constant 0 : i32
        %dma_wait3A_219 = arith.constant 0 : i32
        %dma_wait3A_220 = tpu.memref_slice %arg5[%dma_wait3A_218, %dma_wait3A_219] : memref<10000x128xf32, #tpu.memory_space<vmem_shared>> -> memref<10000x128xf32, #tpu.memory_space<vmem_shared>>
        tpu.wait_indirect_dma semaphore(%run_scoped3A_200 : memref<!tpu.dma_semaphore, #tpu.memory_space<semaphore_mem>>) src(%dma_wait3A_214 : memref<125x128xf32, #tpu.memory_space<vmem>>) dst(%dma_wait3A_220 : memref<10000x128xf32, #tpu.memory_space<vmem_shared>>)
        tpu.yield
      }) : () -> ()
      %add3A_187 = arith.constant 2 : i32
      %add3A_188 = arith.addi %add3A_174, %add3A_187 : i32
      %dma_start3A_189 = arith.constant 1 : i32
      %dma_start3A_190 = arith.constant 0 : i32
      %dma_start3A_191 = arith.constant 0 : i32
      %dma_start3A_192 = tpu.memref_slice %arg8[%dma_start3A_189, %dma_start3A_190, %dma_start3A_191] : memref<2x125x128xf32, #tpu.memory_space<vmem>> -> memref<1x125x128xf32, #tpu.memory_space<vmem>>
      %dma_start3A_193 = tpu.memref_squeeze %dma_start3A_192 : memref<1x125x128xf32, #tpu.memory_space<vmem>> -> memref<125x128xf32, #tpu.memory_space<vmem>>
      %dma_start3A_194 = arith.constant 0 : i32
      %dma_start3A_195 = tpu.memref_slice %arg6[%add3A_188, %dma_start3A_194] : memref<40x125xi32, #tpu.memory_space<vmem>> -> memref<1x125xi32, #tpu.memory_space<vmem>>
      %dma_start3A_196 = tpu.memref_squeeze %dma_start3A_195 : memref<1x125xi32, #tpu.memory_space<vmem>> -> memref<125xi32, #tpu.memory_space<vmem>>
      %dma_start3A_197 = arith.constant 0 : i32
      %dma_start3A_198 = arith.constant 0 : i32
      %dma_start3A_199 = tpu.memref_slice %arg2[%dma_start3A_197, %dma_start3A_198] : memref<10000x128xf32, #tpu.memory_space<hbm>> -> memref<10000x128xf32, #tpu.memory_space<hbm>>
      tpu.enqueue_indirect_dma source(%dma_start3A_199 : memref<10000x128xf32, #tpu.memory_space<hbm>>) target(%dma_start3A_193 : memref<125x128xf32, #tpu.memory_space<vmem>>) offsets(%dma_start3A_196 : memref<125xi32, #tpu.memory_space<vmem>>) semaphore(%arg10 : memref<!tpu.dma_semaphore, #tpu.memory_space<semaphore_mem>>)
    }
    %scan3A_42 = arith.constant 19 : i32
    %dma_wait3A = arith.constant 38 : i32
    %dma_wait3A_43 = arith.constant 0 : i32
    %dma_wait3A_44 = arith.constant 0 : i32
    %dma_wait3A_45 = arith.constant 0 : i32
    %dma_wait3A_46 = tpu.memref_slice %arg8[%dma_wait3A_43, %dma_wait3A_44, %dma_wait3A_45] : memref<2x125x128xf32, #tpu.memory_space<vmem>> -> memref<1x125x128xf32, #tpu.memory_space<vmem>>
    %dma_wait3A_47 = tpu.memref_squeeze %dma_wait3A_46 : memref<1x125x128xf32, #tpu.memory_space<vmem>> -> memref<125x128xf32, #tpu.memory_space<vmem>>
    %dma_wait3A_48 = arith.constant 0 : i32
    %dma_wait3A_49 = tpu.memref_slice %arg6[%dma_wait3A, %dma_wait3A_48] : memref<40x125xi32, #tpu.memory_space<vmem>> -> memref<1x125xi32, #tpu.memory_space<vmem>>
    %dma_wait3A_50 = tpu.memref_squeeze %dma_wait3A_49 : memref<1x125xi32, #tpu.memory_space<vmem>> -> memref<125xi32, #tpu.memory_space<vmem>>
    %dma_wait3A_51 = arith.constant 0 : i32
    %dma_wait3A_52 = arith.constant 0 : i32
    %dma_wait3A_53 = tpu.memref_slice %arg2[%dma_wait3A_51, %dma_wait3A_52] : memref<10000x128xf32, #tpu.memory_space<hbm>> -> memref<10000x128xf32, #tpu.memory_space<hbm>>
    tpu.wait_indirect_dma semaphore(%arg9 : memref<!tpu.dma_semaphore, #tpu.memory_space<semaphore_mem>>) src(%dma_wait3A_53 : memref<10000x128xf32, #tpu.memory_space<hbm>>) dst(%dma_wait3A_47 : memref<125x128xf32, #tpu.memory_space<vmem>>)
    %run_scoped3A_54 = arith.constant 0 : i32
    %run_scoped3A_55 = arith.constant 38 : i32
    "tpu.region"() ({
      %run_scoped3A_141 = tpu.sem_alloc : memref<!tpu.dma_semaphore, #tpu.memory_space<semaphore_mem>>
      %dma_start3A_142 = arith.constant 0 : i32
      %dma_start3A_143 = arith.constant 0 : i32
      %dma_start3A_144 = tpu.memref_slice %arg8[%run_scoped3A_54, %dma_start3A_142, %dma_start3A_143] : memref<2x125x128xf32, #tpu.memory_space<vmem>> -> memref<1x125x128xf32, #tpu.memory_space<vmem>>
      %dma_start3A_145 = tpu.memref_squeeze %dma_start3A_144 : memref<1x125x128xf32, #tpu.memory_space<vmem>> -> memref<125x128xf32, #tpu.memory_space<vmem>>
      %dma_start3A_146 = arith.constant 0 : i32
      %dma_start3A_147 = tpu.memref_slice %arg7[%run_scoped3A_55, %dma_start3A_146] : memref<40x125xi32, #tpu.memory_space<vmem>> -> memref<1x125xi32, #tpu.memory_space<vmem>>
      %dma_start3A_148 = tpu.memref_squeeze %dma_start3A_147 : memref<1x125xi32, #tpu.memory_space<vmem>> -> memref<125xi32, #tpu.memory_space<vmem>>
      %dma_start3A_149 = arith.constant 0 : i32
      %dma_start3A_150 = arith.constant 0 : i32
      %dma_start3A_151 = tpu.memref_slice %arg5[%dma_start3A_149, %dma_start3A_150] : memref<10000x128xf32, #tpu.memory_space<vmem_shared>> -> memref<10000x128xf32, #tpu.memory_space<vmem_shared>>
      tpu.enqueue_indirect_dma source(%dma_start3A_145 : memref<125x128xf32, #tpu.memory_space<vmem>>) target(%dma_start3A_151 : memref<10000x128xf32, #tpu.memory_space<vmem_shared>>) offsets(%dma_start3A_148 : memref<125xi32, #tpu.memory_space<vmem>>) semaphore(%run_scoped3A_141 : memref<!tpu.dma_semaphore, #tpu.memory_space<semaphore_mem>>) {add = true}
      %dma_wait3A_152 = arith.constant 0 : i32
      %dma_wait3A_153 = arith.constant 0 : i32
      %dma_wait3A_154 = tpu.memref_slice %arg8[%run_scoped3A_54, %dma_wait3A_152, %dma_wait3A_153] : memref<2x125x128xf32, #tpu.memory_space<vmem>> -> memref<1x125x128xf32, #tpu.memory_space<vmem>>
      %dma_wait3A_155 = tpu.memref_squeeze %dma_wait3A_154 : memref<1x125x128xf32, #tpu.memory_space<vmem>> -> memref<125x128xf32, #tpu.memory_space<vmem>>
      %dma_wait3A_156 = arith.constant 0 : i32
      %dma_wait3A_157 = tpu.memref_slice %arg7[%run_scoped3A_55, %dma_wait3A_156] : memref<40x125xi32, #tpu.memory_space<vmem>> -> memref<1x125xi32, #tpu.memory_space<vmem>>
      %dma_wait3A_158 = tpu.memref_squeeze %dma_wait3A_157 : memref<1x125xi32, #tpu.memory_space<vmem>> -> memref<125xi32, #tpu.memory_space<vmem>>
      %dma_wait3A_159 = arith.constant 0 : i32
      %dma_wait3A_160 = arith.constant 0 : i32
      %dma_wait3A_161 = tpu.memref_slice %arg5[%dma_wait3A_159, %dma_wait3A_160] : memref<10000x128xf32, #tpu.memory_space<vmem_shared>> -> memref<10000x128xf32, #tpu.memory_space<vmem_shared>>
      tpu.wait_indirect_dma semaphore(%run_scoped3A_141 : memref<!tpu.dma_semaphore, #tpu.memory_space<semaphore_mem>>) src(%dma_wait3A_155 : memref<125x128xf32, #tpu.memory_space<vmem>>) dst(%dma_wait3A_161 : memref<10000x128xf32, #tpu.memory_space<vmem_shared>>)
      tpu.yield
    }) : () -> ()
    %dma_wait3A_56 = arith.constant 39 : i32
    %dma_wait3A_57 = arith.constant 1 : i32
    %dma_wait3A_58 = arith.constant 0 : i32
    %dma_wait3A_59 = arith.constant 0 : i32
    %dma_wait3A_60 = tpu.memref_slice %arg8[%dma_wait3A_57, %dma_wait3A_58, %dma_wait3A_59] : memref<2x125x128xf32, #tpu.memory_space<vmem>> -> memref<1x125x128xf32, #tpu.memory_space<vmem>>
    %dma_wait3A_61 = tpu.memref_squeeze %dma_wait3A_60 : memref<1x125x128xf32, #tpu.memory_space<vmem>> -> memref<125x128xf32, #tpu.memory_space<vmem>>
    %dma_wait3A_62 = arith.constant 0 : i32
    %dma_wait3A_63 = tpu.memref_slice %arg6[%dma_wait3A_56, %dma_wait3A_62] : memref<40x125xi32, #tpu.memory_space<vmem>> -> memref<1x125xi32, #tpu.memory_space<vmem>>
    %dma_wait3A_64 = tpu.memref_squeeze %dma_wait3A_63 : memref<1x125xi32, #tpu.memory_space<vmem>> -> memref<125xi32, #tpu.memory_space<vmem>>
    %dma_wait3A_65 = arith.constant 0 : i32
    %dma_wait3A_66 = arith.constant 0 : i32
    %dma_wait3A_67 = tpu.memref_slice %arg2[%dma_wait3A_65, %dma_wait3A_66] : memref<10000x128xf32, #tpu.memory_space<hbm>> -> memref<10000x128xf32, #tpu.memory_space<hbm>>
    tpu.wait_indirect_dma semaphore(%arg10 : memref<!tpu.dma_semaphore, #tpu.memory_space<semaphore_mem>>) src(%dma_wait3A_67 : memref<10000x128xf32, #tpu.memory_space<hbm>>) dst(%dma_wait3A_61 : memref<125x128xf32, #tpu.memory_space<vmem>>)
    %run_scoped3A_68 = arith.constant 1 : i32
    %run_scoped3A_69 = arith.constant 39 : i32
    "tpu.region"() ({
      %run_scoped3A_141 = tpu.sem_alloc : memref<!tpu.dma_semaphore, #tpu.memory_space<semaphore_mem>>
      %dma_start3A_142 = arith.constant 0 : i32
      %dma_start3A_143 = arith.constant 0 : i32
      %dma_start3A_144 = tpu.memref_slice %arg8[%run_scoped3A_68, %dma_start3A_142, %dma_start3A_143] : memref<2x125x128xf32, #tpu.memory_space<vmem>> -> memref<1x125x128xf32, #tpu.memory_space<vmem>>
      %dma_start3A_145 = tpu.memref_squeeze %dma_start3A_144 : memref<1x125x128xf32, #tpu.memory_space<vmem>> -> memref<125x128xf32, #tpu.memory_space<vmem>>
      %dma_start3A_146 = arith.constant 0 : i32
      %dma_start3A_147 = tpu.memref_slice %arg7[%run_scoped3A_69, %dma_start3A_146] : memref<40x125xi32, #tpu.memory_space<vmem>> -> memref<1x125xi32, #tpu.memory_space<vmem>>
      %dma_start3A_148 = tpu.memref_squeeze %dma_start3A_147 : memref<1x125xi32, #tpu.memory_space<vmem>> -> memref<125xi32, #tpu.memory_space<vmem>>
      %dma_start3A_149 = arith.constant 0 : i32
      %dma_start3A_150 = arith.constant 0 : i32
      %dma_start3A_151 = tpu.memref_slice %arg5[%dma_start3A_149, %dma_start3A_150] : memref<10000x128xf32, #tpu.memory_space<vmem_shared>> -> memref<10000x128xf32, #tpu.memory_space<vmem_shared>>
      tpu.enqueue_indirect_dma source(%dma_start3A_145 : memref<125x128xf32, #tpu.memory_space<vmem>>) target(%dma_start3A_151 : memref<10000x128xf32, #tpu.memory_space<vmem_shared>>) offsets(%dma_start3A_148 : memref<125xi32, #tpu.memory_space<vmem>>) semaphore(%run_scoped3A_141 : memref<!tpu.dma_semaphore, #tpu.memory_space<semaphore_mem>>) {add = true}
      %dma_wait3A_152 = arith.constant 0 : i32
      %dma_wait3A_153 = arith.constant 0 : i32
      %dma_wait3A_154 = tpu.memref_slice %arg8[%run_scoped3A_68, %dma_wait3A_152, %dma_wait3A_153] : memref<2x125x128xf32, #tpu.memory_space<vmem>> -> memref<1x125x128xf32, #tpu.memory_space<vmem>>
      %dma_wait3A_155 = tpu.memref_squeeze %dma_wait3A_154 : memref<1x125x128xf32, #tpu.memory_space<vmem>> -> memref<125x128xf32, #tpu.memory_space<vmem>>
      %dma_wait3A_156 = arith.constant 0 : i32
      %dma_wait3A_157 = tpu.memref_slice %arg7[%run_scoped3A_69, %dma_wait3A_156] : memref<40x125xi32, #tpu.memory_space<vmem>> -> memref<1x125xi32, #tpu.memory_space<vmem>>
      %dma_wait3A_158 = tpu.memref_squeeze %dma_wait3A_157 : memref<1x125xi32, #tpu.memory_space<vmem>> -> memref<125xi32, #tpu.memory_space<vmem>>
      %dma_wait3A_159 = arith.constant 0 : i32
      %dma_wait3A_160 = arith.constant 0 : i32
      %dma_wait3A_161 = tpu.memref_slice %arg5[%dma_wait3A_159, %dma_wait3A_160] : memref<10000x128xf32, #tpu.memory_space<vmem_shared>> -> memref<10000x128xf32, #tpu.memory_space<vmem_shared>>
      tpu.wait_indirect_dma semaphore(%run_scoped3A_141 : memref<!tpu.dma_semaphore, #tpu.memory_space<semaphore_mem>>) src(%dma_wait3A_155 : memref<125x128xf32, #tpu.memory_space<vmem>>) dst(%dma_wait3A_161 : memref<10000x128xf32, #tpu.memory_space<vmem_shared>>)
      tpu.yield
    }) : () -> ()
    %add3A_70 = arith.constant 40 : i32
    %add3A_71 = arith.addi %mul3A_2, %add3A_70 : i32
    %run_scoped3A_72 = arith.constant 0 : i32
    "tpu.region"() ({
      %run_scoped3A_141 = tpu.sem_alloc : memref<!tpu.dma_semaphore, #tpu.memory_space<semaphore_mem>>
      %dma_start3A_142 = arith.constant 0 : i32
      %dma_start3A_143 = tpu.memref_slice %arg3[%run_scoped3A_72, %add3A_71, %dma_start3A_142] : memref<2x2560x125xi32, #tpu.memory_space<hbm>> -> memref<1x40x125xi32, #tpu.memory_space<hbm>>
      %dma_start3A_144 = tpu.memref_squeeze %dma_start3A_143 : memref<1x40x125xi32, #tpu.memory_space<hbm>> -> memref<40x125xi32, #tpu.memory_space<hbm>>
      %dma_start3A_145 = arith.constant 0 : i32
      %dma_start3A_146 = tpu.memref_slice %arg3[%run_scoped3A_72, %add3A_71, %dma_start3A_145] : memref<2x2560x125xi32, #tpu.memory_space<hbm>> -> memref<1x40x125xi32, #tpu.memory_space<hbm>>
      %dma_start3A_147 = tpu.memref_squeeze %dma_start3A_146 : memref<1x40x125xi32, #tpu.memory_space<hbm>> -> memref<40x125xi32, #tpu.memory_space<hbm>>
      tpu.enqueue_dma source(%dma_start3A_147 : memref<40x125xi32, #tpu.memory_space<hbm>>) target(%arg6 : memref<40x125xi32, #tpu.memory_space<vmem>>) target_semaphore(%run_scoped3A_141 : memref<!tpu.dma_semaphore, #tpu.memory_space<semaphore_mem>>)
      %dma_wait3A_148 = arith.constant 0 : i32
      %dma_wait3A_149 = tpu.memref_slice %arg3[%run_scoped3A_72, %add3A_71, %dma_wait3A_148] : memref<2x2560x125xi32, #tpu.memory_space<hbm>> -> memref<1x40x125xi32, #tpu.memory_space<hbm>>
      %dma_wait3A_150 = tpu.memref_squeeze %dma_wait3A_149 : memref<1x40x125xi32, #tpu.memory_space<hbm>> -> memref<40x125xi32, #tpu.memory_space<hbm>>
      %dma_wait3A_151 = arith.constant 0 : i32
      %dma_wait3A_152 = tpu.memref_slice %arg3[%run_scoped3A_72, %add3A_71, %dma_wait3A_151] : memref<2x2560x125xi32, #tpu.memory_space<hbm>> -> memref<1x40x125xi32, #tpu.memory_space<hbm>>
      %dma_wait3A_153 = tpu.memref_squeeze %dma_wait3A_152 : memref<1x40x125xi32, #tpu.memory_space<hbm>> -> memref<40x125xi32, #tpu.memory_space<hbm>>
      tpu.wait_dma2 semaphore(%run_scoped3A_141 : memref<!tpu.dma_semaphore, #tpu.memory_space<semaphore_mem>>) src(%dma_wait3A_153 : memref<40x125xi32, #tpu.memory_space<hbm>>) dst(%arg6 : memref<40x125xi32, #tpu.memory_space<vmem>>)
      tpu.yield
    }) : () -> ()
    %run_scoped3A_73 = arith.constant 1 : i32
    "tpu.region"() ({
      %run_scoped3A_141 = tpu.sem_alloc : memref<!tpu.dma_semaphore, #tpu.memory_space<semaphore_mem>>
      %dma_start3A_142 = arith.constant 0 : i32
      %dma_start3A_143 = tpu.memref_slice %arg3[%run_scoped3A_73, %add3A_71, %dma_start3A_142] : memref<2x2560x125xi32, #tpu.memory_space<hbm>> -> memref<1x40x125xi32, #tpu.memory_space<hbm>>
      %dma_start3A_144 = tpu.memref_squeeze %dma_start3A_143 : memref<1x40x125xi32, #tpu.memory_space<hbm>> -> memref<40x125xi32, #tpu.memory_space<hbm>>
      %dma_start3A_145 = arith.constant 0 : i32
      %dma_start3A_146 = tpu.memref_slice %arg3[%run_scoped3A_73, %add3A_71, %dma_start3A_145] : memref<2x2560x125xi32, #tpu.memory_space<hbm>> -> memref<1x40x125xi32, #tpu.memory_space<hbm>>
      %dma_start3A_147 = tpu.memref_squeeze %dma_start3A_146 : memref<1x40x125xi32, #tpu.memory_space<hbm>> -> memref<40x125xi32, #tpu.memory_space<hbm>>
      tpu.enqueue_dma source(%dma_start3A_147 : memref<40x125xi32, #tpu.memory_space<hbm>>) target(%arg7 : memref<40x125xi32, #tpu.memory_space<vmem>>) target_semaphore(%run_scoped3A_141 : memref<!tpu.dma_semaphore, #tpu.memory_space<semaphore_mem>>)
      %dma_wait3A_148 = arith.constant 0 : i32
      %dma_wait3A_149 = tpu.memref_slice %arg3[%run_scoped3A_73, %add3A_71, %dma_wait3A_148] : memref<2x2560x125xi32, #tpu.memory_space<hbm>> -> memref<1x40x125xi32, #tpu.memory_space<hbm>>
      %dma_wait3A_150 = tpu.memref_squeeze %dma_wait3A_149 : memref<1x40x125xi32, #tpu.memory_space<hbm>> -> memref<40x125xi32, #tpu.memory_space<hbm>>
      %dma_wait3A_151 = arith.constant 0 : i32
      %dma_wait3A_152 = tpu.memref_slice %arg3[%run_scoped3A_73, %add3A_71, %dma_wait3A_151] : memref<2x2560x125xi32, #tpu.memory_space<hbm>> -> memref<1x40x125xi32, #tpu.memory_space<hbm>>
      %dma_wait3A_153 = tpu.memref_squeeze %dma_wait3A_152 : memref<1x40x125xi32, #tpu.memory_space<hbm>> -> memref<40x125xi32, #tpu.memory_space<hbm>>
      tpu.wait_dma2 semaphore(%run_scoped3A_141 : memref<!tpu.dma_semaphore, #tpu.memory_space<semaphore_mem>>) src(%dma_wait3A_153 : memref<40x125xi32, #tpu.memory_space<hbm>>) dst(%arg7 : memref<40x125xi32, #tpu.memory_space<vmem>>)
      tpu.yield
    }) : () -> ()
    %dma_start3A_74 = arith.constant 0 : i32
    %dma_start3A_75 = arith.constant 0 : i32
    %dma_start3A_76 = arith.constant 0 : i32
    %dma_start3A_77 = arith.constant 0 : i32
    %dma_start3A_78 = tpu.memref_slice %arg8[%dma_start3A_75, %dma_start3A_76, %dma_start3A_77] : memref<2x125x128xf32, #tpu.memory_space<vmem>> -> memref<1x125x128xf32, #tpu.memory_space<vmem>>
    %dma_start3A_79 = tpu.memref_squeeze %dma_start3A_78 : memref<1x125x128xf32, #tpu.memory_space<vmem>> -> memref<125x128xf32, #tpu.memory_space<vmem>>
    %dma_start3A_80 = arith.constant 0 : i32
    %dma_start3A_81 = tpu.memref_slice %arg6[%dma_start3A_74, %dma_start3A_80] : memref<40x125xi32, #tpu.memory_space<vmem>> -> memref<1x125xi32, #tpu.memory_space<vmem>>
    %dma_start3A_82 = tpu.memref_squeeze %dma_start3A_81 : memref<1x125xi32, #tpu.memory_space<vmem>> -> memref<125xi32, #tpu.memory_space<vmem>>
    %dma_start3A_83 = arith.constant 0 : i32
    %dma_start3A_84 = arith.constant 0 : i32
    %dma_start3A_85 = tpu.memref_slice %arg2[%dma_start3A_83, %dma_start3A_84] : memref<10000x128xf32, #tpu.memory_space<hbm>> -> memref<10000x128xf32, #tpu.memory_space<hbm>>
    tpu.enqueue_indirect_dma source(%dma_start3A_85 : memref<10000x128xf32, #tpu.memory_space<hbm>>) target(%dma_start3A_79 : memref<125x128xf32, #tpu.memory_space<vmem>>) offsets(%dma_start3A_82 : memref<125xi32, #tpu.memory_space<vmem>>) semaphore(%arg9 : memref<!tpu.dma_semaphore, #tpu.memory_space<semaphore_mem>>)
    %dma_start3A_86 = arith.constant 1 : i32
    %dma_start3A_87 = arith.constant 1 : i32
    %dma_start3A_88 = arith.constant 0 : i32
    %dma_start3A_89 = arith.constant 0 : i32
    %dma_start3A_90 = tpu.memref_slice %arg8[%dma_start3A_87, %dma_start3A_88, %dma_start3A_89] : memref<2x125x128xf32, #tpu.memory_space<vmem>> -> memref<1x125x128xf32, #tpu.memory_space<vmem>>
    %dma_start3A_91 = tpu.memref_squeeze %dma_start3A_90 : memref<1x125x128xf32, #tpu.memory_space<vmem>> -> memref<125x128xf32, #tpu.memory_space<vmem>>
    %dma_start3A_92 = arith.constant 0 : i32
    %dma_start3A_93 = tpu.memref_slice %arg6[%dma_start3A_86, %dma_start3A_92] : memref<40x125xi32, #tpu.memory_space<vmem>> -> memref<1x125xi32, #tpu.memory_space<vmem>>
    %dma_start3A_94 = tpu.memref_squeeze %dma_start3A_93 : memref<1x125xi32, #tpu.memory_space<vmem>> -> memref<125xi32, #tpu.memory_space<vmem>>
    %dma_start3A_95 = arith.constant 0 : i32
    %dma_start3A_96 = arith.constant 0 : i32
    %dma_start3A_97 = tpu.memref_slice %arg2[%dma_start3A_95, %dma_start3A_96] : memref<10000x128xf32, #tpu.memory_space<hbm>> -> memref<10000x128xf32, #tpu.memory_space<hbm>>
    tpu.enqueue_indirect_dma source(%dma_start3A_97 : memref<10000x128xf32, #tpu.memory_space<hbm>>) target(%dma_start3A_91 : memref<125x128xf32, #tpu.memory_space<vmem>>) offsets(%dma_start3A_94 : memref<125xi32, #tpu.memory_space<vmem>>) semaphore(%arg10 : memref<!tpu.dma_semaphore, #tpu.memory_space<semaphore_mem>>)
    %scan3A_98 = arith.constant 0 : i32
    %scan3A_99 = arith.constant 0 : i32
    %scan3A_100 = arith.constant 19 : i32
    %scan3A_101 = arith.addi %scan3A_99, %scan3A_100 : i32
    %scan3A_102 = arith.constant 1 : i32
    scf.for %scan3A_141 = %scan3A_99 to %scan3A_101 step %scan3A_102  : i32 {
      %mul3A_142 = arith.constant 2 : i32
      %mul3A_143 = arith.muli %scan3A_141, %mul3A_142 : i32
      %add3A_144 = arith.constant 0 : i32
      %add3A_145 = arith.addi %mul3A_143, %add3A_144 : i32
      %dma_wait3A_146 = arith.constant 0 : i32
      %dma_wait3A_147 = arith.constant 0 : i32
      %dma_wait3A_148 = arith.constant 0 : i32
      %dma_wait3A_149 = tpu.memref_slice %arg8[%dma_wait3A_146, %dma_wait3A_147, %dma_wait3A_148] : memref<2x125x128xf32, #tpu.memory_space<vmem>> -> memref<1x125x128xf32, #tpu.memory_space<vmem>>
      %dma_wait3A_150 = tpu.memref_squeeze %dma_wait3A_149 : memref<1x125x128xf32, #tpu.memory_space<vmem>> -> memref<125x128xf32, #tpu.memory_space<vmem>>
      %dma_wait3A_151 = arith.constant 0 : i32
      %dma_wait3A_152 = tpu.memref_slice %arg6[%add3A_145, %dma_wait3A_151] : memref<40x125xi32, #tpu.memory_space<vmem>> -> memref<1x125xi32, #tpu.memory_space<vmem>>
      %dma_wait3A_153 = tpu.memref_squeeze %dma_wait3A_152 : memref<1x125xi32, #tpu.memory_space<vmem>> -> memref<125xi32, #tpu.memory_space<vmem>>
      %dma_wait3A_154 = arith.constant 0 : i32
      %dma_wait3A_155 = arith.constant 0 : i32
      %dma_wait3A_156 = tpu.memref_slice %arg2[%dma_wait3A_154, %dma_wait3A_155] : memref<10000x128xf32, #tpu.memory_space<hbm>> -> memref<10000x128xf32, #tpu.memory_space<hbm>>
      tpu.wait_indirect_dma semaphore(%arg9 : memref<!tpu.dma_semaphore, #tpu.memory_space<semaphore_mem>>) src(%dma_wait3A_156 : memref<10000x128xf32, #tpu.memory_space<hbm>>) dst(%dma_wait3A_150 : memref<125x128xf32, #tpu.memory_space<vmem>>)
      %run_scoped3A_157 = arith.constant 0 : i32
      "tpu.region"() ({
        %run_scoped3A_200 = tpu.sem_alloc : memref<!tpu.dma_semaphore, #tpu.memory_space<semaphore_mem>>
        %dma_start3A_201 = arith.constant 0 : i32
        %dma_start3A_202 = arith.constant 0 : i32
        %dma_start3A_203 = tpu.memref_slice %arg8[%run_scoped3A_157, %dma_start3A_201, %dma_start3A_202] : memref<2x125x128xf32, #tpu.memory_space<vmem>> -> memref<1x125x128xf32, #tpu.memory_space<vmem>>
        %dma_start3A_204 = tpu.memref_squeeze %dma_start3A_203 : memref<1x125x128xf32, #tpu.memory_space<vmem>> -> memref<125x128xf32, #tpu.memory_space<vmem>>
        %dma_start3A_205 = arith.constant 0 : i32
        %dma_start3A_206 = tpu.memref_slice %arg7[%add3A_145, %dma_start3A_205] : memref<40x125xi32, #tpu.memory_space<vmem>> -> memref<1x125xi32, #tpu.memory_space<vmem>>
        %dma_start3A_207 = tpu.memref_squeeze %dma_start3A_206 : memref<1x125xi32, #tpu.memory_space<vmem>> -> memref<125xi32, #tpu.memory_space<vmem>>
        %dma_start3A_208 = arith.constant 0 : i32
        %dma_start3A_209 = arith.constant 0 : i32
        %dma_start3A_210 = tpu.memref_slice %arg5[%dma_start3A_208, %dma_start3A_209] : memref<10000x128xf32, #tpu.memory_space<vmem_shared>> -> memref<10000x128xf32, #tpu.memory_space<vmem_shared>>
        tpu.enqueue_indirect_dma source(%dma_start3A_204 : memref<125x128xf32, #tpu.memory_space<vmem>>) target(%dma_start3A_210 : memref<10000x128xf32, #tpu.memory_space<vmem_shared>>) offsets(%dma_start3A_207 : memref<125xi32, #tpu.memory_space<vmem>>) semaphore(%run_scoped3A_200 : memref<!tpu.dma_semaphore, #tpu.memory_space<semaphore_mem>>) {add = true}
        %dma_wait3A_211 = arith.constant 0 : i32
        %dma_wait3A_212 = arith.constant 0 : i32
        %dma_wait3A_213 = tpu.memref_slice %arg8[%run_scoped3A_157, %dma_wait3A_211, %dma_wait3A_212] : memref<2x125x128xf32, #tpu.memory_space<vmem>> -> memref<1x125x128xf32, #tpu.memory_space<vmem>>
        %dma_wait3A_214 = tpu.memref_squeeze %dma_wait3A_213 : memref<1x125x128xf32, #tpu.memory_space<vmem>> -> memref<125x128xf32, #tpu.memory_space<vmem>>
        %dma_wait3A_215 = arith.constant 0 : i32
        %dma_wait3A_216 = tpu.memref_slice %arg7[%add3A_145, %dma_wait3A_215] : memref<40x125xi32, #tpu.memory_space<vmem>> -> memref<1x125xi32, #tpu.memory_space<vmem>>
        %dma_wait3A_217 = tpu.memref_squeeze %dma_wait3A_216 : memref<1x125xi32, #tpu.memory_space<vmem>> -> memref<125xi32, #tpu.memory_space<vmem>>
        %dma_wait3A_218 = arith.constant 0 : i32
        %dma_wait3A_219 = arith.constant 0 : i32
        %dma_wait3A_220 = tpu.memref_slice %arg5[%dma_wait3A_218, %dma_wait3A_219] : memref<10000x128xf32, #tpu.memory_space<vmem_shared>> -> memref<10000x128xf32, #tpu.memory_space<vmem_shared>>
        tpu.wait_indirect_dma semaphore(%run_scoped3A_200 : memref<!tpu.dma_semaphore, #tpu.memory_space<semaphore_mem>>) src(%dma_wait3A_214 : memref<125x128xf32, #tpu.memory_space<vmem>>) dst(%dma_wait3A_220 : memref<10000x128xf32, #tpu.memory_space<vmem_shared>>)
        tpu.yield
      }) : () -> ()
      %add3A_158 = arith.constant 2 : i32
      %add3A_159 = arith.addi %add3A_145, %add3A_158 : i32
      %dma_start3A_160 = arith.constant 0 : i32
      %dma_start3A_161 = arith.constant 0 : i32
      %dma_start3A_162 = arith.constant 0 : i32
      %dma_start3A_163 = tpu.memref_slice %arg8[%dma_start3A_160, %dma_start3A_161, %dma_start3A_162] : memref<2x125x128xf32, #tpu.memory_space<vmem>> -> memref<1x125x128xf32, #tpu.memory_space<vmem>>
      %dma_start3A_164 = tpu.memref_squeeze %dma_start3A_163 : memref<1x125x128xf32, #tpu.memory_space<vmem>> -> memref<125x128xf32, #tpu.memory_space<vmem>>
      %dma_start3A_165 = arith.constant 0 : i32
      %dma_start3A_166 = tpu.memref_slice %arg6[%add3A_159, %dma_start3A_165] : memref<40x125xi32, #tpu.memory_space<vmem>> -> memref<1x125xi32, #tpu.memory_space<vmem>>
      %dma_start3A_167 = tpu.memref_squeeze %dma_start3A_166 : memref<1x125xi32, #tpu.memory_space<vmem>> -> memref<125xi32, #tpu.memory_space<vmem>>
      %dma_start3A_168 = arith.constant 0 : i32
      %dma_start3A_169 = arith.constant 0 : i32
      %dma_start3A_170 = tpu.memref_slice %arg2[%dma_start3A_168, %dma_start3A_169] : memref<10000x128xf32, #tpu.memory_space<hbm>> -> memref<10000x128xf32, #tpu.memory_space<hbm>>
      tpu.enqueue_indirect_dma source(%dma_start3A_170 : memref<10000x128xf32, #tpu.memory_space<hbm>>) target(%dma_start3A_164 : memref<125x128xf32, #tpu.memory_space<vmem>>) offsets(%dma_start3A_167 : memref<125xi32, #tpu.memory_space<vmem>>) semaphore(%arg9 : memref<!tpu.dma_semaphore, #tpu.memory_space<semaphore_mem>>)
      %mul3A_171 = arith.constant 2 : i32
      %mul3A_172 = arith.muli %scan3A_141, %mul3A_171 : i32
      %add3A_173 = arith.constant 1 : i32
      %add3A_174 = arith.addi %mul3A_172, %add3A_173 : i32
      %dma_wait3A_175 = arith.constant 1 : i32
      %dma_wait3A_176 = arith.constant 0 : i32
      %dma_wait3A_177 = arith.constant 0 : i32
      %dma_wait3A_178 = tpu.memref_slice %arg8[%dma_wait3A_175, %dma_wait3A_176, %dma_wait3A_177] : memref<2x125x128xf32, #tpu.memory_space<vmem>> -> memref<1x125x128xf32, #tpu.memory_space<vmem>>
      %dma_wait3A_179 = tpu.memref_squeeze %dma_wait3A_178 : memref<1x125x128xf32, #tpu.memory_space<vmem>> -> memref<125x128xf32, #tpu.memory_space<vmem>>
      %dma_wait3A_180 = arith.constant 0 : i32
      %dma_wait3A_181 = tpu.memref_slice %arg6[%add3A_174, %dma_wait3A_180] : memref<40x125xi32, #tpu.memory_space<vmem>> -> memref<1x125xi32, #tpu.memory_space<vmem>>
      %dma_wait3A_182 = tpu.memref_squeeze %dma_wait3A_181 : memref<1x125xi32, #tpu.memory_space<vmem>> -> memref<125xi32, #tpu.memory_space<vmem>>
      %dma_wait3A_183 = arith.constant 0 : i32
      %dma_wait3A_184 = arith.constant 0 : i32
      %dma_wait3A_185 = tpu.memref_slice %arg2[%dma_wait3A_183, %dma_wait3A_184] : memref<10000x128xf32, #tpu.memory_space<hbm>> -> memref<10000x128xf32, #tpu.memory_space<hbm>>
      tpu.wait_indirect_dma semaphore(%arg10 : memref<!tpu.dma_semaphore, #tpu.memory_space<semaphore_mem>>) src(%dma_wait3A_185 : memref<10000x128xf32, #tpu.memory_space<hbm>>) dst(%dma_wait3A_179 : memref<125x128xf32, #tpu.memory_space<vmem>>)
      %run_scoped3A_186 = arith.constant 1 : i32
      "tpu.region"() ({
        %run_scoped3A_200 = tpu.sem_alloc : memref<!tpu.dma_semaphore, #tpu.memory_space<semaphore_mem>>
        %dma_start3A_201 = arith.constant 0 : i32
        %dma_start3A_202 = arith.constant 0 : i32
        %dma_start3A_203 = tpu.memref_slice %arg8[%run_scoped3A_186, %dma_start3A_201, %dma_start3A_202] : memref<2x125x128xf32, #tpu.memory_space<vmem>> -> memref<1x125x128xf32, #tpu.memory_space<vmem>>
        %dma_start3A_204 = tpu.memref_squeeze %dma_start3A_203 : memref<1x125x128xf32, #tpu.memory_space<vmem>> -> memref<125x128xf32, #tpu.memory_space<vmem>>
        %dma_start3A_205 = arith.constant 0 : i32
        %dma_start3A_206 = tpu.memref_slice %arg7[%add3A_174, %dma_start3A_205] : memref<40x125xi32, #tpu.memory_space<vmem>> -> memref<1x125xi32, #tpu.memory_space<vmem>>
        %dma_start3A_207 = tpu.memref_squeeze %dma_start3A_206 : memref<1x125xi32, #tpu.memory_space<vmem>> -> memref<125xi32, #tpu.memory_space<vmem>>
        %dma_start3A_208 = arith.constant 0 : i32
        %dma_start3A_209 = arith.constant 0 : i32
        %dma_start3A_210 = tpu.memref_slice %arg5[%dma_start3A_208, %dma_start3A_209] : memref<10000x128xf32, #tpu.memory_space<vmem_shared>> -> memref<10000x128xf32, #tpu.memory_space<vmem_shared>>
        tpu.enqueue_indirect_dma source(%dma_start3A_204 : memref<125x128xf32, #tpu.memory_space<vmem>>) target(%dma_start3A_210 : memref<10000x128xf32, #tpu.memory_space<vmem_shared>>) offsets(%dma_start3A_207 : memref<125xi32, #tpu.memory_space<vmem>>) semaphore(%run_scoped3A_200 : memref<!tpu.dma_semaphore, #tpu.memory_space<semaphore_mem>>) {add = true}
        %dma_wait3A_211 = arith.constant 0 : i32
        %dma_wait3A_212 = arith.constant 0 : i32
        %dma_wait3A_213 = tpu.memref_slice %arg8[%run_scoped3A_186, %dma_wait3A_211, %dma_wait3A_212] : memref<2x125x128xf32, #tpu.memory_space<vmem>> -> memref<1x125x128xf32, #tpu.memory_space<vmem>>
        %dma_wait3A_214 = tpu.memref_squeeze %dma_wait3A_213 : memref<1x125x128xf32, #tpu.memory_space<vmem>> -> memref<125x128xf32, #tpu.memory_space<vmem>>
        %dma_wait3A_215 = arith.constant 0 : i32
        %dma_wait3A_216 = tpu.memref_slice %arg7[%add3A_174, %dma_wait3A_215] : memref<40x125xi32, #tpu.memory_space<vmem>> -> memref<1x125xi32, #tpu.memory_space<vmem>>
        %dma_wait3A_217 = tpu.memref_squeeze %dma_wait3A_216 : memref<1x125xi32, #tpu.memory_space<vmem>> -> memref<125xi32, #tpu.memory_space<vmem>>
        %dma_wait3A_218 = arith.constant 0 : i32
        %dma_wait3A_219 = arith.constant 0 : i32
        %dma_wait3A_220 = tpu.memref_slice %arg5[%dma_wait3A_218, %dma_wait3A_219] : memref<10000x128xf32, #tpu.memory_space<vmem_shared>> -> memref<10000x128xf32, #tpu.memory_space<vmem_shared>>
        tpu.wait_indirect_dma semaphore(%run_scoped3A_200 : memref<!tpu.dma_semaphore, #tpu.memory_space<semaphore_mem>>) src(%dma_wait3A_214 : memref<125x128xf32, #tpu.memory_space<vmem>>) dst(%dma_wait3A_220 : memref<10000x128xf32, #tpu.memory_space<vmem_shared>>)
        tpu.yield
      }) : () -> ()
      %add3A_187 = arith.constant 2 : i32
      %add3A_188 = arith.addi %add3A_174, %add3A_187 : i32
      %dma_start3A_189 = arith.constant 1 : i32
      %dma_start3A_190 = arith.constant 0 : i32
      %dma_start3A_191 = arith.constant 0 : i32
      %dma_start3A_192 = tpu.memref_slice %arg8[%dma_start3A_189, %dma_start3A_190, %dma_start3A_191] : memref<2x125x128xf32, #tpu.memory_space<vmem>> -> memref<1x125x128xf32, #tpu.memory_space<vmem>>
      %dma_start3A_193 = tpu.memref_squeeze %dma_start3A_192 : memref<1x125x128xf32, #tpu.memory_space<vmem>> -> memref<125x128xf32, #tpu.memory_space<vmem>>
      %dma_start3A_194 = arith.constant 0 : i32
      %dma_start3A_195 = tpu.memref_slice %arg6[%add3A_188, %dma_start3A_194] : memref<40x125xi32, #tpu.memory_space<vmem>> -> memref<1x125xi32, #tpu.memory_space<vmem>>
      %dma_start3A_196 = tpu.memref_squeeze %dma_start3A_195 : memref<1x125xi32, #tpu.memory_space<vmem>> -> memref<125xi32, #tpu.memory_space<vmem>>
      %dma_start3A_197 = arith.constant 0 : i32
      %dma_start3A_198 = arith.constant 0 : i32
      %dma_start3A_199 = tpu.memref_slice %arg2[%dma_start3A_197, %dma_start3A_198] : memref<10000x128xf32, #tpu.memory_space<hbm>> -> memref<10000x128xf32, #tpu.memory_space<hbm>>
      tpu.enqueue_indirect_dma source(%dma_start3A_199 : memref<10000x128xf32, #tpu.memory_space<hbm>>) target(%dma_start3A_193 : memref<125x128xf32, #tpu.memory_space<vmem>>) offsets(%dma_start3A_196 : memref<125xi32, #tpu.memory_space<vmem>>) semaphore(%arg10 : memref<!tpu.dma_semaphore, #tpu.memory_space<semaphore_mem>>)
    }
    %scan3A_103 = arith.constant 19 : i32
    %dma_wait3A_104 = arith.constant 38 : i32
    %dma_wait3A_105 = arith.constant 0 : i32
    %dma_wait3A_106 = arith.constant 0 : i32
    %dma_wait3A_107 = arith.constant 0 : i32
    %dma_wait3A_108 = tpu.memref_slice %arg8[%dma_wait3A_105, %dma_wait3A_106, %dma_wait3A_107] : memref<2x125x128xf32, #tpu.memory_space<vmem>> -> memref<1x125x128xf32, #tpu.memory_space<vmem>>
    %dma_wait3A_109 = tpu.memref_squeeze %dma_wait3A_108 : memref<1x125x128xf32, #tpu.memory_space<vmem>> -> memref<125x128xf32, #tpu.memory_space<vmem>>
    %dma_wait3A_110 = arith.constant 0 : i32
    %dma_wait3A_111 = tpu.memref_slice %arg6[%dma_wait3A_104, %dma_wait3A_110] : memref<40x125xi32, #tpu.memory_space<vmem>> -> memref<1x125xi32, #tpu.memory_space<vmem>>
    %dma_wait3A_112 = tpu.memref_squeeze %dma_wait3A_111 : memref<1x125xi32, #tpu.memory_space<vmem>> -> memref<125xi32, #tpu.memory_space<vmem>>
    %dma_wait3A_113 = arith.constant 0 : i32
    %dma_wait3A_114 = arith.constant 0 : i32
    %dma_wait3A_115 = tpu.memref_slice %arg2[%dma_wait3A_113, %dma_wait3A_114] : memref<10000x128xf32, #tpu.memory_space<hbm>> -> memref<10000x128xf32, #tpu.memory_space<hbm>>
    tpu.wait_indirect_dma semaphore(%arg9 : memref<!tpu.dma_semaphore, #tpu.memory_space<semaphore_mem>>) src(%dma_wait3A_115 : memref<10000x128xf32, #tpu.memory_space<hbm>>) dst(%dma_wait3A_109 : memref<125x128xf32, #tpu.memory_space<vmem>>)
    %run_scoped3A_116 = arith.constant 0 : i32
    %run_scoped3A_117 = arith.constant 38 : i32
    "tpu.region"() ({
      %run_scoped3A_141 = tpu.sem_alloc : memref<!tpu.dma_semaphore, #tpu.memory_space<semaphore_mem>>
      %dma_start3A_142 = arith.constant 0 : i32
      %dma_start3A_143 = arith.constant 0 : i32
      %dma_start3A_144 = tpu.memref_slice %arg8[%run_scoped3A_116, %dma_start3A_142, %dma_start3A_143] : memref<2x125x128xf32, #tpu.memory_space<vmem>> -> memref<1x125x128xf32, #tpu.memory_space<vmem>>
      %dma_start3A_145 = tpu.memref_squeeze %dma_start3A_144 : memref<1x125x128xf32, #tpu.memory_space<vmem>> -> memref<125x128xf32, #tpu.memory_space<vmem>>
      %dma_start3A_146 = arith.constant 0 : i32
      %dma_start3A_147 = tpu.memref_slice %arg7[%run_scoped3A_117, %dma_start3A_146] : memref<40x125xi32, #tpu.memory_space<vmem>> -> memref<1x125xi32, #tpu.memory_space<vmem>>
      %dma_start3A_148 = tpu.memref_squeeze %dma_start3A_147 : memref<1x125xi32, #tpu.memory_space<vmem>> -> memref<125xi32, #tpu.memory_space<vmem>>
      %dma_start3A_149 = arith.constant 0 : i32
      %dma_start3A_150 = arith.constant 0 : i32
      %dma_start3A_151 = tpu.memref_slice %arg5[%dma_start3A_149, %dma_start3A_150] : memref<10000x128xf32, #tpu.memory_space<vmem_shared>> -> memref<10000x128xf32, #tpu.memory_space<vmem_shared>>
      tpu.enqueue_indirect_dma source(%dma_start3A_145 : memref<125x128xf32, #tpu.memory_space<vmem>>) target(%dma_start3A_151 : memref<10000x128xf32, #tpu.memory_space<vmem_shared>>) offsets(%dma_start3A_148 : memref<125xi32, #tpu.memory_space<vmem>>) semaphore(%run_scoped3A_141 : memref<!tpu.dma_semaphore, #tpu.memory_space<semaphore_mem>>) {add = true}
      %dma_wait3A_152 = arith.constant 0 : i32
      %dma_wait3A_153 = arith.constant 0 : i32
      %dma_wait3A_154 = tpu.memref_slice %arg8[%run_scoped3A_116, %dma_wait3A_152, %dma_wait3A_153] : memref<2x125x128xf32, #tpu.memory_space<vmem>> -> memref<1x125x128xf32, #tpu.memory_space<vmem>>
      %dma_wait3A_155 = tpu.memref_squeeze %dma_wait3A_154 : memref<1x125x128xf32, #tpu.memory_space<vmem>> -> memref<125x128xf32, #tpu.memory_space<vmem>>
      %dma_wait3A_156 = arith.constant 0 : i32
      %dma_wait3A_157 = tpu.memref_slice %arg7[%run_scoped3A_117, %dma_wait3A_156] : memref<40x125xi32, #tpu.memory_space<vmem>> -> memref<1x125xi32, #tpu.memory_space<vmem>>
      %dma_wait3A_158 = tpu.memref_squeeze %dma_wait3A_157 : memref<1x125xi32, #tpu.memory_space<vmem>> -> memref<125xi32, #tpu.memory_space<vmem>>
      %dma_wait3A_159 = arith.constant 0 : i32
      %dma_wait3A_160 = arith.constant 0 : i32
      %dma_wait3A_161 = tpu.memref_slice %arg5[%dma_wait3A_159, %dma_wait3A_160] : memref<10000x128xf32, #tpu.memory_space<vmem_shared>> -> memref<10000x128xf32, #tpu.memory_space<vmem_shared>>
      tpu.wait_indirect_dma semaphore(%run_scoped3A_141 : memref<!tpu.dma_semaphore, #tpu.memory_space<semaphore_mem>>) src(%dma_wait3A_155 : memref<125x128xf32, #tpu.memory_space<vmem>>) dst(%dma_wait3A_161 : memref<10000x128xf32, #tpu.memory_space<vmem_shared>>)
      tpu.yield
    }) : () -> ()
    %dma_wait3A_118 = arith.constant 39 : i32
    %dma_wait3A_119 = arith.constant 1 : i32
    %dma_wait3A_120 = arith.constant 0 : i32
    %dma_wait3A_121 = arith.constant 0 : i32
    %dma_wait3A_122 = tpu.memref_slice %arg8[%dma_wait3A_119, %dma_wait3A_120, %dma_wait3A_121] : memref<2x125x128xf32, #tpu.memory_space<vmem>> -> memref<1x125x128xf32, #tpu.memory_space<vmem>>
    %dma_wait3A_123 = tpu.memref_squeeze %dma_wait3A_122 : memref<1x125x128xf32, #tpu.memory_space<vmem>> -> memref<125x128xf32, #tpu.memory_space<vmem>>
    %dma_wait3A_124 = arith.constant 0 : i32
    %dma_wait3A_125 = tpu.memref_slice %arg6[%dma_wait3A_118, %dma_wait3A_124] : memref<40x125xi32, #tpu.memory_space<vmem>> -> memref<1x125xi32, #tpu.memory_space<vmem>>
    %dma_wait3A_126 = tpu.memref_squeeze %dma_wait3A_125 : memref<1x125xi32, #tpu.memory_space<vmem>> -> memref<125xi32, #tpu.memory_space<vmem>>
    %dma_wait3A_127 = arith.constant 0 : i32
    %dma_wait3A_128 = arith.constant 0 : i32
    %dma_wait3A_129 = tpu.memref_slice %arg2[%dma_wait3A_127, %dma_wait3A_128] : memref<10000x128xf32, #tpu.memory_space<hbm>> -> memref<10000x128xf32, #tpu.memory_space<hbm>>
    tpu.wait_indirect_dma semaphore(%arg10 : memref<!tpu.dma_semaphore, #tpu.memory_space<semaphore_mem>>) src(%dma_wait3A_129 : memref<10000x128xf32, #tpu.memory_space<hbm>>) dst(%dma_wait3A_123 : memref<125x128xf32, #tpu.memory_space<vmem>>)
    %run_scoped3A_130 = arith.constant 1 : i32
    %run_scoped3A_131 = arith.constant 39 : i32
    "tpu.region"() ({
      %run_scoped3A_141 = tpu.sem_alloc : memref<!tpu.dma_semaphore, #tpu.memory_space<semaphore_mem>>
      %dma_start3A_142 = arith.constant 0 : i32
      %dma_start3A_143 = arith.constant 0 : i32
      %dma_start3A_144 = tpu.memref_slice %arg8[%run_scoped3A_130, %dma_start3A_142, %dma_start3A_143] : memref<2x125x128xf32, #tpu.memory_space<vmem>> -> memref<1x125x128xf32, #tpu.memory_space<vmem>>
      %dma_start3A_145 = tpu.memref_squeeze %dma_start3A_144 : memref<1x125x128xf32, #tpu.memory_space<vmem>> -> memref<125x128xf32, #tpu.memory_space<vmem>>
      %dma_start3A_146 = arith.constant 0 : i32
      %dma_start3A_147 = tpu.memref_slice %arg7[%run_scoped3A_131, %dma_start3A_146] : memref<40x125xi32, #tpu.memory_space<vmem>> -> memref<1x125xi32, #tpu.memory_space<vmem>>
      %dma_start3A_148 = tpu.memref_squeeze %dma_start3A_147 : memref<1x125xi32, #tpu.memory_space<vmem>> -> memref<125xi32, #tpu.memory_space<vmem>>
      %dma_start3A_149 = arith.constant 0 : i32
      %dma_start3A_150 = arith.constant 0 : i32
      %dma_start3A_151 = tpu.memref_slice %arg5[%dma_start3A_149, %dma_start3A_150] : memref<10000x128xf32, #tpu.memory_space<vmem_shared>> -> memref<10000x128xf32, #tpu.memory_space<vmem_shared>>
      tpu.enqueue_indirect_dma source(%dma_start3A_145 : memref<125x128xf32, #tpu.memory_space<vmem>>) target(%dma_start3A_151 : memref<10000x128xf32, #tpu.memory_space<vmem_shared>>) offsets(%dma_start3A_148 : memref<125xi32, #tpu.memory_space<vmem>>) semaphore(%run_scoped3A_141 : memref<!tpu.dma_semaphore, #tpu.memory_space<semaphore_mem>>) {add = true}
      %dma_wait3A_152 = arith.constant 0 : i32
      %dma_wait3A_153 = arith.constant 0 : i32
      %dma_wait3A_154 = tpu.memref_slice %arg8[%run_scoped3A_130, %dma_wait3A_152, %dma_wait3A_153] : memref<2x125x128xf32, #tpu.memory_space<vmem>> -> memref<1x125x128xf32, #tpu.memory_space<vmem>>
      %dma_wait3A_155 = tpu.memref_squeeze %dma_wait3A_154 : memref<1x125x128xf32, #tpu.memory_space<vmem>> -> memref<125x128xf32, #tpu.memory_space<vmem>>
      %dma_wait3A_156 = arith.constant 0 : i32
      %dma_wait3A_157 = tpu.memref_slice %arg7[%run_scoped3A_131, %dma_wait3A_156] : memref<40x125xi32, #tpu.memory_space<vmem>> -> memref<1x125xi32, #tpu.memory_space<vmem>>
      %dma_wait3A_158 = tpu.memref_squeeze %dma_wait3A_157 : memref<1x125xi32, #tpu.memory_space<vmem>> -> memref<125xi32, #tpu.memory_space<vmem>>
      %dma_wait3A_159 = arith.constant 0 : i32
      %dma_wait3A_160 = arith.constant 0 : i32
      %dma_wait3A_161 = tpu.memref_slice %arg5[%dma_wait3A_159, %dma_wait3A_160] : memref<10000x128xf32, #tpu.memory_space<vmem_shared>> -> memref<10000x128xf32, #tpu.memory_space<vmem_shared>>
      tpu.wait_indirect_dma semaphore(%run_scoped3A_141 : memref<!tpu.dma_semaphore, #tpu.memory_space<semaphore_mem>>) src(%dma_wait3A_155 : memref<125x128xf32, #tpu.memory_space<vmem>>) dst(%dma_wait3A_161 : memref<10000x128xf32, #tpu.memory_space<vmem_shared>>)
      tpu.yield
    }) : () -> ()
    %barrier3A_132 = arith.constant 0 : index
    tpu.barrier barrier_id(%barrier3A_132)
    %mul3A_133 = arith.constant 10000 : i32
    %mul3A_134 = arith.muli %arg0, %mul3A_133 : i32
    %add3A_135 = arith.addi %mul3A_134, %mul3A_4 : i32
    "tpu.region"() ({
      %run_scoped3A_141 = tpu.sem_alloc : memref<!tpu.dma_semaphore, #tpu.memory_space<semaphore_mem>>
      %dma_start3A_142 = arith.constant 0 : i32
      %dma_start3A_143 = tpu.memref_slice %arg4[%add3A_135, %dma_start3A_142] : memref<20000x128xf32, #tpu.memory_space<hbm>> -> memref<624x128xf32, #tpu.memory_space<hbm>>
      %dma_start3A_144 = arith.constant 0 : i32
      %dma_start3A_145 = tpu.memref_slice %arg5[%mul3A_4, %dma_start3A_144] : memref<10000x128xf32, #tpu.memory_space<vmem_shared>> -> memref<624x128xf32, #tpu.memory_space<vmem_shared>>
      tpu.enqueue_dma source(%dma_start3A_145 : memref<624x128xf32, #tpu.memory_space<vmem_shared>>) target(%dma_start3A_143 : memref<624x128xf32, #tpu.memory_space<hbm>>) target_semaphore(%run_scoped3A_141 : memref<!tpu.dma_semaphore, #tpu.memory_space<semaphore_mem>>)
      %dma_wait3A_146 = arith.constant 0 : i32
      %dma_wait3A_147 = tpu.memref_slice %arg4[%add3A_135, %dma_wait3A_146] : memref<20000x128xf32, #tpu.memory_space<hbm>> -> memref<624x128xf32, #tpu.memory_space<hbm>>
      %dma_wait3A_148 = arith.constant 0 : i32
      %dma_wait3A_149 = tpu.memref_slice %arg5[%mul3A_4, %dma_wait3A_148] : memref<10000x128xf32, #tpu.memory_space<vmem_shared>> -> memref<624x128xf32, #tpu.memory_space<vmem_shared>>
      tpu.wait_dma2 semaphore(%run_scoped3A_141 : memref<!tpu.dma_semaphore, #tpu.memory_space<semaphore_mem>>) src(%dma_wait3A_149 : memref<624x128xf32, #tpu.memory_space<vmem_shared>>) dst(%dma_wait3A_147 : memref<624x128xf32, #tpu.memory_space<hbm>>)
      tpu.yield
    }) : () -> ()
    %eq3A_136 = arith.constant 15 : i32
    %eq3A_137 = arith.cmpi eq, %arg1, %eq3A_136 : i32
    %convert_element_type3A_138 = arith.extui %eq3A_137 : i1 to i32
    %cond3A_139 = arith.constant 0 : i32
    %cond3A_140 = arith.cmpi ne, %convert_element_type3A_138, %cond3A_139 : i32
    scf.if %cond3A_140 {
      %mul3A_141 = arith.constant 10000 : i32
      %mul3A_142 = arith.muli %arg0, %mul3A_141 : i32
      %add3A_143 = arith.constant 9984 : i32
      %add3A_144 = arith.addi %mul3A_142, %add3A_143 : i32
      "tpu.region"() ({
        %run_scoped3A_145 = tpu.sem_alloc : memref<!tpu.dma_semaphore, #tpu.memory_space<semaphore_mem>>
        %dma_start3A_146 = arith.constant 0 : i32
        %dma_start3A_147 = tpu.memref_slice %arg4[%add3A_144, %dma_start3A_146] : memref<20000x128xf32, #tpu.memory_space<hbm>> -> memref<16x128xf32, #tpu.memory_space<hbm>>
        %dma_start3A_148 = arith.constant 9984 : i32
        %dma_start3A_149 = arith.constant 0 : i32
        %dma_start3A_150 = tpu.memref_slice %arg5[%dma_start3A_148, %dma_start3A_149] : memref<10000x128xf32, #tpu.memory_space<vmem_shared>> -> memref<16x128xf32, #tpu.memory_space<vmem_shared>>
        tpu.enqueue_dma source(%dma_start3A_150 : memref<16x128xf32, #tpu.memory_space<vmem_shared>>) target(%dma_start3A_147 : memref<16x128xf32, #tpu.memory_space<hbm>>) target_semaphore(%run_scoped3A_145 : memref<!tpu.dma_semaphore, #tpu.memory_space<semaphore_mem>>)
        %dma_wait3A_151 = arith.constant 0 : i32
        %dma_wait3A_152 = tpu.memref_slice %arg4[%add3A_144, %dma_wait3A_151] : memref<20000x128xf32, #tpu.memory_space<hbm>> -> memref<16x128xf32, #tpu.memory_space<hbm>>
        %dma_wait3A_153 = arith.constant 9984 : i32
        %dma_wait3A_154 = arith.constant 0 : i32
        %dma_wait3A_155 = tpu.memref_slice %arg5[%dma_wait3A_153, %dma_wait3A_154] : memref<10000x128xf32, #tpu.memory_space<vmem_shared>> -> memref<16x128xf32, #tpu.memory_space<vmem_shared>>
        tpu.wait_dma2 semaphore(%run_scoped3A_145 : memref<!tpu.dma_semaphore, #tpu.memory_space<semaphore_mem>>) src(%dma_wait3A_155 : memref<16x128xf32, #tpu.memory_space<vmem_shared>>) dst(%dma_wait3A_152 : memref<16x128xf32, #tpu.memory_space<hbm>>)
        tpu.yield
      }) : () -> ()
    } else {
    }
    return
  }
}

module attributes {stable_mosaic.version = 14 : i64} {
  func.func @_mlp_body(%arg0: memref<20000x128xf32, #tpu.memory_space<vmem>>, %arg1: memref<128x128xf32, #tpu.memory_space<vmem>>, %arg2: memref<1x128xf32, #tpu.memory_space<vmem>>, %arg3: memref<1x128xf32, #tpu.memory_space<vmem>>, %arg4: memref<1x128xf32, #tpu.memory_space<vmem>>, %arg5: memref<128x128xf32, #tpu.memory_space<vmem>>, %arg6: memref<1x128xf32, #tpu.memory_space<vmem>>, %arg7: memref<1x128xf32, #tpu.memory_space<vmem>>, %arg8: memref<1x128xf32, #tpu.memory_space<vmem>>, %arg9: memref<10000x128xf32, #tpu.memory_space<vmem>>) attributes {dimension_semantics = [], scalar_prefetch = 0 : i64, scratch_operands = 0 : i64, tpu.core_type = #tpu.core_type<tc>} {
    %get3A = arith.constant 0 : index
    %get3A_0 = arith.constant 0 : index
    %get3A_1 = vector.load %arg0[%get3A, %get3A_0] : memref<20000x128xf32, #tpu.memory_space<vmem>>, vector<10000x128xf32>
    %get3A_2 = arith.constant 10000 : index
    %get3A_3 = arith.constant 0 : index
    %get3A_4 = vector.load %arg0[%get3A_2, %get3A_3] : memref<20000x128xf32, #tpu.memory_space<vmem>>, vector<10000x128xf32>
    %add3A = arith.addf %get3A_1, %get3A_4 : vector<10000x128xf32>
    %get3A_5 = arith.constant 0 : index
    %get3A_6 = arith.constant 0 : index
    %get3A_7 = vector.load %arg1[%get3A_5, %get3A_6] : memref<128x128xf32, #tpu.memory_space<vmem>>, vector<128x128xf32>
    %dot_general3A = arith.constant dense<0.000000e+00> : vector<10000x128xf32>
    %dot_general3A_8 = tpu.matmul %add3A, %get3A_7, %dot_general3A {dimension_numbers = #tpu.dot_dimension_numbers<[1], [0], [0], [1], [0, 0, 1, 1], [], []>, transpose_lhs_hint = false} : vector<10000x128xf32>, vector<128x128xf32>, vector<10000x128xf32> -> vector<10000x128xf32>
    %get3A_9 = arith.constant 0 : index
    %get3A_10 = arith.constant 0 : index
    %get3A_11 = vector.load %arg2[%get3A_9, %get3A_10] : memref<1x128xf32, #tpu.memory_space<vmem>>, vector<1x128xf32>
    %add3A_12 = vector.broadcast %get3A_11 : vector<1x128xf32> to vector<10000x128xf32>
    %add3A_13 = arith.addf %dot_general3A_8, %add3A_12 : vector<10000x128xf32>
    %reduce_sum3A = arith.constant dense<0.000000e+00> : vector<128xf32>
    %reduce_sum3A_14 = vector.multi_reduction <add>, %add3A_13, %reduce_sum3A [0] : vector<10000x128xf32> to vector<128xf32>
    %broadcast_in_dim3A = vector.shape_cast %reduce_sum3A_14 : vector<128xf32> to vector<1x128xf32>
    %div3A = arith.constant 1.000000e+04 : f32
    %div3A_15 = vector.broadcast %div3A : f32 to vector<1x128xf32>
    %div3A_16 = arith.divf %broadcast_in_dim3A, %div3A_15 : vector<1x128xf32>
    %sub3A = vector.broadcast %div3A_16 : vector<1x128xf32> to vector<10000x128xf32>
    %sub3A_17 = arith.subf %add3A_13, %sub3A : vector<10000x128xf32>
    %integer_pow3A = arith.mulf %sub3A_17, %sub3A_17 : vector<10000x128xf32>
    %reduce_sum3A_18 = arith.constant dense<0.000000e+00> : vector<128xf32>
    %reduce_sum3A_19 = vector.multi_reduction <add>, %integer_pow3A, %reduce_sum3A_18 [0] : vector<10000x128xf32> to vector<128xf32>
    %broadcast_in_dim3A_20 = vector.shape_cast %reduce_sum3A_19 : vector<128xf32> to vector<1x128xf32>
    %div3A_21 = arith.constant 1.000000e+04 : f32
    %div3A_22 = vector.broadcast %div3A_21 : f32 to vector<1x128xf32>
    %div3A_23 = arith.divf %broadcast_in_dim3A_20, %div3A_22 : vector<1x128xf32>
    %sub3A_24 = vector.broadcast %div3A_16 : vector<1x128xf32> to vector<10000x128xf32>
    %sub3A_25 = arith.subf %add3A_13, %sub3A_24 : vector<10000x128xf32>
    %add3A_26 = arith.constant 9.99999974E-6 : f32
    %add3A_27 = vector.broadcast %add3A_26 : f32 to vector<1x128xf32>
    %add3A_28 = arith.addf %div3A_23, %add3A_27 : vector<1x128xf32>
    %sqrt3A = math.sqrt %add3A_28 : vector<1x128xf32>
    %div3A_29 = vector.broadcast %sqrt3A : vector<1x128xf32> to vector<10000x128xf32>
    %div3A_30 = arith.divf %sub3A_25, %div3A_29 : vector<10000x128xf32>
    %get3A_31 = arith.constant 0 : index
    %get3A_32 = arith.constant 0 : index
    %get3A_33 = vector.load %arg3[%get3A_31, %get3A_32] : memref<1x128xf32, #tpu.memory_space<vmem>>, vector<1x128xf32>
    %mul3A = vector.broadcast %get3A_33 : vector<1x128xf32> to vector<10000x128xf32>
    %mul3A_34 = arith.mulf %div3A_30, %mul3A : vector<10000x128xf32>
    %get3A_35 = arith.constant 0 : index
    %get3A_36 = arith.constant 0 : index
    %get3A_37 = vector.load %arg4[%get3A_35, %get3A_36] : memref<1x128xf32, #tpu.memory_space<vmem>>, vector<1x128xf32>
    %add3A_38 = vector.broadcast %get3A_37 : vector<1x128xf32> to vector<10000x128xf32>
    %add3A_39 = arith.addf %mul3A_34, %add3A_38 : vector<10000x128xf32>
    %max3A = arith.constant 0.000000e+00 : f32
    %max3A_40 = vector.broadcast %max3A : f32 to vector<10000x128xf32>
    %max3A_41 = arith.maximumf %add3A_39, %max3A_40 : vector<10000x128xf32>
    %get3A_42 = arith.constant 0 : index
    %get3A_43 = arith.constant 0 : index
    %get3A_44 = vector.load %arg5[%get3A_42, %get3A_43] : memref<128x128xf32, #tpu.memory_space<vmem>>, vector<128x128xf32>
    %dot_general3A_45 = arith.constant dense<0.000000e+00> : vector<10000x128xf32>
    %dot_general3A_46 = tpu.matmul %max3A_41, %get3A_44, %dot_general3A_45 {dimension_numbers = #tpu.dot_dimension_numbers<[1], [0], [0], [1], [0, 0, 1, 1], [], []>, transpose_lhs_hint = false} : vector<10000x128xf32>, vector<128x128xf32>, vector<10000x128xf32> -> vector<10000x128xf32>
    %get3A_47 = arith.constant 0 : index
    %get3A_48 = arith.constant 0 : index
    %get3A_49 = vector.load %arg6[%get3A_47, %get3A_48] : memref<1x128xf32, #tpu.memory_space<vmem>>, vector<1x128xf32>
    %add3A_50 = vector.broadcast %get3A_49 : vector<1x128xf32> to vector<10000x128xf32>
    %add3A_51 = arith.addf %dot_general3A_46, %add3A_50 : vector<10000x128xf32>
    %swap3A = arith.constant 0 : index
    %swap3A_52 = arith.constant 0 : index
    %swap3A_53 = vector.load %arg9[%swap3A, %swap3A_52] : memref<10000x128xf32, #tpu.memory_space<vmem>>, vector<10000x128xf32>
    tpu.vector_store %arg9[%swap3A, %swap3A_52], %add3A_51 {strides = array<i32>} : memref<10000x128xf32, #tpu.memory_space<vmem>>, vector<10000x128xf32>,
    return
  }
}

module attributes {stable_mosaic.version = 14 : i64} {
  func.func @_mlp_body(%arg0: memref<20000x128xf32, #tpu.memory_space<vmem>>, %arg1: memref<128x128xf32, #tpu.memory_space<vmem>>, %arg2: memref<1x128xf32, #tpu.memory_space<vmem>>, %arg3: memref<1x128xf32, #tpu.memory_space<vmem>>, %arg4: memref<1x128xf32, #tpu.memory_space<vmem>>, %arg5: memref<128x128xf32, #tpu.memory_space<vmem>>, %arg6: memref<1x128xf32, #tpu.memory_space<vmem>>, %arg7: memref<1x128xf32, #tpu.memory_space<vmem>>, %arg8: memref<1x128xf32, #tpu.memory_space<vmem>>, %arg9: memref<10000x128xf32, #tpu.memory_space<vmem>>) attributes {dimension_semantics = [], scalar_prefetch = 0 : i64, scratch_operands = 0 : i64, tpu.core_type = #tpu.core_type<tc>} {
    %get3A = arith.constant 0 : index
    %get3A_0 = arith.constant 0 : index
    %get3A_1 = vector.load %arg0[%get3A, %get3A_0] : memref<20000x128xf32, #tpu.memory_space<vmem>>, vector<10000x128xf32>
    %get3A_2 = arith.constant 10000 : index
    %get3A_3 = arith.constant 0 : index
    %get3A_4 = vector.load %arg0[%get3A_2, %get3A_3] : memref<20000x128xf32, #tpu.memory_space<vmem>>, vector<10000x128xf32>
    %add3A = arith.addf %get3A_1, %get3A_4 : vector<10000x128xf32>
    %get3A_5 = arith.constant 0 : index
    %get3A_6 = arith.constant 0 : index
    %get3A_7 = vector.load %arg1[%get3A_5, %get3A_6] : memref<128x128xf32, #tpu.memory_space<vmem>>, vector<128x128xf32>
    %dot_general3A = arith.constant dense<0.000000e+00> : vector<10000x128xf32>
    %dot_general3A_8 = tpu.matmul %add3A, %get3A_7, %dot_general3A {dimension_numbers = #tpu.dot_dimension_numbers<[1], [0], [0], [1], [0, 0, 1, 1], [], []>, transpose_lhs_hint = false} : vector<10000x128xf32>, vector<128x128xf32>, vector<10000x128xf32> -> vector<10000x128xf32>
    %get3A_9 = arith.constant 0 : index
    %get3A_10 = arith.constant 0 : index
    %get3A_11 = vector.load %arg2[%get3A_9, %get3A_10] : memref<1x128xf32, #tpu.memory_space<vmem>>, vector<1x128xf32>
    %add3A_12 = vector.broadcast %get3A_11 : vector<1x128xf32> to vector<10000x128xf32>
    %add3A_13 = arith.addf %dot_general3A_8, %add3A_12 : vector<10000x128xf32>
    %reduce_sum3A = arith.constant dense<0.000000e+00> : vector<128xf32>
    %reduce_sum3A_14 = vector.multi_reduction <add>, %add3A_13, %reduce_sum3A [0] : vector<10000x128xf32> to vector<128xf32>
    %broadcast_in_dim3A = vector.shape_cast %reduce_sum3A_14 : vector<128xf32> to vector<1x128xf32>
    %div3A = arith.constant 1.000000e+04 : f32
    %div3A_15 = vector.broadcast %div3A : f32 to vector<1x128xf32>
    %div3A_16 = arith.divf %broadcast_in_dim3A, %div3A_15 : vector<1x128xf32>
    %sub3A = vector.broadcast %div3A_16 : vector<1x128xf32> to vector<10000x128xf32>
    %sub3A_17 = arith.subf %add3A_13, %sub3A : vector<10000x128xf32>
    %integer_pow3A = arith.mulf %sub3A_17, %sub3A_17 : vector<10000x128xf32>
    %reduce_sum3A_18 = arith.constant dense<0.000000e+00> : vector<128xf32>
    %reduce_sum3A_19 = vector.multi_reduction <add>, %integer_pow3A, %reduce_sum3A_18 [0] : vector<10000x128xf32> to vector<128xf32>
    %broadcast_in_dim3A_20 = vector.shape_cast %reduce_sum3A_19 : vector<128xf32> to vector<1x128xf32>
    %div3A_21 = arith.constant 1.000000e+04 : f32
    %div3A_22 = vector.broadcast %div3A_21 : f32 to vector<1x128xf32>
    %div3A_23 = arith.divf %broadcast_in_dim3A_20, %div3A_22 : vector<1x128xf32>
    %sub3A_24 = vector.broadcast %div3A_16 : vector<1x128xf32> to vector<10000x128xf32>
    %sub3A_25 = arith.subf %add3A_13, %sub3A_24 : vector<10000x128xf32>
    %add3A_26 = arith.constant 9.99999974E-6 : f32
    %add3A_27 = vector.broadcast %add3A_26 : f32 to vector<1x128xf32>
    %add3A_28 = arith.addf %div3A_23, %add3A_27 : vector<1x128xf32>
    %sqrt3A = math.sqrt %add3A_28 : vector<1x128xf32>
    %div3A_29 = vector.broadcast %sqrt3A : vector<1x128xf32> to vector<10000x128xf32>
    %div3A_30 = arith.divf %sub3A_25, %div3A_29 : vector<10000x128xf32>
    %get3A_31 = arith.constant 0 : index
    %get3A_32 = arith.constant 0 : index
    %get3A_33 = vector.load %arg3[%get3A_31, %get3A_32] : memref<1x128xf32, #tpu.memory_space<vmem>>, vector<1x128xf32>
    %mul3A = vector.broadcast %get3A_33 : vector<1x128xf32> to vector<10000x128xf32>
    %mul3A_34 = arith.mulf %div3A_30, %mul3A : vector<10000x128xf32>
    %get3A_35 = arith.constant 0 : index
    %get3A_36 = arith.constant 0 : index
    %get3A_37 = vector.load %arg4[%get3A_35, %get3A_36] : memref<1x128xf32, #tpu.memory_space<vmem>>, vector<1x128xf32>
    %add3A_38 = vector.broadcast %get3A_37 : vector<1x128xf32> to vector<10000x128xf32>
    %add3A_39 = arith.addf %mul3A_34, %add3A_38 : vector<10000x128xf32>
    %max3A = arith.constant 0.000000e+00 : f32
    %max3A_40 = vector.broadcast %max3A : f32 to vector<10000x128xf32>
    %max3A_41 = arith.maximumf %add3A_39, %max3A_40 : vector<10000x128xf32>
    %get3A_42 = arith.constant 0 : index
    %get3A_43 = arith.constant 0 : index
    %get3A_44 = vector.load %arg5[%get3A_42, %get3A_43] : memref<128x128xf32, #tpu.memory_space<vmem>>, vector<128x128xf32>
    %dot_general3A_45 = arith.constant dense<0.000000e+00> : vector<10000x128xf32>
    %dot_general3A_46 = tpu.matmul %max3A_41, %get3A_44, %dot_general3A_45 {dimension_numbers = #tpu.dot_dimension_numbers<[1], [0], [0], [1], [0, 0, 1, 1], [], []>, transpose_lhs_hint = false} : vector<10000x128xf32>, vector<128x128xf32>, vector<10000x128xf32> -> vector<10000x128xf32>
    %get3A_47 = arith.constant 0 : index
    %get3A_48 = arith.constant 0 : index
    %get3A_49 = vector.load %arg6[%get3A_47, %get3A_48] : memref<1x128xf32, #tpu.memory_space<vmem>>, vector<1x128xf32>
    %add3A_50 = vector.broadcast %get3A_49 : vector<1x128xf32> to vector<10000x128xf32>
    %add3A_51 = arith.addf %dot_general3A_46, %add3A_50 : vector<10000x128xf32>
    %reduce_sum3A_52 = arith.constant dense<0.000000e+00> : vector<128xf32>
    %reduce_sum3A_53 = vector.multi_reduction <add>, %add3A_51, %reduce_sum3A_52 [0] : vector<10000x128xf32> to vector<128xf32>
    %broadcast_in_dim3A_54 = vector.shape_cast %reduce_sum3A_53 : vector<128xf32> to vector<1x128xf32>
    %div3A_55 = arith.constant 1.000000e+04 : f32
    %div3A_56 = vector.broadcast %div3A_55 : f32 to vector<1x128xf32>
    %div3A_57 = arith.divf %broadcast_in_dim3A_54, %div3A_56 : vector<1x128xf32>
    %sub3A_58 = vector.broadcast %div3A_57 : vector<1x128xf32> to vector<10000x128xf32>
    %sub3A_59 = arith.subf %add3A_51, %sub3A_58 : vector<10000x128xf32>
    %integer_pow3A_60 = arith.mulf %sub3A_59, %sub3A_59 : vector<10000x128xf32>
    %reduce_sum3A_61 = arith.constant dense<0.000000e+00> : vector<128xf32>
    %reduce_sum3A_62 = vector.multi_reduction <add>, %integer_pow3A_60, %reduce_sum3A_61 [0] : vector<10000x128xf32> to vector<128xf32>
    %broadcast_in_dim3A_63 = vector.shape_cast %reduce_sum3A_62 : vector<128xf32> to vector<1x128xf32>
    %div3A_64 = arith.constant 1.000000e+04 : f32
    %div3A_65 = vector.broadcast %div3A_64 : f32 to vector<1x128xf32>
    %div3A_66 = arith.divf %broadcast_in_dim3A_63, %div3A_65 : vector<1x128xf32>
    %sub3A_67 = vector.broadcast %div3A_57 : vector<1x128xf32> to vector<10000x128xf32>
    %sub3A_68 = arith.subf %add3A_51, %sub3A_67 : vector<10000x128xf32>
    %add3A_69 = arith.constant 9.99999974E-6 : f32
    %add3A_70 = vector.broadcast %add3A_69 : f32 to vector<1x128xf32>
    %add3A_71 = arith.addf %div3A_66, %add3A_70 : vector<1x128xf32>
    %sqrt3A_72 = math.sqrt %add3A_71 : vector<1x128xf32>
    %div3A_73 = vector.broadcast %sqrt3A_72 : vector<1x128xf32> to vector<10000x128xf32>
    %div3A_74 = arith.divf %sub3A_68, %div3A_73 : vector<10000x128xf32>
    %get3A_75 = arith.constant 0 : index
    %get3A_76 = arith.constant 0 : index
    %get3A_77 = vector.load %arg7[%get3A_75, %get3A_76] : memref<1x128xf32, #tpu.memory_space<vmem>>, vector<1x128xf32>
    %mul3A_78 = vector.broadcast %get3A_77 : vector<1x128xf32> to vector<10000x128xf32>
    %mul3A_79 = arith.mulf %div3A_74, %mul3A_78 : vector<10000x128xf32>
    %get3A_80 = arith.constant 0 : index
    %get3A_81 = arith.constant 0 : index
    %get3A_82 = vector.load %arg8[%get3A_80, %get3A_81] : memref<1x128xf32, #tpu.memory_space<vmem>>, vector<1x128xf32>
    %add3A_83 = vector.broadcast %get3A_82 : vector<1x128xf32> to vector<10000x128xf32>
    %add3A_84 = arith.addf %mul3A_79, %add3A_83 : vector<10000x128xf32>
    %max3A_85 = arith.constant 0.000000e+00 : f32
    %max3A_86 = vector.broadcast %max3A_85 : f32 to vector<10000x128xf32>
    %max3A_87 = arith.maximumf %add3A_84, %max3A_86 : vector<10000x128xf32>
    %swap3A = arith.constant 0 : index
    %swap3A_88 = arith.constant 0 : index
    %swap3A_89 = vector.load %arg9[%swap3A, %swap3A_88] : memref<10000x128xf32, #tpu.memory_space<vmem>>, vector<10000x128xf32>
    tpu.vector_store %arg9[%swap3A, %swap3A_88], %max3A_87 {strides = array<i32>} : memref<10000x128xf32, #tpu.memory_space<vmem>>, vector<10000x128xf32>,
    return
  }
}

</mosaic_0001>

<sc_bundles>
// kernel: kernel.6.cloned.1.call-start
scs
__scs_entry_jumppad:
0x0: {  	(pc) =	sbr.rel $0x88, $3  }
0x1: {  	(tag) =	ssettag $0x0;
	lr =	simm.s32 $0x1  }
0x2: {  	[smem:$0x3F91] =	sst lr;
	_ =	strace $0xD0000000  }
0x3: {  	_ = 	snop  }
0x4: {  	_ = 	snop  }
0x5: {  	_ = 	snop  }
0x6: {  	_ = 	snop  }
0x7: {  	_ = 	snop  }
__scs_overlays_trampoline_lowered:
0x8: {  	[smem:$0x3FA0] =	sst s0  }
0x9: {  	[smem:$0x3FA1] =	sst s1  }
0xa: {  	[smem:$0x3FA2] =	sst s2  }
0xb: {  	[smem:$0x3FA3] =	sst s3  }
0xc: {  	[smem:$0x3FA4] =	sst s4  }
0xd: {  	[smem:$0x3FA5] =	sst s5  }
0xe: {  	[smem:$0x3FA6] =	sst s6  }
0xf: {  	[smem:$0x3FA7] =	sst s7  }
0x10: {  	[smem:$0x3FA8] =	sst s8  }
0x11: {  	[smem:$0x3FA9] =	sst s9;
	s0 =	simm.s32 @!p0 $0x0  }
0x12: {  	s1 =	sld [smem:$0x3F8F];
	s0 =	simm.s32 @p0 $0x1  }
0x13: {  	[smem:$0x3FAA] =	sst s0;
	s0 =	simm.s32 @!p1 $0x0  }
0x14: {  	s2 =	sld [smem:$0x3F8E];
	s0 =	simm.s32 @p1 $0x1  }
0x15: {  	[smem:$0x3FAB] =	sst s0;
	s0 =	simm.s32 @!p2 $0x0  }
0x16: {  	s3 =	sld [smem:$0x3FDB];
	s0 =	simm.s32 @p2 $0x1  }
0x17: {  	s4 =	simm.s32 $0x1BF5;
	[smem:$0x3FAD] =	sst s0  }
0x18: {  	s0 =	sld [smem:$0x3F90];
	_ =	swait.ge [sflag:s4], $0x0  }
0x19: {  	s7 =	sld [smem:$0x3F91]  }
0x1a: {  	s8 =	sadd.s32 $0xFFFFE003, lr  }
0x1b: {  	s9 =	sadd.s32 $0xFFFFFEF7, lr;
	s5 =	simm.s32 $0xFFFFFFFF;
	p2 =	slt.u32 s8, $0xFFFFF086  }
0x1c: {  	p1 =	slt.u32 s9, $0xF7A;
	s5 =	simm.s32 @!p2 $0x0  }
0x1d: {  	s5 =	simm.s32 @p1 $0x1;
	p0 =	seq.s32 s7, s2  }
0x1e: {  	s7 =	smul.u32 @!p0 $0xF7A, s2;
	p2 =	seq.s32 @!p0 s5, $0x0  }
0x1f: {  	s9 =	smul.u32 $0xF7A, s1;
	s8 =	simm.s32 @!p0 $0x1BF5;
	p2 =	por !p2, p0  }
0x20: {  	[sflag:s8] =	ssyncset.s32 @!p0 $0xFFFFF086;
	s6 =	sadd.s32 @!p0 s3, s7;
	s7 =	simm.s32 @!p0 $0x108  }
0x21: {  	s3 =	sadd.s32 s3, s9;
	s6 =	sadd.s32 @!p0 $0x88, s6;
	s7 =	simm.s32 @p2 $0x1082  }
0x22: {  	[simem:s7], [sflag:s8] =	dma.local @!p0 [hbm:s6], $0xF7A  }
0x23: {  	s9 =	sor.u32 $0xD0000000, s2;
	s6 =	simm.s32 $0x108;
	_ =	swait.ge @!p0 [sflag:s8], $0x0  }
0x24: {  	s3 =	sadd.s32 $0x88, s3;
	s6 =	simm.s32 @!p1 $0x1082;
	[sflag:s4] =	ssyncset.s32 $0xFFFFF086  }
0x25: {  	[simem:s6], [sflag:s4] =	dma.local [hbm:s3], $0xF7A  }
0x26: {  	[smem:$0x3F91] =	sst s1;
	(tag) =	ssettag s2;
	_ =	strace s9  }
0x27: {  	s1 =	sld [smem:$0x3FA1]  }
0x28: {  	s2 =	sld [smem:$0x3FA2]  }
0x29: {  	s4 =	sld [smem:$0x3FA4]  }
0x2a: {  	p0 =	seq.s32 s5, $0x0;
	s5 =	sld [smem:$0x3FA5]  }
0x2b: {  	s6 =	sld [smem:$0x3FA6]  }
0x2c: {  	s7 =	sld [smem:$0x3FA7]  }
0x2d: {  	s3 =	simm.s32 $0x108;
	s8 =	sld [smem:$0x3FA8]  }
0x2e: {  	s3 =	simm.s32 @!p0 $0x1082;
	s9 =	sld [smem:$0x3FA9]  }
0x2f: {  	lr =	sadd.s32 s0, s3;
	s0 =	sld [smem:$0x3FA0]  }
0x30: {  	s3 =	sld [smem:$0x3FA3]  }
0x31: {  	[smem:$0x3FAC] =	sst s10  }
0x32: {  	s10 =	sld [smem:$0x3FAA];
	_ =	sdelay $0x3  }
0x33: {  	p0 =	seq.s32 s10, $0x1;
	s10 =	sld [smem:$0x3FAC];
	_ =	sdelay $0x3  }
0x34: {  	[smem:$0x3FAC] =	sst s10  }
0x35: {  	s10 =	sld [smem:$0x3FAB];
	_ =	sdelay $0x3  }
0x36: {  	p1 =	seq.s32 s10, $0x1;
	s10 =	sld [smem:$0x3FAC];
	_ =	sdelay $0x3  }
0x37: {  	[smem:$0x3FAC] =	sst s10  }
0x38: {  	s10 =	sld [smem:$0x3FAD]  }
0x39: {  	_ = 	snop;
	(pc) =	sbr.ind lr, $3  }
0x3a: {  	_ = 	snop  }
0x3b: {  	_ = 	snop  }
0x3c: {  	p2 =	seq.s32 s10, $0x1;
	s10 =	sld [smem:$0x3FAC]  }
0x3d: {  	_ =	shalt  }
0x3e: {  	_ =	shalt  }
0x3f: {  	_ =	shalt  }
0x40: {  	_ =	shalt  }
0x41: {  	_ =	shalt  }
0x42: {  	_ =	shalt  }
0x43: {  	_ =	shalt  }
0x44: {  	_ =	shalt  }
0x45: {  	_ =	shalt  }
0x46: {  	_ =	shalt  }
0x47: {  	_ =	shalt  }
0x48: {  	_ =	shalt  }
0x49: {  	_ =	shalt  }
0x4a: {  	_ =	shalt  }
0x4b: {  	_ =	shalt  }
0x4c: {  	_ =	shalt  }
0x4d: {  	_ =	shalt  }
0x4e: {  	_ =	shalt  }
0x4f: {  	_ =	shalt  }
0x50: {  	_ =	shalt  }
0x51: {  	_ =	shalt  }
0x52: {  	_ =	shalt  }
0x53: {  	_ =	shalt  }
0x54: {  	_ =	shalt  }
0x55: {  	_ =	shalt  }
0x56: {  	_ =	shalt  }
0x57: {  	_ =	shalt  }
0x58: {  	_ =	shalt  }
0x59: {  	_ =	shalt  }
0x5a: {  	_ =	shalt  }
0x5b: {  	_ =	shalt  }
0x5c: {  	_ =	shalt  }
0x5d: {  	_ =	shalt  }
0x5e: {  	_ =	shalt  }
0x5f: {  	_ =	shalt  }
0x60: {  	_ =	shalt  }
0x61: {  	_ =	shalt  }
0x62: {  	_ =	shalt  }
0x63: {  	_ =	shalt  }
0x64: {  	_ =	shalt  }
0x65: {  	_ =	shalt  }
0x66: {  	_ =	shalt  }
0x67: {  	_ =	shalt  }
0x68: {  	_ =	shalt  }
0x69: {  	_ =	shalt  }
0x6a: {  	_ =	shalt  }
0x6b: {  	_ =	shalt  }
0x6c: {  	_ =	shalt  }
0x6d: {  	_ =	shalt  }
0x6e: {  	_ =	shalt  }
0x6f: {  	_ =	shalt  }
0x70: {  	_ =	shalt  }
0x71: {  	_ =	shalt  }
0x72: {  	_ =	shalt  }
0x73: {  	_ =	shalt  }
0x74: {  	_ =	shalt  }
0x75: {  	_ =	shalt  }
0x76: {  	_ =	shalt  }
0x77: {  	_ =	shalt  }
0x78: {  	_ =	shalt  }
0x79: {  	_ =	shalt  }
0x7a: {  	_ =	shalt  }
0x7b: {  	_ =	shalt  }
0x7c: {  	_ =	shalt  }
0x7d: {  	_ =	shalt  }
0x7e: {  	_ =	shalt  }
0x7f: {  	_ =	shalt  }
0x80: {  	_ =	shalt  }
0x81: {  	_ =	shalt  }
0x82: {  	_ =	shalt  }
0x83: {  	_ =	shalt  }
0x84: {  	_ =	shalt  }
0x85: {  	_ =	shalt  }
0x86: {  	_ =	shalt  }
0x87: {  	_ =	shalt  }
.Lfunc_end0:
.L_simem_size_0:
called_computation_lowered:
.L_overlay_start_0:
0x88: {  	s2 =	sld [smem:$0x3FD9]  }
0x89: {  	s3 =	sld [smem:$0x3FFE];
	_ =	sdelay $0x1  }
0x8a: {  	s1 =	srdreg.scid  }
0x8b: {  	s0 =	sand.u32 $0x1, s1  }
0x8c: {  	s17 =	sshll.u32 s0, $0xA;
	s2 =	sadd.s32 s3, s2  }
0x8d: {  	s2 =	sadd.s32 s2, s17  }
0x8e: {  	[smem:$0x3FB8] =	sst s2  }
0x8f: {  	_ = 	snop  }
0x90: {  	s2 =	sld [smem:$0x3FC9];
	(tm) =	ssettm $0x1  }
0x91: {  	s18 =	sld [smem:$0x3FFB];
	_ =	sdelay $0x3  }
0x92: {  	_ =	strace s18  }
0x93: {  	s3 =	sld [smem:$0x3FFC];
	_ =	sdelay $0x3  }
0x94: {  	_ =	strace s3  }
0x95: {  	s3 =	sld [smem:$0x3FFD];
	_ =	sdelay $0x3  }
0x96: {  	_ =	strace s3  }
0x97: {  	_ =	strace $0x8FFFFFFF  }
0x98: {  	s19 =	sld [smem:$0x3FDB];
	_ =	sdelay $0x1  }
0x99: {  	s4 =	simm.s32 $_scs_section_size  }
0x9a: {  	s5 =	simm.s32 $_size__tile_overlayer_lowered;
	s6 =	simm.s32 $_tile_overlayer_lowered  }
0x9b: {  	s22 =	simm.s32 $0x1BFF;
	s21 =	sshll.u32 s6, $0x1;
	s3 =	sadd.s32 s4, s19  }
0x9c: {  	s7 =	simm.s32 $0x0;
	s20 =	sshll.u32 s5, $0x1;
	s5 =	sadd.s32 s21, s3  }
0x9d: {  	[timem:s7], [sflag:s22] =	dma.local [hbm:s5], s20  }
0x9e: {  	_ =	swait.ge [sflag:s22], s20  }
0x9f: {  	s4 =	ssub.s32 $0x0, s20;
	[sflag:s22] =	ssyncset.done $0x0  }
0xa0: {  	[sflag:s22] =	ssyncadd.s32 s4;
	_ =	sdelay $0x1  }
0xa1: {  	s23 =	simm.s32 $0x1B8B  }
0xa2: {  	_ =	swait.ge [sflag:s23], $0x1  }
0xa3: {  	[sflag:s23] =	ssyncset.done $0x0  }
0xa4: {  	s25 =	simm.s32 $0x1B8E;
	s24 =	sld [smem:$0x3FFE];
	[sflag:s23] =	ssyncadd.s32 $0xFFFFFFFF  }
0xa5: {  	s26 =	simm.s32 $execute0_lowered;
	[smem:$0x3FD2] =	sst s25  }
0xa6: {  	s5 =	sshll.u32 s26, $0x1;
	_ =	strace $0x80000046;
	[dreg:$0x1] =	wrdreg $0xFFFFFFFF  }
0xa7: {  	s28 =	simm.s32 $_size_execute0_lowered;
	s3 =	sadd.s32 s3, s5;
	[dreg:$0x0] =	wrdreg $0x0  }
0xa8: {  	s5 =	sshll.u32 s28, $0x1;
	[dreg:$0x2] =	wrdreg s3  }
0xa9: {  	[dreg:$0x3] =	wrdreg s5  }
0xaa: {  	[dreg:$0x4] =	wrdreg $0xC0  }
0xab: {  	_ =	task [dreg:s7], $0x5FFFF  }
0xac: {  	[dreg:$0x1] =	wrdreg $0xFFFFFFFF  }
0xad: {  	[dreg:$0x0] =	wrdreg $0x60  }
0xae: {  	[dreg:$0x2] =	wrdreg s2  }
0xaf: {  	[dreg:$0x3] =	wrdreg s24  }
0xb0: {  	[dreg:$0x4] =	wrdreg $0x0  }
0xb1: {  	[dreg:$0x5] =	wrdreg $0x9  }
0xb2: {  	_ =	task.clear_ibuf [dreg:s7], $0x6FFFF;
	_ =	strace $0x90000046  }
0xb3: {  	s29 =	simm.s32 $0x9;
	_ =	strace $0x80000048  }
0xb4: {  	_ =	swait.ge [sflag:s29], $0x1  }
0xb5: {  	[sflag:s29] =	ssyncadd.s32 $0xFFFFFFFF  }
0xb6: {  	_ =	strace $0x90000048  }
0xb7: {  	_ =	sfence  }
0xb8: {  	s30 =	sld [smem:$0x0];
	_ =	sdelay $0x2  }
0xb9: {  	s31 =	sshll.u32 s1, $0xD;
	s1 =	sshrl.u32 s1, $0x2  }
0xba: {  	s3 =	sand.u32 $0x4000, s31;
	s1 =	sadd.s32 s1, s30  }
0xbb: {  	s0 =	sor.u32 s3, s0;
	s1 =	sshll.u32 s1, $0x11  }
0xbc: {  	s0 =	sor.u32 s1, s0  }
0xbd: {  	s0 =	sadd.s32 $0x8F2B, s0  }
0xbe: {  	[sflag:s0] =	ssyncadd.remote.s32 $0x1  }
0xbf: {  	_ =	sfence.sel $0xFFFF  }
0xc0: {  	[dreg:$0x0] =	wrdreg $0xFFFFFFFF;
	(pc) =	sbr.abs _section_cstart, $3  }
0xc1: {  	[dreg:$0x1] =	wrdreg $0xFFFFFFFF  }
0xc2: {  	_ =	task.clear_ibuf [dreg:s7], $0x2FFFF;
	_ =	strace $0x9FFFFFFF  }
0xc3: {  	(tm) =	ssettm $0x7FFFFFFF  }
tec
execute0_lowered:
.L_overlay_start_1:
0x0: {  	(tag) =	ssettag $0x1  }
0x1: {  	s1 =	rddreg [dreg:$0x0]  }
0x2: {  	s2 =	srdreg.scid;
	s5 =	rddreg [dreg:$0x1]  }
0x3: {  	s0 =	stileid.u32;
	s3 =	rddreg [dreg:$0x2];
	s28 =	simm.s32 $0x1A080  }
0x4: {  	s29 =	simm.s32 $0x1;
	s30 =	simm.s32 $0x2;
	s31 =	simm.s32 $0x15F80  }
0x5: {  	s2 =	sand.u32 $0x1, s2;
	s4 =	sshll.u32 s0, $0x1;
	s7 =	smul.u32 $0x4E000, s0  }
0x6: {  	s8 =	sadd.s32 $0x16A00, s5;
	s10 =	smul.u32 $0x2700, s0;
	s11 =	sadd.s32 $0x27000, s1  }
0x7: {  	s6 =	sor.u32 s2, s4;
	s4 =	simm.s32 $0x0;
	s24 =	smul.u32 $0x27100, s2  }
0x8: {  	s20 =	ssub.s32 $0x2, s2;
	p0 =	seq.s32 s2, $0x1;
	s2 =	smul.u32 $0x138800, s2  }
0x9: {  	p1 =	sne.s32 s0, $0xF;
	s6 =	smul.u32 $0x2800, s6;
	[smem:$0x7FF] =	sst s4  }
0xa: {  	s9 =	sshrl.u32 s20, $0x1;
	s7 =	sshrl.u32 s7, $0x2;
	s21 =	sadd.s32 s1, s10  }
0xb: {  	_ =	strace $0x80000047;
	s9 =	ssub.s32 s20, s9;
	[dreg:$0x4] =	wrdreg s21  }
0xc: {  	[dreg:$0x5] =	wrdreg s11;
	s10 =	sadd.s32 s10, s24;
	s2 =	sshrl.u32 s2, $0x3  }
0xd: {  	s21 =	simm.s32 $0x16080;
	s24 =	simm.s32 $0x14C80;
	s6 =	sshrl.u32 s6, $0x3  }
0xe: {  	s18 =	sadd.s32 s8, s10;
	s2 =	sadd.s32 s8, s2;
	s20 =	smax.u32 s9, $0x1  }
0xf: {  	s6 =	sadd.s32 s6, s5;
	s5 =	sadd.s32 s7, s3;
	s7 =	sadd.s32 $0x138000, s3  }
0x10: {  	s19 =	sadd.s32 $0x27000, s2;
	s2 =	simm.s32 $0x16000;
	s22 =	sadd.s32 $0x3C00, s5  }
0x11: {  	s23 =	sadd.s32 $0x7800, s5;
	s12 =	sadd.s32 $0xB400, s5;
	[dreg:$0x6] =	wrdreg s22  }
0x12: {  	s25 =	sadd.s32 $0xF000, s5;
	s26 =	sadd.s32 $0x12C00, s5;
	[dreg:$0x7] =	wrdreg s23  }
0x13: {  	s14 =	sadd.s32 $0x2A00, s6;
	s15 =	sadd.s32 $0xCA00, s6;
	[dreg:$0x8] =	wrdreg s12  }
0x14: {  	s16 =	sadd.s32 $0x2C80, s6;
	s17 =	sadd.s32 $0xCC80, s6;
	[dreg:$0x9] =	wrdreg s25  }
0x15: {  	s6 =	simm.s32 $0x0;
	[dreg:$0xa] =	wrdreg s26;
	s22 =	simm.s32 $0x3  }
0x16: {  	v0 =	vimm.f32 $0.0e+00;
	s23 =	simm.s32 $0x13880;
	s25 =	simm.s32 $0x7D;
	s26 =	simm.s32 $0x13900  }
.LBB2_1:
.Ltmp0:
0x17: {  	(pc) =	sbr.rel @!p0 .LBB2_2-.Ltmp0, $2  }
0x18: {  	_ =	sdelay $0x2  }
0x19: {  	s8 =	sshrl.u32 @!p1 s7, $0x3  }
0x1a: {  	s9 =	sshll.u32 s4, $0x4  }
0x1b: {  	s10 =	sand.u32 $0xFFFFFF80, s9  }
0x1c: {  	s10 =	ssub.s32 s4, s10  }
0x1d: {  	s9 =	sand.u32 $0x3FFFFF80, s9;
	s10 =	sand.u32 $0xFFFFFF80, s10  }
0x1e: {  	s11 =	sand.u32 $0x70, s4;
	s10 =	sadd.s32 s10, s9  }
0x1f: {  	s9 =	sadd.s32 $0x1, s4;
	s11 =	sor.u32 s11, s10;
	s10 =	simm.s32 $0x0  }
.LBB2_4:
0x20: {  	s12 =	sshll.u32 s9, $0x4;
	p2 =	sne.s32 s9, $0x3BF;
	s9 =	sadd.s32 $0x1, s9;
	[tilespmem:s11+$0x16080] =	vst v0  }
.Ltmp1:
0x21: {  	s10 =	sadd.s32 $0x10, s10;
	s11 =	sand.u32 $0xFFFFFF80, s12;
	(pc) =	sbr.rel @p2 .LBB2_4-.Ltmp1, $4  }
0x22: {  	s11 =	ssub.s32 s10, s11  }
0x23: {  	s12 =	sand.u32 $0x3FFFFF80, s12;
	s11 =	sand.u32 $0xFFFFFF80, s11  }
0x24: {  	s13 =	sand.u32 $0x70, s10;
	s11 =	sadd.s32 s11, s12  }
0x25: {  	s11 =	sor.u32 s13, s11  }
0x26: {  	[tilespmem:s11+$0x16080] =	vst v0  }
0x27: {  	[spmem:s5] =	stream.linear.scatter [tilespmem:s21], [sflag:$0x3], $0x3C00, $0x38;
	[tilespmem:$0x1E080] =	vst v63  }
0x28: {  	_ =	swait.ge [sflag:s22], $0x3C00  }
0x29: {  	[sflag:s22] =	ssyncset.done $0x0  }
0x2a: {  	s9 =	rddreg [dreg:$0x6];
	[sflag:s22] =	ssyncadd.s32 $0xFFFFC400  }
0x2b: {  	[spmem:s9] =	stream.linear.scatter [tilespmem:s21], [sflag:$0x3], $0x3C00, $0x38;
	[tilespmem:$0x1E080] =	vst v63  }
0x2c: {  	_ =	swait.ge [sflag:s22], $0x3C00  }
0x2d: {  	[sflag:s22] =	ssyncset.done $0x0  }
0x2e: {  	s10 =	rddreg [dreg:$0x7];
	[sflag:s22] =	ssyncadd.s32 $0xFFFFC400  }
0x2f: {  	[spmem:s10] =	stream.linear.scatter [tilespmem:s21], [sflag:$0x3], $0x3C00, $0x38;
	[tilespmem:$0x1E080] =	vst v63  }
0x30: {  	_ =	swait.ge [sflag:s22], $0x3C00  }
0x31: {  	[sflag:s22] =	ssyncset.done $0x0  }
0x32: {  	s11 =	rddreg [dreg:$0x8];
	[sflag:s22] =	ssyncadd.s32 $0xFFFFC400  }
0x33: {  	[spmem:s11] =	stream.linear.scatter [tilespmem:s21], [sflag:$0x3], $0x3C00, $0x38;
	[tilespmem:$0x1E080] =	vst v63  }
0x34: {  	_ =	swait.ge [sflag:s22], $0x3C00  }
0x35: {  	[sflag:s22] =	ssyncset.done $0x0  }
0x36: {  	s12 =	rddreg [dreg:$0x9];
	[sflag:s22] =	ssyncadd.s32 $0xFFFFC400  }
0x37: {  	[spmem:s12] =	stream.linear.scatter [tilespmem:s21], [sflag:$0x3], $0x3C00, $0x38;
	[tilespmem:$0x1E080] =	vst v63  }
0x38: {  	_ =	swait.ge [sflag:s22], $0x3C00  }
0x39: {  	[sflag:s22] =	ssyncset.done $0x0  }
0x3a: {  	s13 =	rddreg [dreg:$0xa];
	[sflag:s22] =	ssyncadd.s32 $0xFFFFC400  }
0x3b: {  	[spmem:s13] =	stream.linear.scatter [tilespmem:s21], [sflag:$0x3], $0xC00, $0x38;
	[tilespmem:$0x1E080] =	vst v63  }
0x3c: {  	_ =	swait.ge [sflag:s22], $0xC00  }
0x3d: {  	[sflag:s22] =	ssyncset.done $0x0  }
0x3e: {  	s9 =	simm.s32 @!p1 $0x16080;
	[sflag:s22] =	ssyncadd.s32 $0xFFFFF400  }
0x3f: {  	[spmem:s7] =	stream.linear.scatter @!p1 [tilespmem:s9], [sflag:$0x3], $0x800, $0x38;
	[tilespmem:$0x1E080] =	vst v63  }
.Ltmp2:
0x40: {  	_ = 	snop;
	(pc) =	sbr.rel .LBB2_6-.Ltmp2, $4  }
0x41: {  	s9 =	simm.s32 @!p1 $0x3  }
0x42: {  	_ =	swait.ge @!p1 [sflag:s9], $0x800  }
0x43: {  	[sflag:s9] =	ssyncset.done @!p1 $0x0  }
0x44: {  	[sflag:s9] =	ssyncadd.s32 @!p1 $0xFFFFF800  }
.LBB2_2:
0x45: {  	s9 =	sshll.u32 s0, $0x6  }
0x46: {  	s10 =	sshrl.u32 s5, $0x3;
	s11 =	rddreg [dreg:$0x4];
	s9 =	sor.u32 $0x1C03, s9  }
0x47: {  	[spmem:s10], [sflag:s9] =	dma.local [hbm:s11], $0x2700  }
0x48: {  	_ =	swait.ge [sflag:s22], $0x2700  }
0x49: {  	[sflag:s22] =	ssyncset.done $0x0  }
0x4a: {  	s10 =	rddreg [dreg:$0x5];
	[sflag:s22] =	ssyncadd.s32 $0xFFFFD900  }
0x4b: {  	[spmem:s8], [sflag:s9] =	dma.local @!p1 [hbm:s10], $0x100  }
0x4c: {  	s9 =	simm.s32 @!p1 $0x3  }
0x4d: {  	_ =	swait.ge @!p1 [sflag:s9], $0x100  }
0x4e: {  	[sflag:s9] =	ssyncset.done @!p1 $0x0  }
0x4f: {  	[sflag:s9] =	ssyncadd.s32 @!p1 $0xFFFFFF00  }
.LBB2_6:
0x50: {  	[bflag:$0x0] =	sbarrier.arrive $0xFFFF;
	s9 =	simm.s32 $0x0  }
0x51: {  	[tilespmem:s23], [sflag:$0x3] =	stream.linear.gather [hbm4b:s14+s9], $0x1400, $0x38;
	[tilespmem:$0x1E080] =	vst v63  }
0x52: {  	_ =	swait.ge [sflag:s22], $0x1400  }
0x53: {  	[sflag:s22] =	ssyncset.done $0x0  }
0x54: {  	[sflag:s22] =	ssyncadd.s32 $0xFFFFEC00  }
0x55: {  	[tilespmem:s24], [sflag:$0x3] =	stream.linear.gather [hbm4b:s15+s9], $0x1400, $0x38;
	[tilespmem:$0x1E080] =	vst v63  }
0x56: {  	_ =	swait.ge [sflag:s22], $0x1400  }
0x57: {  	[sflag:s22] =	ssyncset.done $0x0  }
0x58: {  	[sflag:s22] =	ssyncadd.s32 $0xFFFFEC00  }
0x59: {  	[tilespmem:s21], [sflag:$0x1] =	stream.indirect.gather [hbm4b:s1+s25], $0x80, s23, s25, $0xb8;
	[tilespmem:$0x1E080] =	vst v63  }
0x5a: {  	_ = 	snop  }
0x5b: {  	[tilespmem:s28], [sflag:$0x2] =	stream.indirect.gather [hbm4b:s1+s25], $0x80, s26, s25, $0xb8;
	[tilespmem:$0x1E080] =	vst v63  }
0x5c: {  	_ =	swait.ge [sflag:s29], $0x3E80  }
0x5d: {  	[sflag:s29] =	ssyncset.done $0x0  }
0x5e: {  	s11 =	simm.s32 $0x14C80;
	[sflag:s29] =	ssyncadd.s32 $0xFFFFC180  }
0x5f: {  	[spmem:s3] =	stream.indirect.scatter.add.f32 [tilespmem:s21], [sflag:$0x3], $0x80, s11, s25, $0xb8;
	[tilespmem:$0x1E080] =	vst v63  }
0x60: {  	_ =	swait.ge [sflag:s22], $0x3E80  }
0x61: {  	[sflag:s22] =	ssyncset.done $0x0  }
0x62: {  	s12 =	simm.s32 $0x13980;
	[sflag:s22] =	ssyncadd.s32 $0xFFFFC180  }
0x63: {  	[tilespmem:s21], [sflag:$0x1] =	stream.indirect.gather [hbm4b:s1+s25], $0x80, s12, s25, $0xb8;
	[tilespmem:$0x1E080] =	vst v63  }
0x64: {  	_ =	swait.ge [sflag:s30], $0x3E80  }
0x65: {  	[sflag:s30] =	ssyncset.done $0x0  }
0x66: {  	s13 =	simm.s32 $0x14D00;
	[sflag:s30] =	ssyncadd.s32 $0xFFFFC180  }
0x67: {  	[spmem:s3] =	stream.indirect.scatter.add.f32 [tilespmem:s28], [sflag:$0x3], $0x80, s13, s25, $0xb8;
	[tilespmem:$0x1E080] =	vst v63  }
0x68: {  	_ =	swait.ge [sflag:s22], $0x3E80  }
0x69: {  	[sflag:s22] =	ssyncset.done $0x0  }
0x6a: {  	s10 =	simm.s32 $0x13A00;
	s9 =	simm.s32 $0x400;
	[sflag:s22] =	ssyncadd.s32 $0xFFFFC180  }
.LBB2_7:
0x6b: {  	[tilespmem:s28], [sflag:$0x2] =	stream.indirect.gather [hbm4b:s1+s25], $0x80, s10, s25, $0xb8;
	[tilespmem:$0x1E080] =	vst v63  }
0x6c: {  	s10 =	smov.u32 s9  }
0x6d: {  	p2 =	sne.s32 s9, $0x4800;
	s9 =	sadd.s32 $0x400, s9;
	_ =	swait.ge [sflag:s29], $0x3E80  }
0x6e: {  	s10 =	sshra.s32 s10, $0x2;
	[sflag:s29] =	ssyncset.done $0x0  }
0x6f: {  	s11 =	sadd.s32 $0x14C80, s10;
	[sflag:s29] =	ssyncadd.s32 $0xFFFFC180  }
0x70: {  	[spmem:s3] =	stream.indirect.scatter.add.f32 [tilespmem:s21], [sflag:$0x3], $0x80, s11, s25, $0xb8;
	[tilespmem:$0x1E080] =	vst v63  }
0x71: {  	_ =	swait.ge [sflag:s22], $0x3E80  }
0x72: {  	[sflag:s22] =	ssyncset.done $0x0  }
0x73: {  	s11 =	sadd.s32 $0x13980, s10;
	[sflag:s22] =	ssyncadd.s32 $0xFFFFC180  }
0x74: {  	[tilespmem:s21], [sflag:$0x1] =	stream.indirect.gather [hbm4b:s1+s25], $0x80, s11, s25, $0xb8;
	[tilespmem:$0x1E080] =	vst v63  }
0x75: {  	_ =	swait.ge [sflag:s30], $0x3E80  }
0x76: {  	[sflag:s30] =	ssyncset.done $0x0  }
.Ltmp3:
0x77: {  	s11 =	sadd.s32 $0x14D00, s10;
	[sflag:s30] =	ssyncadd.s32 $0xFFFFC180;
	(pc) =	sbr.rel @p2 .LBB2_7-.Ltmp3, $4  }
0x78: {  	[spmem:s3] =	stream.indirect.scatter.add.f32 [tilespmem:s28], [sflag:$0x3], $0x80, s11, s25, $0xb8;
	[tilespmem:$0x1E080] =	vst v63  }
0x79: {  	_ =	swait.ge [sflag:s22], $0x3E80  }
0x7a: {  	[sflag:s22] =	ssyncset.done $0x0  }
0x7b: {  	s10 =	sadd.s32 $0x13A00, s10;
	[sflag:s22] =	ssyncadd.s32 $0xFFFFC180  }
0x7c: {  	[tilespmem:s28], [sflag:$0x2] =	stream.indirect.gather [hbm4b:s1+s25], $0x80, s10, s25, $0xb8;
	[tilespmem:$0x1E080] =	vst v63  }
0x7d: {  	_ =	swait.ge [sflag:s29], $0x3E80  }
0x7e: {  	[sflag:s29] =	ssyncset.done $0x0  }
0x7f: {  	[sflag:s29] =	ssyncadd.s32 $0xFFFFC180  }
0x80: {  	[spmem:s3] =	stream.indirect.scatter.add.f32 [tilespmem:s21], [sflag:$0x3], $0x80, s31, s25, $0xb8;
	[tilespmem:$0x1E080] =	vst v63  }
0x81: {  	_ =	swait.ge [sflag:s22], $0x3E80  }
0x82: {  	[sflag:s22] =	ssyncset.done $0x0  }
0x83: {  	[sflag:s22] =	ssyncadd.s32 $0xFFFFC180  }
0x84: {  	_ =	swait.ge [sflag:s30], $0x3E80  }
0x85: {  	[sflag:s30] =	ssyncset.done $0x0  }
0x86: {  	[sflag:s30] =	ssyncadd.s32 $0xFFFFC180  }
0x87: {  	[spmem:s3] =	stream.indirect.scatter.add.f32 [tilespmem:s28], [sflag:$0x3], $0x80, s2, s25, $0xb8;
	[tilespmem:$0x1E080] =	vst v63  }
0x88: {  	_ =	swait.ge [sflag:s22], $0x3E80  }
0x89: {  	[sflag:s22] =	ssyncset.done $0x0  }
0x8a: {  	s9 =	simm.s32 $0x0;
	[sflag:s22] =	ssyncadd.s32 $0xFFFFC180  }
0x8b: {  	[tilespmem:s23], [sflag:$0x3] =	stream.linear.gather [hbm4b:s16+s9], $0x1400, $0x38;
	[tilespmem:$0x1E080] =	vst v63  }
0x8c: {  	_ =	swait.ge [sflag:s22], $0x1400  }
0x8d: {  	[sflag:s22] =	ssyncset.done $0x0  }
0x8e: {  	[sflag:s22] =	ssyncadd.s32 $0xFFFFEC00  }
0x8f: {  	[tilespmem:s24], [sflag:$0x3] =	stream.linear.gather [hbm4b:s17+s9], $0x1400, $0x38;
	[tilespmem:$0x1E080] =	vst v63  }
0x90: {  	_ =	swait.ge [sflag:s22], $0x1400  }
0x91: {  	[sflag:s22] =	ssyncset.done $0x0  }
0x92: {  	[sflag:s22] =	ssyncadd.s32 $0xFFFFEC00  }
0x93: {  	[tilespmem:s21], [sflag:$0x1] =	stream.indirect.gather [hbm4b:s1+s25], $0x80, s23, s25, $0xb8;
	[tilespmem:$0x1E080] =	vst v63  }
0x94: {  	_ = 	snop  }
0x95: {  	[tilespmem:s28], [sflag:$0x2] =	stream.indirect.gather [hbm4b:s1+s25], $0x80, s26, s25, $0xb8;
	[tilespmem:$0x1E080] =	vst v63  }
0x96: {  	_ =	swait.ge [sflag:s29], $0x3E80  }
0x97: {  	[sflag:s29] =	ssyncset.done $0x0  }
0x98: {  	s11 =	simm.s32 $0x14C80;
	[sflag:s29] =	ssyncadd.s32 $0xFFFFC180  }
0x99: {  	[spmem:s3] =	stream.indirect.scatter.add.f32 [tilespmem:s21], [sflag:$0x3], $0x80, s11, s25, $0xb8;
	[tilespmem:$0x1E080] =	vst v63  }
0x9a: {  	_ =	swait.ge [sflag:s22], $0x3E80  }
0x9b: {  	[sflag:s22] =	ssyncset.done $0x0  }
0x9c: {  	s12 =	simm.s32 $0x13980;
	[sflag:s22] =	ssyncadd.s32 $0xFFFFC180  }
0x9d: {  	[tilespmem:s21], [sflag:$0x1] =	stream.indirect.gather [hbm4b:s1+s25], $0x80, s12, s25, $0xb8;
	[tilespmem:$0x1E080] =	vst v63  }
0x9e: {  	_ =	swait.ge [sflag:s30], $0x3E80  }
0x9f: {  	[sflag:s30] =	ssyncset.done $0x0  }
0xa0: {  	s13 =	simm.s32 $0x14D00;
	[sflag:s30] =	ssyncadd.s32 $0xFFFFC180  }
0xa1: {  	[spmem:s3] =	stream.indirect.scatter.add.f32 [tilespmem:s28], [sflag:$0x3], $0x80, s13, s25, $0xb8;
	[tilespmem:$0x1E080] =	vst v63  }
0xa2: {  	_ =	swait.ge [sflag:s22], $0x3E80  }
0xa3: {  	[sflag:s22] =	ssyncset.done $0x0  }
0xa4: {  	s10 =	simm.s32 $0x13A00;
	s9 =	simm.s32 $0x400;
	[sflag:s22] =	ssyncadd.s32 $0xFFFFC180  }
.LBB2_9:
0xa5: {  	[tilespmem:s28], [sflag:$0x2] =	stream.indirect.gather [hbm4b:s1+s25], $0x80, s10, s25, $0xb8;
	[tilespmem:$0x1E080] =	vst v63  }
0xa6: {  	s10 =	smov.u32 s9  }
0xa7: {  	p2 =	sne.s32 s9, $0x4800;
	s9 =	sadd.s32 $0x400, s9;
	_ =	swait.ge [sflag:s29], $0x3E80  }
0xa8: {  	s10 =	sshra.s32 s10, $0x2;
	[sflag:s29] =	ssyncset.done $0x0  }
0xa9: {  	s11 =	sadd.s32 $0x14C80, s10;
	[sflag:s29] =	ssyncadd.s32 $0xFFFFC180  }
0xaa: {  	[spmem:s3] =	stream.indirect.scatter.add.f32 [tilespmem:s21], [sflag:$0x3], $0x80, s11, s25, $0xb8;
	[tilespmem:$0x1E080] =	vst v63  }
0xab: {  	_ =	swait.ge [sflag:s22], $0x3E80  }
0xac: {  	[sflag:s22] =	ssyncset.done $0x0  }
0xad: {  	s11 =	sadd.s32 $0x13980, s10;
	[sflag:s22] =	ssyncadd.s32 $0xFFFFC180  }
0xae: {  	[tilespmem:s21], [sflag:$0x1] =	stream.indirect.gather [hbm4b:s1+s25], $0x80, s11, s25, $0xb8;
	[tilespmem:$0x1E080] =	vst v63  }
0xaf: {  	_ =	swait.ge [sflag:s30], $0x3E80  }
0xb0: {  	[sflag:s30] =	ssyncset.done $0x0  }
.Ltmp4:
0xb1: {  	s11 =	sadd.s32 $0x14D00, s10;
	[sflag:s30] =	ssyncadd.s32 $0xFFFFC180;
	(pc) =	sbr.rel @p2 .LBB2_9-.Ltmp4, $4  }
0xb2: {  	[spmem:s3] =	stream.indirect.scatter.add.f32 [tilespmem:s28], [sflag:$0x3], $0x80, s11, s25, $0xb8;
	[tilespmem:$0x1E080] =	vst v63  }
0xb3: {  	_ =	swait.ge [sflag:s22], $0x3E80  }
0xb4: {  	[sflag:s22] =	ssyncset.done $0x0  }
0xb5: {  	s10 =	sadd.s32 $0x13A00, s10;
	[sflag:s22] =	ssyncadd.s32 $0xFFFFC180  }
0xb6: {  	[tilespmem:s28], [sflag:$0x2] =	stream.indirect.gather [hbm4b:s1+s25], $0x80, s10, s25, $0xb8;
	[tilespmem:$0x1E080] =	vst v63  }
0xb7: {  	_ =	swait.ge [sflag:s29], $0x3E80  }
0xb8: {  	[sflag:s29] =	ssyncset.done $0x0  }
0xb9: {  	[sflag:s29] =	ssyncadd.s32 $0xFFFFC180  }
0xba: {  	[spmem:s3] =	stream.indirect.scatter.add.f32 [tilespmem:s21], [sflag:$0x3], $0x80, s31, s25, $0xb8;
	[tilespmem:$0x1E080] =	vst v63  }
0xbb: {  	_ =	swait.ge [sflag:s22], $0x3E80  }
0xbc: {  	[sflag:s22] =	ssyncset.done $0x0  }
0xbd: {  	[sflag:s22] =	ssyncadd.s32 $0xFFFFC180  }
0xbe: {  	_ =	swait.ge [sflag:s30], $0x3E80  }
0xbf: {  	[sflag:s30] =	ssyncset.done $0x0  }
0xc0: {  	[sflag:s30] =	ssyncadd.s32 $0xFFFFC180  }
0xc1: {  	[spmem:s3] =	stream.indirect.scatter.add.f32 [tilespmem:s28], [sflag:$0x3], $0x80, s2, s25, $0xb8;
	[tilespmem:$0x1E080] =	vst v63  }
0xc2: {  	_ =	swait.ge [sflag:s22], $0x3E80  }
0xc3: {  	[sflag:s22] =	ssyncset.done $0x0  }
0xc4: {  	s9 =	sshll.u32 s0, $0x6;
	[sflag:s22] =	ssyncadd.s32 $0xFFFFC180  }
0xc5: {  	s13 =	sshrl.u32 s5, $0x3;
	s9 =	sor.u32 $0x1C03, s9;
	[bflag:$0x0] =	sbarrier.arrive $0xFFFF  }
0xc6: {  	[hbm:s18], [sflag:s9] =	dma.local [spmem:s13], $0x2700  }
0xc7: {  	_ =	swait.ge [sflag:s22], $0x2700  }
0xc8: {  	s6 =	sadd.s32 $0x1, s6;
	[sflag:s22] =	ssyncset.done $0x0  }
0xc9: {  	p2 =	sne.s32 s6, s20;
	[sflag:s22] =	ssyncadd.s32 $0xFFFFD900  }
0xca: {  	[hbm:s19], [sflag:s9] =	dma.local @!p1 [spmem:s8], $0x100  }
.Ltmp5:
0xcb: {  	_ = 	snop;
	(pc) =	sbr.rel @p2 .LBB2_1-.Ltmp5, $4  }
0xcc: {  	s8 =	simm.s32 @!p1 $0x3  }
0xcd: {  	_ =	swait.ge @!p1 [sflag:s8], $0x100  }
0xce: {  	[sflag:s8] =	ssyncset.done @!p1 $0x0  }
0xcf: {  	[sflag:s8] =	ssyncadd.s32 @!p1 $0xFFFFFF00  }
0xd0: {  	_ =	sfence.sel $0x180000  }
0xd1: {  	[bflag:$0x0] =	sbarrier.arrive $0xFFFF  }
0xd2: {  	_ =	strace $0x90000047  }
0xd3: {  	[bflag:$0x2] =	sbarrier.arrive $0xFFFF  }
0xd4: {  	p0 =	sne.s32 s0, $0x0;
	s0 =	rddreg [dreg:$0x3]  }
0xd5: {  	s0 =	sadd.s32 @!p0 $0x100000, s0  }
0xd6: {  	[sflag:s0] =	ssyncadd.tile.s32 @!p0 $0x1;
	_ =	shalt  }
.Lfunc_end2:
_tile_overlayer_lowered:
.L_overlay_start_2:
0xd7: {  	(tag) =	ssettag $0x2  }
0xd8: {  	s0 =	rddreg [dreg:$0x0];
	s2 =	stileid.u32  }
0xd9: {  	s1 =	rddreg [dreg:$0x1];
	p0 =	sne.s32 s2, $0x0  }
0xda: {  	s3 =	rddreg [dreg:$0x2];
	[bflag:$0x3] =	sbarrier.arrive $0xFFFF;
	s2 =	simm.s32 @!p0 $0x1C03  }
0xdb: {  	[timem:s3], [sflag:s2] =	dma.local @!p0 [hbm:s0], s1  }
0xdc: {  	s0 =	simm.s32 @!p0 $0x3  }
0xdd: {  	_ =	swait.ge @!p0 [sflag:s0], s1  }
0xde: {  	s1 =	ssub.s32 @!p0 $0x0, s1;
	[sflag:s0] =	ssyncset.done @!p0 $0x0  }
0xdf: {  	[sflag:s0] =	ssyncadd.s32 @!p0 s1  }
0xe0: {  	[bflag:$0x3] =	sbarrier.arrive $0xFFFF  }
0xe1: {  	_ =	shalt  }

// kernel: kernel.9.cloned.1.call-start
scs
__scs_entry_jumppad:
0x0: {  	(pc) =	sbr.rel $0x88, $3  }
0x1: {  	(tag) =	ssettag $0x0;
	lr =	simm.s32 $0x1  }
0x2: {  	[smem:$0x3F91] =	sst lr;
	_ =	strace $0xD0000000  }
0x3: {  	_ = 	snop  }
0x4: {  	_ = 	snop  }
0x5: {  	_ = 	snop  }
0x6: {  	_ = 	snop  }
0x7: {  	_ = 	snop  }
__scs_overlays_trampoline_lowered:
0x8: {  	[smem:$0x3FA0] =	sst s0  }
0x9: {  	[smem:$0x3FA1] =	sst s1  }
0xa: {  	[smem:$0x3FA2] =	sst s2  }
0xb: {  	[smem:$0x3FA3] =	sst s3  }
0xc: {  	[smem:$0x3FA4] =	sst s4  }
0xd: {  	[smem:$0x3FA5] =	sst s5  }
0xe: {  	[smem:$0x3FA6] =	sst s6  }
0xf: {  	[smem:$0x3FA7] =	sst s7  }
0x10: {  	[smem:$0x3FA8] =	sst s8  }
0x11: {  	[smem:$0x3FA9] =	sst s9;
	s0 =	simm.s32 @!p0 $0x0  }
0x12: {  	s1 =	sld [smem:$0x3F8F];
	s0 =	simm.s32 @p0 $0x1  }
0x13: {  	[smem:$0x3FAA] =	sst s0;
	s0 =	simm.s32 @!p1 $0x0  }
0x14: {  	s2 =	sld [smem:$0x3F8E];
	s0 =	simm.s32 @p1 $0x1  }
0x15: {  	[smem:$0x3FAB] =	sst s0;
	s0 =	simm.s32 @!p2 $0x0  }
0x16: {  	s3 =	sld [smem:$0x3FDB];
	s0 =	simm.s32 @p2 $0x1  }
0x17: {  	s4 =	simm.s32 $0x1BF5;
	[smem:$0x3FAD] =	sst s0  }
0x18: {  	s0 =	sld [smem:$0x3F90];
	_ =	swait.ge [sflag:s4], $0x0  }
0x19: {  	s7 =	sld [smem:$0x3F91]  }
0x1a: {  	s8 =	sadd.s32 $0xFFFFE003, lr  }
0x1b: {  	s9 =	sadd.s32 $0xFFFFFEF7, lr;
	s5 =	simm.s32 $0xFFFFFFFF;
	p2 =	slt.u32 s8, $0xFFFFF086  }
0x1c: {  	p1 =	slt.u32 s9, $0xF7A;
	s5 =	simm.s32 @!p2 $0x0  }
0x1d: {  	s5 =	simm.s32 @p1 $0x1;
	p0 =	seq.s32 s7, s2  }
0x1e: {  	s7 =	smul.u32 @!p0 $0xF7A, s2;
	p2 =	seq.s32 @!p0 s5, $0x0  }
0x1f: {  	s9 =	smul.u32 $0xF7A, s1;
	s8 =	simm.s32 @!p0 $0x1BF5;
	p2 =	por !p2, p0  }
0x20: {  	[sflag:s8] =	ssyncset.s32 @!p0 $0xFFFFF086;
	s6 =	sadd.s32 @!p0 s3, s7;
	s7 =	simm.s32 @!p0 $0x108  }
0x21: {  	s3 =	sadd.s32 s3, s9;
	s6 =	sadd.s32 @!p0 $0x88, s6;
	s7 =	simm.s32 @p2 $0x1082  }
0x22: {  	[simem:s7], [sflag:s8] =	dma.local @!p0 [hbm:s6], $0xF7A  }
0x23: {  	s9 =	sor.u32 $0xD0000000, s2;
	s6 =	simm.s32 $0x108;
	_ =	swait.ge @!p0 [sflag:s8], $0x0  }
0x24: {  	s3 =	sadd.s32 $0x88, s3;
	s6 =	simm.s32 @!p1 $0x1082;
	[sflag:s4] =	ssyncset.s32 $0xFFFFF086  }
0x25: {  	[simem:s6], [sflag:s4] =	dma.local [hbm:s3], $0xF7A  }
0x26: {  	[smem:$0x3F91] =	sst s1;
	(tag) =	ssettag s2;
	_ =	strace s9  }
0x27: {  	s1 =	sld [smem:$0x3FA1]  }
0x28: {  	s2 =	sld [smem:$0x3FA2]  }
0x29: {  	s4 =	sld [smem:$0x3FA4]  }
0x2a: {  	p0 =	seq.s32 s5, $0x0;
	s5 =	sld [smem:$0x3FA5]  }
0x2b: {  	s6 =	sld [smem:$0x3FA6]  }
0x2c: {  	s7 =	sld [smem:$0x3FA7]  }
0x2d: {  	s3 =	simm.s32 $0x108;
	s8 =	sld [smem:$0x3FA8]  }
0x2e: {  	s3 =	simm.s32 @!p0 $0x1082;
	s9 =	sld [smem:$0x3FA9]  }
0x2f: {  	lr =	sadd.s32 s0, s3;
	s0 =	sld [smem:$0x3FA0]  }
0x30: {  	s3 =	sld [smem:$0x3FA3]  }
0x31: {  	[smem:$0x3FAC] =	sst s10  }
0x32: {  	s10 =	sld [smem:$0x3FAA];
	_ =	sdelay $0x3  }
0x33: {  	p0 =	seq.s32 s10, $0x1;
	s10 =	sld [smem:$0x3FAC];
	_ =	sdelay $0x3  }
0x34: {  	[smem:$0x3FAC] =	sst s10  }
0x35: {  	s10 =	sld [smem:$0x3FAB];
	_ =	sdelay $0x3  }
0x36: {  	p1 =	seq.s32 s10, $0x1;
	s10 =	sld [smem:$0x3FAC];
	_ =	sdelay $0x3  }
0x37: {  	[smem:$0x3FAC] =	sst s10  }
0x38: {  	s10 =	sld [smem:$0x3FAD]  }
0x39: {  	_ = 	snop;
	(pc) =	sbr.ind lr, $3  }
0x3a: {  	_ = 	snop  }
0x3b: {  	_ = 	snop  }
0x3c: {  	p2 =	seq.s32 s10, $0x1;
	s10 =	sld [smem:$0x3FAC]  }
0x3d: {  	_ =	shalt  }
0x3e: {  	_ =	shalt  }
0x3f: {  	_ =	shalt  }
0x40: {  	_ =	shalt  }
0x41: {  	_ =	shalt  }
0x42: {  	_ =	shalt  }
0x43: {  	_ =	shalt  }
0x44: {  	_ =	shalt  }
0x45: {  	_ =	shalt  }
0x46: {  	_ =	shalt  }
0x47: {  	_ =	shalt  }
0x48: {  	_ =	shalt  }
0x49: {  	_ =	shalt  }
0x4a: {  	_ =	shalt  }
0x4b: {  	_ =	shalt  }
0x4c: {  	_ =	shalt  }
0x4d: {  	_ =	shalt  }
0x4e: {  	_ =	shalt  }
0x4f: {  	_ =	shalt  }
0x50: {  	_ =	shalt  }
0x51: {  	_ =	shalt  }
0x52: {  	_ =	shalt  }
0x53: {  	_ =	shalt  }
0x54: {  	_ =	shalt  }
0x55: {  	_ =	shalt  }
0x56: {  	_ =	shalt  }
0x57: {  	_ =	shalt  }
0x58: {  	_ =	shalt  }
0x59: {  	_ =	shalt  }
0x5a: {  	_ =	shalt  }
0x5b: {  	_ =	shalt  }
0x5c: {  	_ =	shalt  }
0x5d: {  	_ =	shalt  }
0x5e: {  	_ =	shalt  }
0x5f: {  	_ =	shalt  }
0x60: {  	_ =	shalt  }
0x61: {  	_ =	shalt  }
0x62: {  	_ =	shalt  }
0x63: {  	_ =	shalt  }
0x64: {  	_ =	shalt  }
0x65: {  	_ =	shalt  }
0x66: {  	_ =	shalt  }
0x67: {  	_ =	shalt  }
0x68: {  	_ =	shalt  }
0x69: {  	_ =	shalt  }
0x6a: {  	_ =	shalt  }
0x6b: {  	_ =	shalt  }
0x6c: {  	_ =	shalt  }
0x6d: {  	_ =	shalt  }
0x6e: {  	_ =	shalt  }
0x6f: {  	_ =	shalt  }
0x70: {  	_ =	shalt  }
0x71: {  	_ =	shalt  }
0x72: {  	_ =	shalt  }
0x73: {  	_ =	shalt  }
0x74: {  	_ =	shalt  }
0x75: {  	_ =	shalt  }
0x76: {  	_ =	shalt  }
0x77: {  	_ =	shalt  }
0x78: {  	_ =	shalt  }
0x79: {  	_ =	shalt  }
0x7a: {  	_ =	shalt  }
0x7b: {  	_ =	shalt  }
0x7c: {  	_ =	shalt  }
0x7d: {  	_ =	shalt  }
0x7e: {  	_ =	shalt  }
0x7f: {  	_ =	shalt  }
0x80: {  	_ =	shalt  }
0x81: {  	_ =	shalt  }
0x82: {  	_ =	shalt  }
0x83: {  	_ =	shalt  }
0x84: {  	_ =	shalt  }
0x85: {  	_ =	shalt  }
0x86: {  	_ =	shalt  }
0x87: {  	_ =	shalt  }
.Lfunc_end0:
.L_simem_size_0:
called_computation.1_lowered:
.L_overlay_start_0:
0x88: {  	s2 =	sld [smem:$0x3FD9]  }
0x89: {  	s3 =	sld [smem:$0x3FFE];
	_ =	sdelay $0x1  }
0x8a: {  	s1 =	srdreg.scid  }
0x8b: {  	s0 =	sand.u32 $0x1, s1  }
0x8c: {  	s17 =	sshll.u32 s0, $0xA;
	s2 =	sadd.s32 s3, s2  }
0x8d: {  	s2 =	sadd.s32 s2, s17  }
0x8e: {  	[smem:$0x3FB8] =	sst s2  }
0x8f: {  	_ = 	snop  }
0x90: {  	s2 =	sld [smem:$0x3FD0];
	(tm) =	ssettm $0x1  }
0x91: {  	s18 =	sld [smem:$0x3FFB];
	_ =	sdelay $0x3  }
0x92: {  	_ =	strace s18  }
0x93: {  	s3 =	sld [smem:$0x3FFC];
	_ =	sdelay $0x3  }
0x94: {  	_ =	strace s3  }
0x95: {  	s3 =	sld [smem:$0x3FFD];
	_ =	sdelay $0x3  }
0x96: {  	_ =	strace s3  }
0x97: {  	_ =	strace $0x8FFFFFFF  }
0x98: {  	s19 =	sld [smem:$0x3FDB];
	_ =	sdelay $0x1  }
0x99: {  	s4 =	simm.s32 $_scs_section_size  }
0x9a: {  	s5 =	simm.s32 $_size__tile_overlayer_lowered;
	s6 =	simm.s32 $_tile_overlayer_lowered  }
0x9b: {  	s22 =	simm.s32 $0x1BFF;
	s21 =	sshll.u32 s6, $0x1;
	s3 =	sadd.s32 s4, s19  }
0x9c: {  	s7 =	simm.s32 $0x0;
	s20 =	sshll.u32 s5, $0x1;
	s5 =	sadd.s32 s21, s3  }
0x9d: {  	[timem:s7], [sflag:s22] =	dma.local [hbm:s5], s20  }
0x9e: {  	_ =	swait.ge [sflag:s22], s20  }
0x9f: {  	s4 =	ssub.s32 $0x0, s20;
	[sflag:s22] =	ssyncset.done $0x0  }
0xa0: {  	[sflag:s22] =	ssyncadd.s32 s4;
	_ =	sdelay $0x1  }
0xa1: {  	s23 =	simm.s32 $0x1B8B  }
0xa2: {  	_ =	swait.ge [sflag:s23], $0x1  }
0xa3: {  	[sflag:s23] =	ssyncset.done $0x0  }
0xa4: {  	s25 =	simm.s32 $0x1B8E;
	s24 =	sld [smem:$0x3FFE];
	[sflag:s23] =	ssyncadd.s32 $0xFFFFFFFF  }
0xa5: {  	s26 =	simm.s32 $execute0_lowered;
	[smem:$0x3FD2] =	sst s25  }
0xa6: {  	s5 =	sshll.u32 s26, $0x1;
	_ =	strace $0x80000049;
	[dreg:$0x1] =	wrdreg $0xFFFFFFFF  }
0xa7: {  	s28 =	simm.s32 $_size_execute0_lowered;
	s3 =	sadd.s32 s3, s5;
	[dreg:$0x0] =	wrdreg $0x0  }
0xa8: {  	s5 =	sshll.u32 s28, $0x1;
	[dreg:$0x2] =	wrdreg s3  }
0xa9: {  	[dreg:$0x3] =	wrdreg s5  }
0xaa: {  	[dreg:$0x4] =	wrdreg $0xC0  }
0xab: {  	_ =	task [dreg:s7], $0x5FFFF  }
0xac: {  	[dreg:$0x1] =	wrdreg $0xFFFFFFFF  }
0xad: {  	[dreg:$0x0] =	wrdreg $0x60  }
0xae: {  	[dreg:$0x2] =	wrdreg s2  }
0xaf: {  	[dreg:$0x3] =	wrdreg s24  }
0xb0: {  	[dreg:$0x4] =	wrdreg $0x0  }
0xb1: {  	[dreg:$0x5] =	wrdreg $0x9  }
0xb2: {  	_ =	task.clear_ibuf [dreg:s7], $0x6FFFF;
	_ =	strace $0x90000049  }
0xb3: {  	s29 =	simm.s32 $0x9;
	_ =	strace $0x8000004B  }
0xb4: {  	_ =	swait.ge [sflag:s29], $0x1  }
0xb5: {  	[sflag:s29] =	ssyncadd.s32 $0xFFFFFFFF  }
0xb6: {  	_ =	strace $0x9000004B  }
0xb7: {  	_ =	sfence  }
0xb8: {  	s30 =	sld [smem:$0x0];
	_ =	sdelay $0x2  }
0xb9: {  	s31 =	sshll.u32 s1, $0xD;
	s1 =	sshrl.u32 s1, $0x2  }
0xba: {  	s3 =	sand.u32 $0x4000, s31;
	s1 =	sadd.s32 s1, s30  }
0xbb: {  	s0 =	sor.u32 s3, s0;
	s1 =	sshll.u32 s1, $0x11  }
0xbc: {  	s0 =	sor.u32 s1, s0  }
0xbd: {  	s0 =	sadd.s32 $0x8F2B, s0  }
0xbe: {  	[sflag:s0] =	ssyncadd.remote.s32 $0x1  }
0xbf: {  	_ =	sfence.sel $0xFFFF  }
0xc0: {  	[dreg:$0x0] =	wrdreg $0xFFFFFFFF;
	(pc) =	sbr.abs _section_cstart, $3  }
0xc1: {  	[dreg:$0x1] =	wrdreg $0xFFFFFFFF  }
0xc2: {  	_ =	task.clear_ibuf [dreg:s7], $0x2FFFF;
	_ =	strace $0x9FFFFFFF  }
0xc3: {  	(tm) =	ssettm $0x7FFFFFFF  }
tec
execute0_lowered:
.L_overlay_start_1:
0x0: {  	(tag) =	ssettag $0x1  }
0x1: {  	s1 =	rddreg [dreg:$0x0]  }
0x2: {  	s2 =	srdreg.scid;
	s5 =	rddreg [dreg:$0x1]  }
0x3: {  	s0 =	stileid.u32;
	s3 =	rddreg [dreg:$0x2];
	s28 =	simm.s32 $0x1A080  }
0x4: {  	s29 =	simm.s32 $0x1;
	s30 =	simm.s32 $0x2;
	s31 =	simm.s32 $0x15F80  }
0x5: {  	s2 =	sand.u32 $0x1, s2;
	s4 =	sshll.u32 s0, $0x1;
	s7 =	smul.u32 $0x4E000, s0  }
0x6: {  	s8 =	sadd.s32 $0x16A00, s5;
	s10 =	smul.u32 $0x2700, s0;
	s11 =	sadd.s32 $0x27000, s1  }
0x7: {  	s6 =	sor.u32 s2, s4;
	s4 =	simm.s32 $0x0;
	s24 =	smul.u32 $0x27100, s2  }
0x8: {  	s20 =	ssub.s32 $0x2, s2;
	p0 =	seq.s32 s2, $0x1;
	s2 =	smul.u32 $0x138800, s2  }
0x9: {  	p1 =	sne.s32 s0, $0xF;
	s6 =	smul.u32 $0x2800, s6;
	[smem:$0x7FF] =	sst s4  }
0xa: {  	s9 =	sshrl.u32 s20, $0x1;
	s7 =	sshrl.u32 s7, $0x2;
	s21 =	sadd.s32 s1, s10  }
0xb: {  	_ =	strace $0x8000004A;
	s9 =	ssub.s32 s20, s9;
	[dreg:$0x4] =	wrdreg s21  }
0xc: {  	[dreg:$0x5] =	wrdreg s11;
	s10 =	sadd.s32 s10, s24;
	s2 =	sshrl.u32 s2, $0x3  }
0xd: {  	s21 =	simm.s32 $0x16080;
	s24 =	simm.s32 $0x14C80;
	s6 =	sshrl.u32 s6, $0x3  }
0xe: {  	s18 =	sadd.s32 s8, s10;
	s2 =	sadd.s32 s8, s2;
	s20 =	smax.u32 s9, $0x1  }
0xf: {  	s6 =	sadd.s32 s6, s5;
	s5 =	sadd.s32 s7, s3;
	s7 =	sadd.s32 $0x138000, s3  }
0x10: {  	s19 =	sadd.s32 $0x27000, s2;
	s2 =	simm.s32 $0x16000;
	s22 =	sadd.s32 $0x3C00, s5  }
0x11: {  	s23 =	sadd.s32 $0x7800, s5;
	s12 =	sadd.s32 $0xB400, s5;
	[dreg:$0x6] =	wrdreg s22  }
0x12: {  	s25 =	sadd.s32 $0xF000, s5;
	s26 =	sadd.s32 $0x12C00, s5;
	[dreg:$0x7] =	wrdreg s23  }
0x13: {  	s14 =	sadd.s32 $0x2A00, s6;
	s15 =	sadd.s32 $0xCA00, s6;
	[dreg:$0x8] =	wrdreg s12  }
0x14: {  	s16 =	sadd.s32 $0x2C80, s6;
	s17 =	sadd.s32 $0xCC80, s6;
	[dreg:$0x9] =	wrdreg s25  }
0x15: {  	s6 =	simm.s32 $0x0;
	[dreg:$0xa] =	wrdreg s26;
	s22 =	simm.s32 $0x3  }
0x16: {  	v0 =	vimm.f32 $0.0e+00;
	s23 =	simm.s32 $0x13880;
	s25 =	simm.s32 $0x7D;
	s26 =	simm.s32 $0x13900  }
.LBB2_1:
.Ltmp0:
0x17: {  	(pc) =	sbr.rel @!p0 .LBB2_2-.Ltmp0, $2  }
0x18: {  	_ =	sdelay $0x2  }
0x19: {  	s8 =	sshrl.u32 @!p1 s7, $0x3  }
0x1a: {  	s9 =	sshll.u32 s4, $0x4  }
0x1b: {  	s10 =	sand.u32 $0xFFFFFF80, s9  }
0x1c: {  	s10 =	ssub.s32 s4, s10  }
0x1d: {  	s9 =	sand.u32 $0x3FFFFF80, s9;
	s10 =	sand.u32 $0xFFFFFF80, s10  }
0x1e: {  	s11 =	sand.u32 $0x70, s4;
	s10 =	sadd.s32 s10, s9  }
0x1f: {  	s9 =	sadd.s32 $0x1, s4;
	s11 =	sor.u32 s11, s10;
	s10 =	simm.s32 $0x0  }
.LBB2_4:
0x20: {  	s12 =	sshll.u32 s9, $0x4;
	p2 =	sne.s32 s9, $0x3BF;
	s9 =	sadd.s32 $0x1, s9;
	[tilespmem:s11+$0x16080] =	vst v0  }
.Ltmp1:
0x21: {  	s10 =	sadd.s32 $0x10, s10;
	s11 =	sand.u32 $0xFFFFFF80, s12;
	(pc) =	sbr.rel @p2 .LBB2_4-.Ltmp1, $4  }
0x22: {  	s11 =	ssub.s32 s10, s11  }
0x23: {  	s12 =	sand.u32 $0x3FFFFF80, s12;
	s11 =	sand.u32 $0xFFFFFF80, s11  }
0x24: {  	s13 =	sand.u32 $0x70, s10;
	s11 =	sadd.s32 s11, s12  }
0x25: {  	s11 =	sor.u32 s13, s11  }
0x26: {  	[tilespmem:s11+$0x16080] =	vst v0  }
0x27: {  	[spmem:s5] =	stream.linear.scatter [tilespmem:s21], [sflag:$0x3], $0x3C00, $0x38;
	[tilespmem:$0x1E080] =	vst v63  }
0x28: {  	_ =	swait.ge [sflag:s22], $0x3C00  }
0x29: {  	[sflag:s22] =	ssyncset.done $0x0  }
0x2a: {  	s9 =	rddreg [dreg:$0x6];
	[sflag:s22] =	ssyncadd.s32 $0xFFFFC400  }
0x2b: {  	[spmem:s9] =	stream.linear.scatter [tilespmem:s21], [sflag:$0x3], $0x3C00, $0x38;
	[tilespmem:$0x1E080] =	vst v63  }
0x2c: {  	_ =	swait.ge [sflag:s22], $0x3C00  }
0x2d: {  	[sflag:s22] =	ssyncset.done $0x0  }
0x2e: {  	s10 =	rddreg [dreg:$0x7];
	[sflag:s22] =	ssyncadd.s32 $0xFFFFC400  }
0x2f: {  	[spmem:s10] =	stream.linear.scatter [tilespmem:s21], [sflag:$0x3], $0x3C00, $0x38;
	[tilespmem:$0x1E080] =	vst v63  }
0x30: {  	_ =	swait.ge [sflag:s22], $0x3C00  }
0x31: {  	[sflag:s22] =	ssyncset.done $0x0  }
0x32: {  	s11 =	rddreg [dreg:$0x8];
	[sflag:s22] =	ssyncadd.s32 $0xFFFFC400  }
0x33: {  	[spmem:s11] =	stream.linear.scatter [tilespmem:s21], [sflag:$0x3], $0x3C00, $0x38;
	[tilespmem:$0x1E080] =	vst v63  }
0x34: {  	_ =	swait.ge [sflag:s22], $0x3C00  }
0x35: {  	[sflag:s22] =	ssyncset.done $0x0  }
0x36: {  	s12 =	rddreg [dreg:$0x9];
	[sflag:s22] =	ssyncadd.s32 $0xFFFFC400  }
0x37: {  	[spmem:s12] =	stream.linear.scatter [tilespmem:s21], [sflag:$0x3], $0x3C00, $0x38;
	[tilespmem:$0x1E080] =	vst v63  }
0x38: {  	_ =	swait.ge [sflag:s22], $0x3C00  }
0x39: {  	[sflag:s22] =	ssyncset.done $0x0  }
0x3a: {  	s13 =	rddreg [dreg:$0xa];
	[sflag:s22] =	ssyncadd.s32 $0xFFFFC400  }
0x3b: {  	[spmem:s13] =	stream.linear.scatter [tilespmem:s21], [sflag:$0x3], $0xC00, $0x38;
	[tilespmem:$0x1E080] =	vst v63  }
0x3c: {  	_ =	swait.ge [sflag:s22], $0xC00  }
0x3d: {  	[sflag:s22] =	ssyncset.done $0x0  }
0x3e: {  	s9 =	simm.s32 @!p1 $0x16080;
	[sflag:s22] =	ssyncadd.s32 $0xFFFFF400  }
0x3f: {  	[spmem:s7] =	stream.linear.scatter @!p1 [tilespmem:s9], [sflag:$0x3], $0x800, $0x38;
	[tilespmem:$0x1E080] =	vst v63  }
.Ltmp2:
0x40: {  	_ = 	snop;
	(pc) =	sbr.rel .LBB2_6-.Ltmp2, $4  }
0x41: {  	s9 =	simm.s32 @!p1 $0x3  }
0x42: {  	_ =	swait.ge @!p1 [sflag:s9], $0x800  }
0x43: {  	[sflag:s9] =	ssyncset.done @!p1 $0x0  }
0x44: {  	[sflag:s9] =	ssyncadd.s32 @!p1 $0xFFFFF800  }
.LBB2_2:
0x45: {  	s9 =	sshll.u32 s0, $0x6  }
0x46: {  	s10 =	sshrl.u32 s5, $0x3;
	s11 =	rddreg [dreg:$0x4];
	s9 =	sor.u32 $0x1C03, s9  }
0x47: {  	[spmem:s10], [sflag:s9] =	dma.local [hbm:s11], $0x2700  }
0x48: {  	_ =	swait.ge [sflag:s22], $0x2700  }
0x49: {  	[sflag:s22] =	ssyncset.done $0x0  }
0x4a: {  	s10 =	rddreg [dreg:$0x5];
	[sflag:s22] =	ssyncadd.s32 $0xFFFFD900  }
0x4b: {  	[spmem:s8], [sflag:s9] =	dma.local @!p1 [hbm:s10], $0x100  }
0x4c: {  	s9 =	simm.s32 @!p1 $0x3  }
0x4d: {  	_ =	swait.ge @!p1 [sflag:s9], $0x100  }
0x4e: {  	[sflag:s9] =	ssyncset.done @!p1 $0x0  }
0x4f: {  	[sflag:s9] =	ssyncadd.s32 @!p1 $0xFFFFFF00  }
.LBB2_6:
0x50: {  	[bflag:$0x0] =	sbarrier.arrive $0xFFFF;
	s9 =	simm.s32 $0x0  }
0x51: {  	[tilespmem:s23], [sflag:$0x3] =	stream.linear.gather [hbm4b:s14+s9], $0x1400, $0x38;
	[tilespmem:$0x1E080] =	vst v63  }
0x52: {  	_ =	swait.ge [sflag:s22], $0x1400  }
0x53: {  	[sflag:s22] =	ssyncset.done $0x0  }
0x54: {  	[sflag:s22] =	ssyncadd.s32 $0xFFFFEC00  }
0x55: {  	[tilespmem:s24], [sflag:$0x3] =	stream.linear.gather [hbm4b:s15+s9], $0x1400, $0x38;
	[tilespmem:$0x1E080] =	vst v63  }
0x56: {  	_ =	swait.ge [sflag:s22], $0x1400  }
0x57: {  	[sflag:s22] =	ssyncset.done $0x0  }
0x58: {  	[sflag:s22] =	ssyncadd.s32 $0xFFFFEC00  }
0x59: {  	[tilespmem:s21], [sflag:$0x1] =	stream.indirect.gather [hbm4b:s1+s25], $0x80, s23, s25, $0xb8;
	[tilespmem:$0x1E080] =	vst v63  }
0x5a: {  	_ = 	snop  }
0x5b: {  	[tilespmem:s28], [sflag:$0x2] =	stream.indirect.gather [hbm4b:s1+s25], $0x80, s26, s25, $0xb8;
	[tilespmem:$0x1E080] =	vst v63  }
0x5c: {  	_ =	swait.ge [sflag:s29], $0x3E80  }
0x5d: {  	[sflag:s29] =	ssyncset.done $0x0  }
0x5e: {  	s11 =	simm.s32 $0x14C80;
	[sflag:s29] =	ssyncadd.s32 $0xFFFFC180  }
0x5f: {  	[spmem:s3] =	stream.indirect.scatter.add.f32 [tilespmem:s21], [sflag:$0x3], $0x80, s11, s25, $0xb8;
	[tilespmem:$0x1E080] =	vst v63  }
0x60: {  	_ =	swait.ge [sflag:s22], $0x3E80  }
0x61: {  	[sflag:s22] =	ssyncset.done $0x0  }
0x62: {  	s12 =	simm.s32 $0x13980;
	[sflag:s22] =	ssyncadd.s32 $0xFFFFC180  }
0x63: {  	[tilespmem:s21], [sflag:$0x1] =	stream.indirect.gather [hbm4b:s1+s25], $0x80, s12, s25, $0xb8;
	[tilespmem:$0x1E080] =	vst v63  }
0x64: {  	_ =	swait.ge [sflag:s30], $0x3E80  }
0x65: {  	[sflag:s30] =	ssyncset.done $0x0  }
0x66: {  	s13 =	simm.s32 $0x14D00;
	[sflag:s30] =	ssyncadd.s32 $0xFFFFC180  }
0x67: {  	[spmem:s3] =	stream.indirect.scatter.add.f32 [tilespmem:s28], [sflag:$0x3], $0x80, s13, s25, $0xb8;
	[tilespmem:$0x1E080] =	vst v63  }
0x68: {  	_ =	swait.ge [sflag:s22], $0x3E80  }
0x69: {  	[sflag:s22] =	ssyncset.done $0x0  }
0x6a: {  	s10 =	simm.s32 $0x13A00;
	s9 =	simm.s32 $0x400;
	[sflag:s22] =	ssyncadd.s32 $0xFFFFC180  }
.LBB2_7:
0x6b: {  	[tilespmem:s28], [sflag:$0x2] =	stream.indirect.gather [hbm4b:s1+s25], $0x80, s10, s25, $0xb8;
	[tilespmem:$0x1E080] =	vst v63  }
0x6c: {  	s10 =	smov.u32 s9  }
0x6d: {  	p2 =	sne.s32 s9, $0x4800;
	s9 =	sadd.s32 $0x400, s9;
	_ =	swait.ge [sflag:s29], $0x3E80  }
0x6e: {  	s10 =	sshra.s32 s10, $0x2;
	[sflag:s29] =	ssyncset.done $0x0  }
0x6f: {  	s11 =	sadd.s32 $0x14C80, s10;
	[sflag:s29] =	ssyncadd.s32 $0xFFFFC180  }
0x70: {  	[spmem:s3] =	stream.indirect.scatter.add.f32 [tilespmem:s21], [sflag:$0x3], $0x80, s11, s25, $0xb8;
	[tilespmem:$0x1E080] =	vst v63  }
0x71: {  	_ =	swait.ge [sflag:s22], $0x3E80  }
0x72: {  	[sflag:s22] =	ssyncset.done $0x0  }
0x73: {  	s11 =	sadd.s32 $0x13980, s10;
	[sflag:s22] =	ssyncadd.s32 $0xFFFFC180  }
0x74: {  	[tilespmem:s21], [sflag:$0x1] =	stream.indirect.gather [hbm4b:s1+s25], $0x80, s11, s25, $0xb8;
	[tilespmem:$0x1E080] =	vst v63  }
0x75: {  	_ =	swait.ge [sflag:s30], $0x3E80  }
0x76: {  	[sflag:s30] =	ssyncset.done $0x0  }
.Ltmp3:
0x77: {  	s11 =	sadd.s32 $0x14D00, s10;
	[sflag:s30] =	ssyncadd.s32 $0xFFFFC180;
	(pc) =	sbr.rel @p2 .LBB2_7-.Ltmp3, $4  }
0x78: {  	[spmem:s3] =	stream.indirect.scatter.add.f32 [tilespmem:s28], [sflag:$0x3], $0x80, s11, s25, $0xb8;
	[tilespmem:$0x1E080] =	vst v63  }
0x79: {  	_ =	swait.ge [sflag:s22], $0x3E80  }
0x7a: {  	[sflag:s22] =	ssyncset.done $0x0  }
0x7b: {  	s10 =	sadd.s32 $0x13A00, s10;
	[sflag:s22] =	ssyncadd.s32 $0xFFFFC180  }
0x7c: {  	[tilespmem:s28], [sflag:$0x2] =	stream.indirect.gather [hbm4b:s1+s25], $0x80, s10, s25, $0xb8;
	[tilespmem:$0x1E080] =	vst v63  }
0x7d: {  	_ =	swait.ge [sflag:s29], $0x3E80  }
0x7e: {  	[sflag:s29] =	ssyncset.done $0x0  }
0x7f: {  	[sflag:s29] =	ssyncadd.s32 $0xFFFFC180  }
0x80: {  	[spmem:s3] =	stream.indirect.scatter.add.f32 [tilespmem:s21], [sflag:$0x3], $0x80, s31, s25, $0xb8;
	[tilespmem:$0x1E080] =	vst v63  }
0x81: {  	_ =	swait.ge [sflag:s22], $0x3E80  }
0x82: {  	[sflag:s22] =	ssyncset.done $0x0  }
0x83: {  	[sflag:s22] =	ssyncadd.s32 $0xFFFFC180  }
0x84: {  	_ =	swait.ge [sflag:s30], $0x3E80  }
0x85: {  	[sflag:s30] =	ssyncset.done $0x0  }
0x86: {  	[sflag:s30] =	ssyncadd.s32 $0xFFFFC180  }
0x87: {  	[spmem:s3] =	stream.indirect.scatter.add.f32 [tilespmem:s28], [sflag:$0x3], $0x80, s2, s25, $0xb8;
	[tilespmem:$0x1E080] =	vst v63  }
0x88: {  	_ =	swait.ge [sflag:s22], $0x3E80  }
0x89: {  	[sflag:s22] =	ssyncset.done $0x0  }
0x8a: {  	s9 =	simm.s32 $0x0;
	[sflag:s22] =	ssyncadd.s32 $0xFFFFC180  }
0x8b: {  	[tilespmem:s23], [sflag:$0x3] =	stream.linear.gather [hbm4b:s16+s9], $0x1400, $0x38;
	[tilespmem:$0x1E080] =	vst v63  }
0x8c: {  	_ =	swait.ge [sflag:s22], $0x1400  }
0x8d: {  	[sflag:s22] =	ssyncset.done $0x0  }
0x8e: {  	[sflag:s22] =	ssyncadd.s32 $0xFFFFEC00  }
0x8f: {  	[tilespmem:s24], [sflag:$0x3] =	stream.linear.gather [hbm4b:s17+s9], $0x1400, $0x38;
	[tilespmem:$0x1E080] =	vst v63  }
0x90: {  	_ =	swait.ge [sflag:s22], $0x1400  }
0x91: {  	[sflag:s22] =	ssyncset.done $0x0  }
0x92: {  	[sflag:s22] =	ssyncadd.s32 $0xFFFFEC00  }
0x93: {  	[tilespmem:s21], [sflag:$0x1] =	stream.indirect.gather [hbm4b:s1+s25], $0x80, s23, s25, $0xb8;
	[tilespmem:$0x1E080] =	vst v63  }
0x94: {  	_ = 	snop  }
0x95: {  	[tilespmem:s28], [sflag:$0x2] =	stream.indirect.gather [hbm4b:s1+s25], $0x80, s26, s25, $0xb8;
	[tilespmem:$0x1E080] =	vst v63  }
0x96: {  	_ =	swait.ge [sflag:s29], $0x3E80  }
0x97: {  	[sflag:s29] =	ssyncset.done $0x0  }
0x98: {  	s11 =	simm.s32 $0x14C80;
	[sflag:s29] =	ssyncadd.s32 $0xFFFFC180  }
0x99: {  	[spmem:s3] =	stream.indirect.scatter.add.f32 [tilespmem:s21], [sflag:$0x3], $0x80, s11, s25, $0xb8;
	[tilespmem:$0x1E080] =	vst v63  }
0x9a: {  	_ =	swait.ge [sflag:s22], $0x3E80  }
0x9b: {  	[sflag:s22] =	ssyncset.done $0x0  }
0x9c: {  	s12 =	simm.s32 $0x13980;
	[sflag:s22] =	ssyncadd.s32 $0xFFFFC180  }
0x9d: {  	[tilespmem:s21], [sflag:$0x1] =	stream.indirect.gather [hbm4b:s1+s25], $0x80, s12, s25, $0xb8;
	[tilespmem:$0x1E080] =	vst v63  }
0x9e: {  	_ =	swait.ge [sflag:s30], $0x3E80  }
0x9f: {  	[sflag:s30] =	ssyncset.done $0x0  }
0xa0: {  	s13 =	simm.s32 $0x14D00;
	[sflag:s30] =	ssyncadd.s32 $0xFFFFC180  }
0xa1: {  	[spmem:s3] =	stream.indirect.scatter.add.f32 [tilespmem:s28], [sflag:$0x3], $0x80, s13, s25, $0xb8;
	[tilespmem:$0x1E080] =	vst v63  }
0xa2: {  	_ =	swait.ge [sflag:s22], $0x3E80  }
0xa3: {  	[sflag:s22] =	ssyncset.done $0x0  }
0xa4: {  	s10 =	simm.s32 $0x13A00;
	s9 =	simm.s32 $0x400;
	[sflag:s22] =	ssyncadd.s32 $0xFFFFC180  }
.LBB2_9:
0xa5: {  	[tilespmem:s28], [sflag:$0x2] =	stream.indirect.gather [hbm4b:s1+s25], $0x80, s10, s25, $0xb8;
	[tilespmem:$0x1E080] =	vst v63  }
0xa6: {  	s10 =	smov.u32 s9  }
0xa7: {  	p2 =	sne.s32 s9, $0x4800;
	s9 =	sadd.s32 $0x400, s9;
	_ =	swait.ge [sflag:s29], $0x3E80  }
0xa8: {  	s10 =	sshra.s32 s10, $0x2;
	[sflag:s29] =	ssyncset.done $0x0  }
0xa9: {  	s11 =	sadd.s32 $0x14C80, s10;
	[sflag:s29] =	ssyncadd.s32 $0xFFFFC180  }
0xaa: {  	[spmem:s3] =	stream.indirect.scatter.add.f32 [tilespmem:s21], [sflag:$0x3], $0x80, s11, s25, $0xb8;
	[tilespmem:$0x1E080] =	vst v63  }
0xab: {  	_ =	swait.ge [sflag:s22], $0x3E80  }
0xac: {  	[sflag:s22] =	ssyncset.done $0x0  }
0xad: {  	s11 =	sadd.s32 $0x13980, s10;
	[sflag:s22] =	ssyncadd.s32 $0xFFFFC180  }
0xae: {  	[tilespmem:s21], [sflag:$0x1] =	stream.indirect.gather [hbm4b:s1+s25], $0x80, s11, s25, $0xb8;
	[tilespmem:$0x1E080] =	vst v63  }
0xaf: {  	_ =	swait.ge [sflag:s30], $0x3E80  }
0xb0: {  	[sflag:s30] =	ssyncset.done $0x0  }
.Ltmp4:
0xb1: {  	s11 =	sadd.s32 $0x14D00, s10;
	[sflag:s30] =	ssyncadd.s32 $0xFFFFC180;
	(pc) =	sbr.rel @p2 .LBB2_9-.Ltmp4, $4  }
0xb2: {  	[spmem:s3] =	stream.indirect.scatter.add.f32 [tilespmem:s28], [sflag:$0x3], $0x80, s11, s25, $0xb8;
	[tilespmem:$0x1E080] =	vst v63  }
0xb3: {  	_ =	swait.ge [sflag:s22], $0x3E80  }
0xb4: {  	[sflag:s22] =	ssyncset.done $0x0  }
0xb5: {  	s10 =	sadd.s32 $0x13A00, s10;
	[sflag:s22] =	ssyncadd.s32 $0xFFFFC180  }
0xb6: {  	[tilespmem:s28], [sflag:$0x2] =	stream.indirect.gather [hbm4b:s1+s25], $0x80, s10, s25, $0xb8;
	[tilespmem:$0x1E080] =	vst v63  }
0xb7: {  	_ =	swait.ge [sflag:s29], $0x3E80  }
0xb8: {  	[sflag:s29] =	ssyncset.done $0x0  }
0xb9: {  	[sflag:s29] =	ssyncadd.s32 $0xFFFFC180  }
0xba: {  	[spmem:s3] =	stream.indirect.scatter.add.f32 [tilespmem:s21], [sflag:$0x3], $0x80, s31, s25, $0xb8;
	[tilespmem:$0x1E080] =	vst v63  }
0xbb: {  	_ =	swait.ge [sflag:s22], $0x3E80  }
0xbc: {  	[sflag:s22] =	ssyncset.done $0x0  }
0xbd: {  	[sflag:s22] =	ssyncadd.s32 $0xFFFFC180  }
0xbe: {  	_ =	swait.ge [sflag:s30], $0x3E80  }
0xbf: {  	[sflag:s30] =	ssyncset.done $0x0  }
0xc0: {  	[sflag:s30] =	ssyncadd.s32 $0xFFFFC180  }
0xc1: {  	[spmem:s3] =	stream.indirect.scatter.add.f32 [tilespmem:s28], [sflag:$0x3], $0x80, s2, s25, $0xb8;
	[tilespmem:$0x1E080] =	vst v63  }
0xc2: {  	_ =	swait.ge [sflag:s22], $0x3E80  }
0xc3: {  	[sflag:s22] =	ssyncset.done $0x0  }
0xc4: {  	s9 =	sshll.u32 s0, $0x6;
	[sflag:s22] =	ssyncadd.s32 $0xFFFFC180  }
0xc5: {  	s13 =	sshrl.u32 s5, $0x3;
	s9 =	sor.u32 $0x1C03, s9;
	[bflag:$0x0] =	sbarrier.arrive $0xFFFF  }
0xc6: {  	[hbm:s18], [sflag:s9] =	dma.local [spmem:s13], $0x2700  }
0xc7: {  	_ =	swait.ge [sflag:s22], $0x2700  }
0xc8: {  	s6 =	sadd.s32 $0x1, s6;
	[sflag:s22] =	ssyncset.done $0x0  }
0xc9: {  	p2 =	sne.s32 s6, s20;
	[sflag:s22] =	ssyncadd.s32 $0xFFFFD900  }
0xca: {  	[hbm:s19], [sflag:s9] =	dma.local @!p1 [spmem:s8], $0x100  }
.Ltmp5:
0xcb: {  	_ = 	snop;
	(pc) =	sbr.rel @p2 .LBB2_1-.Ltmp5, $4  }
0xcc: {  	s8 =	simm.s32 @!p1 $0x3  }
0xcd: {  	_ =	swait.ge @!p1 [sflag:s8], $0x100  }
0xce: {  	[sflag:s8] =	ssyncset.done @!p1 $0x0  }
0xcf: {  	[sflag:s8] =	ssyncadd.s32 @!p1 $0xFFFFFF00  }
0xd0: {  	_ =	sfence.sel $0x180000  }
0xd1: {  	[bflag:$0x0] =	sbarrier.arrive $0xFFFF  }
0xd2: {  	_ =	strace $0x9000004A  }
0xd3: {  	[bflag:$0x2] =	sbarrier.arrive $0xFFFF  }
0xd4: {  	p0 =	sne.s32 s0, $0x0;
	s0 =	rddreg [dreg:$0x3]  }
0xd5: {  	s0 =	sadd.s32 @!p0 $0x100000, s0  }
0xd6: {  	[sflag:s0] =	ssyncadd.tile.s32 @!p0 $0x1;
	_ =	shalt  }
.Lfunc_end2:
_tile_overlayer_lowered:
.L_overlay_start_2:
0xd7: {  	(tag) =	ssettag $0x2  }
0xd8: {  	s0 =	rddreg [dreg:$0x0];
	s2 =	stileid.u32  }
0xd9: {  	s1 =	rddreg [dreg:$0x1];
	p0 =	sne.s32 s2, $0x0  }
0xda: {  	s3 =	rddreg [dreg:$0x2];
	[bflag:$0x3] =	sbarrier.arrive $0xFFFF;
	s2 =	simm.s32 @!p0 $0x1C03  }
0xdb: {  	[timem:s3], [sflag:s2] =	dma.local @!p0 [hbm:s0], s1  }
0xdc: {  	s0 =	simm.s32 @!p0 $0x3  }
0xdd: {  	_ =	swait.ge @!p0 [sflag:s0], s1  }
0xde: {  	s1 =	ssub.s32 @!p0 $0x0, s1;
	[sflag:s0] =	ssyncset.done @!p0 $0x0  }
0xdf: {  	[sflag:s0] =	ssyncadd.s32 @!p0 s1  }
0xe0: {  	[bflag:$0x3] =	sbarrier.arrive $0xFFFF  }
0xe1: {  	_ =	shalt  }

</sc_bundles>
